<compile_context>
chip_gen: v7x
topology: tpu7x:2x2x1
jax: 0.10.2.dev20260603
libtpu: 0.0.44.dev20260713+nightly
codegen_flags: <defaults>
</compile_context>

<pallas_src>
import functools

import jax
import jax.numpy as jnp
from jax import lax
from jax.experimental import pallas as pl
from jax.experimental.pallas import tpu as pltpu
from jax.experimental.pallas import tpu_sc as plsc

N = 10000
C = 128
K = 32
COUT = 128

NW = 32
NPAD = 10240
NBLK = 512
NBLOCKS = NPAD // NBLK
G = NBLK // 16
IBLK = K * NBLK
NQ = N // 16


def _sc_gather_max_build():
    mesh = plsc.VectorSubcoreMesh(core_axis_name="c", subcore_axis_name="s")

    @functools.partial(
        pl.kernel,
        out_type=jax.ShapeDtypeStruct((NW, 4 * NPAD), jnp.float32),
        mesh=mesh,
        compiler_params=pltpu.CompilerParams(needs_layout_passes=False),
        scratch_types=[
            pltpu.VMEM((N,), jnp.float32),
            pltpu.VMEM((N,), jnp.float32),
            pltpu.VMEM((N,), jnp.int32),
            pltpu.VMEM((N,), jnp.int32),
            pltpu.VMEM((2 * IBLK,), jnp.int32),
            pltpu.VMEM((4 * NPAD,), jnp.float32),
            pltpu.SemaphoreType.DMA((2,)),
        ],
    )
    def sc_kernel(x_hbm, idx_hbm, m_hbm,
                  s0_v, s1_v, p0_v, p1_v, idx_v, m_v, sems):
        t = lax.axis_index("s") * 2 + lax.axis_index("c")

        def issue(blk, bb):
            pltpu.async_copy(idx_hbm.at[blk],
                             idx_v.at[pl.ds(bb * IBLK, IBLK)],
                             sems.at[bb])

        def drain(bb):
            pltpu.make_async_copy(idx_hbm.at[0],
                                  idx_v.at[pl.ds(bb * IBLK, IBLK)],
                                  sems.at[bb]).wait()

        issue(0, 0)
        issue(1, 1)

        def build(p_v):
            def qbody(q, carry):
                qo = q * 16
                w = plsc.pack(s0_v[pl.ds(qo, 16)], s1_v[pl.ds(qo, 16)],
                              format=plsc.PackFormat.INTERLEAVED)
                p_v[pl.ds(qo, 16)] = plsc.bitcast(w, jnp.int32)
                return carry
            lax.fori_loop(0, NQ, qbody, 0)

        pltpu.sync_copy(x_hbm.at[4 * t], s0_v)
        pltpu.sync_copy(x_hbm.at[4 * t + 1], s1_v)
        build(p0_v)
        pltpu.sync_copy(x_hbm.at[4 * t + 2], s0_v)
        pltpu.sync_copy(x_hbm.at[4 * t + 3], s1_v)
        build(p1_v)

        def compute(blk, bb):
            base = bb * IBLK

            def gbody(g, carry):
                goff = g * 16
                acc0 = acc1 = None
                for k in range(K):
                    i_w = idx_v[pl.ds(base + k * NBLK + goff, 16)]
                    i_s = i_w & 0xFFFF
                    i_d = lax.shift_right_logical(i_w, 16)
                    s0 = plsc.load_gather(p0_v, [i_s])
                    d0 = plsc.load_gather(p0_v, [i_d])
                    s1 = plsc.load_gather(p1_v, [i_s])
                    d1 = plsc.load_gather(p1_v, [i_d])
                    v0 = (plsc.bitcast(s0, jnp.bfloat16)
                          - plsc.bitcast(d0, jnp.bfloat16))
                    v1 = (plsc.bitcast(s1, jnp.bfloat16)
                          - plsc.bitcast(d1, jnp.bfloat16))
                    if acc0 is None:
                        acc0, acc1 = v0, v1
                    else:
                        acc0 = jnp.maximum(acc0, v0)
                        acc1 = jnp.maximum(acc1, v1)
                ca, cb = plsc.unpack(acc0,
                                     format=plsc.PackFormat.INTERLEAVED)
                cc, cd = plsc.unpack(acc1,
                                     format=plsc.PackFormat.INTERLEAVED)
                noff = blk * NBLK + goff
                m_v[pl.ds(noff, 16)] = ca
                m_v[pl.ds(NPAD + noff, 16)] = cb
                m_v[pl.ds(2 * NPAD + noff, 16)] = cc
                m_v[pl.ds(3 * NPAD + noff, 16)] = cd
                return carry

            lax.fori_loop(0, G, gbody, 0)

        def body(i, carry):
            b0 = i * 2
            drain(0)
            compute(b0, 0)
            issue(b0 + 2, 0)
            drain(1)
            compute(b0 + 1, 1)
            issue(b0 + 3, 1)
            return carry

        lax.fori_loop(0, NBLOCKS // 2, body, 0)
        drain(0)
        drain(1)
        pltpu.sync_copy(m_v, m_hbm.at[t])

    return sc_kernel


_sc_gather_max = _sc_gather_max_build()


def _tc_body(x_ref, m_ref, w1_ref, w2s_ref, b_ref, o_ref):
    acc = lax.dot_general(w1_ref[...], x_ref[...],
                          (((1,), (0,)), ((), ())),
                          preferred_element_type=jnp.float32)
    for j in range(4):
        acc = acc + lax.dot_general(
            w2s_ref[j], m_ref[:, j * NPAD:j * NPAD + N],
            (((1,), (0,)), ((), ())),
            preferred_element_type=jnp.float32)
    o_ref[...] = jnp.maximum(acc + b_ref[...], 0.0)


def _tc_matmul(x2d, mp, w1, w2s, b2):
    return pl.pallas_call(
        _tc_body,
        out_shape=jax.ShapeDtypeStruct((COUT, N), jnp.float32),
    )(x2d, mp, w1, w2s, b2)


def kernel(x, edge_index, W, bconv):
    x2d = x.reshape(C, N)
    idx = edge_index.reshape(2, N, K).astype(jnp.int32)
    idxp = idx[0].T | (idx[1].T << 16)
    idxp = jnp.pad(idxp, ((0, 0), (0, NPAD - N)))
    idxp = idxp.reshape(K, NBLOCKS, NBLK)
    idxp = idxp.transpose(1, 0, 2).reshape(NBLOCKS, IBLK)
    idxp = jnp.pad(idxp, ((0, 2), (0, 0)))
    mp = _sc_gather_max(x2d, idxp)
    w1 = W[:, :C]
    w2 = W[:, C:]
    w2s = w2.reshape(COUT, NW, 4).transpose(2, 0, 1)
    b2 = bconv.reshape(COUT, 1)
    out = _tc_matmul(x2d, mp, w1, w2s, b2)
    return out.reshape(1, COUT, N, 1)

# --- scband reference (transcript-rebuilt; emitter-appended) ---
"""Pipeline reference for scband-graph-conv2d-21328807592402 (READ-ONLY COPY).

The authoritative reference and input builder live on the scoring server;
editing this copy changes nothing except your own understanding.
"""

import jax, jax.numpy as jnp
import numpy as np

B, C, N, K = 1, 128, 10000, 32
COUT = 128


def batched_index_select(x, idx):
    # x: [B, C, N, 1], idx: [B, N, k] -> [B, C, N, k]
    b, c, n, _ = x.shape
    k = idx.shape[-1]
    xf = x[:, :, :, 0]  # [B, C, N]
    idx_flat = idx.reshape(b, 1, n * k)
    gathered = jnp.take_along_axis(xf, jnp.broadcast_to(idx_flat, (b, c, n * k)), axis=2)
    return gathered.reshape(b, c, n, k)


def setup_inputs(seed: int = 0) -> dict:
    key = jax.random.key(seed)
    k1, k2, k3, k4 = jax.random.split(key, 4)
    x = jax.random.normal(k1, (B, C, N, 1), dtype=jnp.float32)
    edge_index = jax.random.randint(k2, (2, B, N, K), 0, N, dtype=jnp.int64)
    # BasicConv([2*C, COUT]) with norm=None: 1x1 Conv2d weight + bias, then ReLU
    W = jax.random.normal(k3, (COUT, 2 * C), dtype=jnp.float32) * (1.0 / np.sqrt(2 * C))
    bconv = jax.random.normal(k4, (COUT,), dtype=jnp.float32) * 0.01
    return {"x": x, "edge_index": edge_index, "W": W, "bconv": bconv}


def reference(x, edge_index, W, bconv):
    # GraphConv2d with conv='mr' -> MRConv2d (Max-Relative GraphConv, dense)
    # remove_self_loops on dense kNN indices: identity (self excluded at graph build)
    x_i = batched_index_select(x, edge_index[1])  # [B, C, N, K]
    x_j = batched_index_select(x, edge_index[0])  # [B, C, N, K]
    x_j = jnp.max(x_j - x_i, axis=-1, keepdims=True)  # [B, C, N, 1]
    h = jnp.concatenate([x, x_j], axis=1)  # [B, 2C, N, 1]
    out = jnp.einsum('oc,bcnk->bonk', W, h) + bconv[None, :, None, None]
    out = jax.nn.relu(out)
    return out

if __name__ == "__main__":
    import jax
    _d = setup_inputs()
    print(jax.jit(kernel)(*tuple(_d.values())))

</pallas_src>

<mosaic_0001>
#map = affine_map<(d0, d1) -> (0, 0)>
module attributes {stable_mosaic.version = 14 : i64} {
  func.func @sc_kernel(%arg0: i32, %arg1: i32, %arg2: memref<128x10000xf32, #tpu.memory_space<hbm>>, %arg3: memref<22x16384xi32, #tpu.memory_space<hbm>>, %arg4: memref<32x40960xf32, #tpu.memory_space<hbm>>, %arg5: memref<10000xf32, #tpu.memory_space<vmem>>, %arg6: memref<10000xf32, #tpu.memory_space<vmem>>, %arg7: memref<10000xi32, #tpu.memory_space<vmem>>, %arg8: memref<10000xi32, #tpu.memory_space<vmem>>, %arg9: memref<32768xi32, #tpu.memory_space<vmem>>, %arg10: memref<40960xf32, #tpu.memory_space<vmem>>, %arg11: memref<2x!tpu.dma_semaphore, #tpu.memory_space<semaphore_mem>>) attributes {dimension_semantics = [#tpu.dimension_semantics<core_parallel>, #tpu.dimension_semantics<subcore_parallel>], iteration_bounds = array<i64: 2, 16>, scalar_prefetch = 0 : i64, scratch_operands = 7 : i64, tpu.core_type = #tpu.core_type<sc_vector_subcore>, window_params = [{transform_indices = #map}, {transform_indices = #map}, {transform_indices = #map}]} {
    %mul3A = arith.constant 2 : i32
    %mul3A_0 = arith.muli %arg1, %mul3A : i32
    %add3A = arith.addi %mul3A_0, %arg0 : i32
    %dma_start3A = arith.constant 0 : i32
    %dma_start3A_1 = arith.constant 0 : i32
    %dma_start3A_2 = arith.constant 0 : i32
    %dma_start3A_3 = tpu.memref_slice %arg9[%dma_start3A_2] : memref<32768xi32, #tpu.memory_space<vmem>> -> memref<16384xi32, #tpu.memory_space<vmem>>
    %dma_start3A_4 = arith.constant 0 : i32
    %dma_start3A_5 = tpu.memref_slice %arg3[%dma_start3A, %dma_start3A_4] : memref<22x16384xi32, #tpu.memory_space<hbm>> -> memref<1x16384xi32, #tpu.memory_space<hbm>>
    %dma_start3A_6 = tpu.memref_squeeze %dma_start3A_5 : memref<1x16384xi32, #tpu.memory_space<hbm>> -> memref<16384xi32, #tpu.memory_space<hbm>>
    %dma_start3A_7 = tpu.memref_slice %arg11[%dma_start3A_1] : memref<2x!tpu.dma_semaphore, #tpu.memory_space<semaphore_mem>> -> memref<1x!tpu.dma_semaphore, #tpu.memory_space<semaphore_mem>>
    %dma_start3A_8 = tpu.memref_squeeze %dma_start3A_7 : memref<1x!tpu.dma_semaphore, #tpu.memory_space<semaphore_mem>> -> memref<!tpu.dma_semaphore, #tpu.memory_space<semaphore_mem>>
    %dma_start3A_9 = arith.constant 0 : i32
    %dma_start3A_10 = tpu.memref_slice %arg9[%dma_start3A_9] : memref<32768xi32, #tpu.memory_space<vmem>> -> memref<16384xi32, #tpu.memory_space<vmem>>
    %dma_start3A_11 = arith.constant 0 : i32
    %dma_start3A_12 = tpu.memref_slice %arg3[%dma_start3A, %dma_start3A_11] : memref<22x16384xi32, #tpu.memory_space<hbm>> -> memref<1x16384xi32, #tpu.memory_space<hbm>>
    %dma_start3A_13 = tpu.memref_squeeze %dma_start3A_12 : memref<1x16384xi32, #tpu.memory_space<hbm>> -> memref<16384xi32, #tpu.memory_space<hbm>>
    tpu.enqueue_dma source(%dma_start3A_13 : memref<16384xi32, #tpu.memory_space<hbm>>) target(%dma_start3A_10 : memref<16384xi32, #tpu.memory_space<vmem>>) target_semaphore(%dma_start3A_8 : memref<!tpu.dma_semaphore, #tpu.memory_space<semaphore_mem>>)
    %dma_start3A_14 = arith.constant 1 : i32
    %dma_start3A_15 = arith.constant 1 : i32
    %dma_start3A_16 = arith.constant 16384 : i32
    %dma_start3A_17 = tpu.memref_slice %arg9[%dma_start3A_16] : memref<32768xi32, #tpu.memory_space<vmem>> -> memref<16384xi32, #tpu.memory_space<vmem>>
    %dma_start3A_18 = arith.constant 0 : i32
    %dma_start3A_19 = tpu.memref_slice %arg3[%dma_start3A_14, %dma_start3A_18] : memref<22x16384xi32, #tpu.memory_space<hbm>> -> memref<1x16384xi32, #tpu.memory_space<hbm>>
    %dma_start3A_20 = tpu.memref_squeeze %dma_start3A_19 : memref<1x16384xi32, #tpu.memory_space<hbm>> -> memref<16384xi32, #tpu.memory_space<hbm>>
    %dma_start3A_21 = tpu.memref_slice %arg11[%dma_start3A_15] : memref<2x!tpu.dma_semaphore, #tpu.memory_space<semaphore_mem>> -> memref<1x!tpu.dma_semaphore, #tpu.memory_space<semaphore_mem>>
    %dma_start3A_22 = tpu.memref_squeeze %dma_start3A_21 : memref<1x!tpu.dma_semaphore, #tpu.memory_space<semaphore_mem>> -> memref<!tpu.dma_semaphore, #tpu.memory_space<semaphore_mem>>
    %dma_start3A_23 = arith.constant 16384 : i32
    %dma_start3A_24 = tpu.memref_slice %arg9[%dma_start3A_23] : memref<32768xi32, #tpu.memory_space<vmem>> -> memref<16384xi32, #tpu.memory_space<vmem>>
    %dma_start3A_25 = arith.constant 0 : i32
    %dma_start3A_26 = tpu.memref_slice %arg3[%dma_start3A_14, %dma_start3A_25] : memref<22x16384xi32, #tpu.memory_space<hbm>> -> memref<1x16384xi32, #tpu.memory_space<hbm>>
    %dma_start3A_27 = tpu.memref_squeeze %dma_start3A_26 : memref<1x16384xi32, #tpu.memory_space<hbm>> -> memref<16384xi32, #tpu.memory_space<hbm>>
    tpu.enqueue_dma source(%dma_start3A_27 : memref<16384xi32, #tpu.memory_space<hbm>>) target(%dma_start3A_24 : memref<16384xi32, #tpu.memory_space<vmem>>) target_semaphore(%dma_start3A_22 : memref<!tpu.dma_semaphore, #tpu.memory_space<semaphore_mem>>)
    %mul3A_28 = arith.constant 4 : i32
    %mul3A_29 = arith.muli %mul3A_28, %add3A : i32
    "tpu.region"() ({
      %run_scoped3A = tpu.sem_alloc : memref<!tpu.dma_semaphore, #tpu.memory_space<semaphore_mem>>
      %dma_start3A_86 = arith.constant 0 : i32
      %dma_start3A_87 = tpu.memref_slice %arg2[%mul3A_29, %dma_start3A_86] : memref<128x10000xf32, #tpu.memory_space<hbm>> -> memref<1x10000xf32, #tpu.memory_space<hbm>>
      %dma_start3A_88 = tpu.memref_squeeze %dma_start3A_87 : memref<1x10000xf32, #tpu.memory_space<hbm>> -> memref<10000xf32, #tpu.memory_space<hbm>>
      %dma_start3A_89 = arith.constant 0 : i32
      %dma_start3A_90 = tpu.memref_slice %arg2[%mul3A_29, %dma_start3A_89] : memref<128x10000xf32, #tpu.memory_space<hbm>> -> memref<1x10000xf32, #tpu.memory_space<hbm>>
      %dma_start3A_91 = tpu.memref_squeeze %dma_start3A_90 : memref<1x10000xf32, #tpu.memory_space<hbm>> -> memref<10000xf32, #tpu.memory_space<hbm>>
      tpu.enqueue_dma source(%dma_start3A_91 : memref<10000xf32, #tpu.memory_space<hbm>>) target(%arg5 : memref<10000xf32, #tpu.memory_space<vmem>>) target_semaphore(%run_scoped3A : memref<!tpu.dma_semaphore, #tpu.memory_space<semaphore_mem>>)
      %dma_wait3A_92 = arith.constant 0 : i32
      %dma_wait3A_93 = tpu.memref_slice %arg2[%mul3A_29, %dma_wait3A_92] : memref<128x10000xf32, #tpu.memory_space<hbm>> -> memref<1x10000xf32, #tpu.memory_space<hbm>>
      %dma_wait3A_94 = tpu.memref_squeeze %dma_wait3A_93 : memref<1x10000xf32, #tpu.memory_space<hbm>> -> memref<10000xf32, #tpu.memory_space<hbm>>
      %dma_wait3A_95 = arith.constant 0 : i32
      %dma_wait3A_96 = tpu.memref_slice %arg2[%mul3A_29, %dma_wait3A_95] : memref<128x10000xf32, #tpu.memory_space<hbm>> -> memref<1x10000xf32, #tpu.memory_space<hbm>>
      %dma_wait3A_97 = tpu.memref_squeeze %dma_wait3A_96 : memref<1x10000xf32, #tpu.memory_space<hbm>> -> memref<10000xf32, #tpu.memory_space<hbm>>
      tpu.wait_dma2 semaphore(%run_scoped3A : memref<!tpu.dma_semaphore, #tpu.memory_space<semaphore_mem>>) src(%dma_wait3A_97 : memref<10000xf32, #tpu.memory_space<hbm>>) dst(%arg5 : memref<10000xf32, #tpu.memory_space<vmem>>)
      tpu.yield
    }) : () -> ()
    %mul3A_30 = arith.constant 4 : i32
    %mul3A_31 = arith.muli %mul3A_30, %add3A : i32
    %add3A_32 = arith.constant 1 : i32
    %add3A_33 = arith.addi %mul3A_31, %add3A_32 : i32
    "tpu.region"() ({
      %run_scoped3A = tpu.sem_alloc : memref<!tpu.dma_semaphore, #tpu.memory_space<semaphore_mem>>
      %dma_start3A_86 = arith.constant 0 : i32
      %dma_start3A_87 = tpu.memref_slice %arg2[%add3A_33, %dma_start3A_86] : memref<128x10000xf32, #tpu.memory_space<hbm>> -> memref<1x10000xf32, #tpu.memory_space<hbm>>
      %dma_start3A_88 = tpu.memref_squeeze %dma_start3A_87 : memref<1x10000xf32, #tpu.memory_space<hbm>> -> memref<10000xf32, #tpu.memory_space<hbm>>
      %dma_start3A_89 = arith.constant 0 : i32
      %dma_start3A_90 = tpu.memref_slice %arg2[%add3A_33, %dma_start3A_89] : memref<128x10000xf32, #tpu.memory_space<hbm>> -> memref<1x10000xf32, #tpu.memory_space<hbm>>
      %dma_start3A_91 = tpu.memref_squeeze %dma_start3A_90 : memref<1x10000xf32, #tpu.memory_space<hbm>> -> memref<10000xf32, #tpu.memory_space<hbm>>
      tpu.enqueue_dma source(%dma_start3A_91 : memref<10000xf32, #tpu.memory_space<hbm>>) target(%arg6 : memref<10000xf32, #tpu.memory_space<vmem>>) target_semaphore(%run_scoped3A : memref<!tpu.dma_semaphore, #tpu.memory_space<semaphore_mem>>)
      %dma_wait3A_92 = arith.constant 0 : i32
      %dma_wait3A_93 = tpu.memref_slice %arg2[%add3A_33, %dma_wait3A_92] : memref<128x10000xf32, #tpu.memory_space<hbm>> -> memref<1x10000xf32, #tpu.memory_space<hbm>>
      %dma_wait3A_94 = tpu.memref_squeeze %dma_wait3A_93 : memref<1x10000xf32, #tpu.memory_space<hbm>> -> memref<10000xf32, #tpu.memory_space<hbm>>
      %dma_wait3A_95 = arith.constant 0 : i32
      %dma_wait3A_96 = tpu.memref_slice %arg2[%add3A_33, %dma_wait3A_95] : memref<128x10000xf32, #tpu.memory_space<hbm>> -> memref<1x10000xf32, #tpu.memory_space<hbm>>
      %dma_wait3A_97 = tpu.memref_squeeze %dma_wait3A_96 : memref<1x10000xf32, #tpu.memory_space<hbm>> -> memref<10000xf32, #tpu.memory_space<hbm>>
      tpu.wait_dma2 semaphore(%run_scoped3A : memref<!tpu.dma_semaphore, #tpu.memory_space<semaphore_mem>>) src(%dma_wait3A_97 : memref<10000xf32, #tpu.memory_space<hbm>>) dst(%arg6 : memref<10000xf32, #tpu.memory_space<vmem>>)
      tpu.yield
    }) : () -> ()
    %scan3A = arith.constant 0 : i32
    %scan3A_34 = arith.constant 0 : i32
    %scan3A_35 = arith.constant 625 : i32
    %scan3A_36 = arith.addi %scan3A_34, %scan3A_35 : i32
    %scan3A_37 = arith.constant 1 : i32
    scf.for %scan3A_86 = %scan3A_34 to %scan3A_36 step %scan3A_37  : i32 {
      %mul3A_87 = arith.constant 16 : i32
      %mul3A_88 = arith.muli %scan3A_86, %mul3A_87 : i32
      %get3A = arith.index_cast %mul3A_88 : i32 to index
      %get3A_89 = tpu.vector_load %arg5[%get3A] {strides = array<i32>} : memref<10000xf32, #tpu.memory_space<vmem>>, vector<16xf32>,
      %get3A_90 = arith.index_cast %mul3A_88 : i32 to index
      %get3A_91 = tpu.vector_load %arg6[%get3A_90] {strides = array<i32>} : memref<10000xf32, #tpu.memory_space<vmem>>, vector<16xf32>,
      %pack3A = tpu.pack_subelements %get3A_89, %get3A_91 {pack_format = #tpu.pack_format<interleaved>, positions = array<i32: 0, 1>} : vector<16xf32>, vector<16xf32> -> vector<32xbf16>
      %bitcast3A = vector.bitcast %pack3A : vector<32xbf16> to vector<16xi32>
      %swap3A = arith.index_cast %mul3A_88 : i32 to index
      %swap3A_92 = tpu.vector_load %arg7[%swap3A] {strides = array<i32>} : memref<10000xi32, #tpu.memory_space<vmem>>, vector<16xi32>,
      tpu.vector_store %arg7[%swap3A], %bitcast3A {strides = array<i32>} : memref<10000xi32, #tpu.memory_space<vmem>>, vector<16xi32>,
    }
    %scan3A_38 = arith.constant 625 : i32
    %mul3A_39 = arith.constant 4 : i32
    %mul3A_40 = arith.muli %mul3A_39, %add3A : i32
    %add3A_41 = arith.constant 2 : i32
    %add3A_42 = arith.addi %mul3A_40, %add3A_41 : i32
    "tpu.region"() ({
      %run_scoped3A = tpu.sem_alloc : memref<!tpu.dma_semaphore, #tpu.memory_space<semaphore_mem>>
      %dma_start3A_86 = arith.constant 0 : i32
      %dma_start3A_87 = tpu.memref_slice %arg2[%add3A_42, %dma_start3A_86] : memref<128x10000xf32, #tpu.memory_space<hbm>> -> memref<1x10000xf32, #tpu.memory_space<hbm>>
      %dma_start3A_88 = tpu.memref_squeeze %dma_start3A_87 : memref<1x10000xf32, #tpu.memory_space<hbm>> -> memref<10000xf32, #tpu.memory_space<hbm>>
      %dma_start3A_89 = arith.constant 0 : i32
      %dma_start3A_90 = tpu.memref_slice %arg2[%add3A_42, %dma_start3A_89] : memref<128x10000xf32, #tpu.memory_space<hbm>> -> memref<1x10000xf32, #tpu.memory_space<hbm>>
      %dma_start3A_91 = tpu.memref_squeeze %dma_start3A_90 : memref<1x10000xf32, #tpu.memory_space<hbm>> -> memref<10000xf32, #tpu.memory_space<hbm>>
      tpu.enqueue_dma source(%dma_start3A_91 : memref<10000xf32, #tpu.memory_space<hbm>>) target(%arg5 : memref<10000xf32, #tpu.memory_space<vmem>>) target_semaphore(%run_scoped3A : memref<!tpu.dma_semaphore, #tpu.memory_space<semaphore_mem>>)
      %dma_wait3A_92 = arith.constant 0 : i32
      %dma_wait3A_93 = tpu.memref_slice %arg2[%add3A_42, %dma_wait3A_92] : memref<128x10000xf32, #tpu.memory_space<hbm>> -> memref<1x10000xf32, #tpu.memory_space<hbm>>
      %dma_wait3A_94 = tpu.memref_squeeze %dma_wait3A_93 : memref<1x10000xf32, #tpu.memory_space<hbm>> -> memref<10000xf32, #tpu.memory_space<hbm>>
      %dma_wait3A_95 = arith.constant 0 : i32
      %dma_wait3A_96 = tpu.memref_slice %arg2[%add3A_42, %dma_wait3A_95] : memref<128x10000xf32, #tpu.memory_space<hbm>> -> memref<1x10000xf32, #tpu.memory_space<hbm>>
      %dma_wait3A_97 = tpu.memref_squeeze %dma_wait3A_96 : memref<1x10000xf32, #tpu.memory_space<hbm>> -> memref<10000xf32, #tpu.memory_space<hbm>>
      tpu.wait_dma2 semaphore(%run_scoped3A : memref<!tpu.dma_semaphore, #tpu.memory_space<semaphore_mem>>) src(%dma_wait3A_97 : memref<10000xf32, #tpu.memory_space<hbm>>) dst(%arg5 : memref<10000xf32, #tpu.memory_space<vmem>>)
      tpu.yield
    }) : () -> ()
    %mul3A_43 = arith.constant 4 : i32
    %mul3A_44 = arith.muli %mul3A_43, %add3A : i32
    %add3A_45 = arith.constant 3 : i32
    %add3A_46 = arith.addi %mul3A_44, %add3A_45 : i32
    "tpu.region"() ({
      %run_scoped3A = tpu.sem_alloc : memref<!tpu.dma_semaphore, #tpu.memory_space<semaphore_mem>>
      %dma_start3A_86 = arith.constant 0 : i32
      %dma_start3A_87 = tpu.memref_slice %arg2[%add3A_46, %dma_start3A_86] : memref<128x10000xf32, #tpu.memory_space<hbm>> -> memref<1x10000xf32, #tpu.memory_space<hbm>>
      %dma_start3A_88 = tpu.memref_squeeze %dma_start3A_87 : memref<1x10000xf32, #tpu.memory_space<hbm>> -> memref<10000xf32, #tpu.memory_space<hbm>>
      %dma_start3A_89 = arith.constant 0 : i32
      %dma_start3A_90 = tpu.memref_slice %arg2[%add3A_46, %dma_start3A_89] : memref<128x10000xf32, #tpu.memory_space<hbm>> -> memref<1x10000xf32, #tpu.memory_space<hbm>>
      %dma_start3A_91 = tpu.memref_squeeze %dma_start3A_90 : memref<1x10000xf32, #tpu.memory_space<hbm>> -> memref<10000xf32, #tpu.memory_space<hbm>>
      tpu.enqueue_dma source(%dma_start3A_91 : memref<10000xf32, #tpu.memory_space<hbm>>) target(%arg6 : memref<10000xf32, #tpu.memory_space<vmem>>) target_semaphore(%run_scoped3A : memref<!tpu.dma_semaphore, #tpu.memory_space<semaphore_mem>>)
      %dma_wait3A_92 = arith.constant 0 : i32
      %dma_wait3A_93 = tpu.memref_slice %arg2[%add3A_46, %dma_wait3A_92] : memref<128x10000xf32, #tpu.memory_space<hbm>> -> memref<1x10000xf32, #tpu.memory_space<hbm>>
      %dma_wait3A_94 = tpu.memref_squeeze %dma_wait3A_93 : memref<1x10000xf32, #tpu.memory_space<hbm>> -> memref<10000xf32, #tpu.memory_space<hbm>>
      %dma_wait3A_95 = arith.constant 0 : i32
      %dma_wait3A_96 = tpu.memref_slice %arg2[%add3A_46, %dma_wait3A_95] : memref<128x10000xf32, #tpu.memory_space<hbm>> -> memref<1x10000xf32, #tpu.memory_space<hbm>>
      %dma_wait3A_97 = tpu.memref_squeeze %dma_wait3A_96 : memref<1x10000xf32, #tpu.memory_space<hbm>> -> memref<10000xf32, #tpu.memory_space<hbm>>
      tpu.wait_dma2 semaphore(%run_scoped3A : memref<!tpu.dma_semaphore, #tpu.memory_space<semaphore_mem>>) src(%dma_wait3A_97 : memref<10000xf32, #tpu.memory_space<hbm>>) dst(%arg6 : memref<10000xf32, #tpu.memory_space<vmem>>)
      tpu.yield
    }) : () -> ()
    %scan3A_47 = arith.constant 0 : i32
    %scan3A_48 = arith.constant 0 : i32
    %scan3A_49 = arith.constant 625 : i32
    %scan3A_50 = arith.addi %scan3A_48, %scan3A_49 : i32
    %scan3A_51 = arith.constant 1 : i32
    scf.for %scan3A_86 = %scan3A_48 to %scan3A_50 step %scan3A_51  : i32 {
      %mul3A_87 = arith.constant 16 : i32
      %mul3A_88 = arith.muli %scan3A_86, %mul3A_87 : i32
      %get3A = arith.index_cast %mul3A_88 : i32 to index
      %get3A_89 = tpu.vector_load %arg5[%get3A] {strides = array<i32>} : memref<10000xf32, #tpu.memory_space<vmem>>, vector<16xf32>,
      %get3A_90 = arith.index_cast %mul3A_88 : i32 to index
      %get3A_91 = tpu.vector_load %arg6[%get3A_90] {strides = array<i32>} : memref<10000xf32, #tpu.memory_space<vmem>>, vector<16xf32>,
      %pack3A = tpu.pack_subelements %get3A_89, %get3A_91 {pack_format = #tpu.pack_format<interleaved>, positions = array<i32: 0, 1>} : vector<16xf32>, vector<16xf32> -> vector<32xbf16>
      %bitcast3A = vector.bitcast %pack3A : vector<32xbf16> to vector<16xi32>
      %swap3A = arith.index_cast %mul3A_88 : i32 to index
      %swap3A_92 = tpu.vector_load %arg8[%swap3A] {strides = array<i32>} : memref<10000xi32, #tpu.memory_space<vmem>>, vector<16xi32>,
      tpu.vector_store %arg8[%swap3A], %bitcast3A {strides = array<i32>} : memref<10000xi32, #tpu.memory_space<vmem>>, vector<16xi32>,
    }
    %scan3A_52 = arith.constant 625 : i32
    %scan3A_53 = arith.constant 0 : i32
    %scan3A_54 = arith.constant 0 : i32
    %scan3A_55 = arith.constant 10 : i32
    %scan3A_56 = arith.addi %scan3A_54, %scan3A_55 : i32
    %scan3A_57 = arith.constant 1 : i32
    scf.for %scan3A_86 = %scan3A_54 to %scan3A_56 step %scan3A_57  : i32 {
      %mul3A_87 = arith.constant 2 : i32
      %mul3A_88 = arith.muli %scan3A_86, %mul3A_87 : i32
      %dma_wait3A_89 = arith.constant 0 : i32
      %dma_wait3A_90 = arith.constant 0 : i32
      %dma_wait3A_91 = arith.constant 0 : i32
      %dma_wait3A_92 = tpu.memref_slice %arg9[%dma_wait3A_91] : memref<32768xi32, #tpu.memory_space<vmem>> -> memref<16384xi32, #tpu.memory_space<vmem>>
      %dma_wait3A_93 = arith.constant 0 : i32
      %dma_wait3A_94 = tpu.memref_slice %arg3[%dma_wait3A_89, %dma_wait3A_93] : memref<22x16384xi32, #tpu.memory_space<hbm>> -> memref<1x16384xi32, #tpu.memory_space<hbm>>
      %dma_wait3A_95 = tpu.memref_squeeze %dma_wait3A_94 : memref<1x16384xi32, #tpu.memory_space<hbm>> -> memref<16384xi32, #tpu.memory_space<hbm>>
      %dma_wait3A_96 = tpu.memref_slice %arg11[%dma_wait3A_90] : memref<2x!tpu.dma_semaphore, #tpu.memory_space<semaphore_mem>> -> memref<1x!tpu.dma_semaphore, #tpu.memory_space<semaphore_mem>>
      %dma_wait3A_97 = tpu.memref_squeeze %dma_wait3A_96 : memref<1x!tpu.dma_semaphore, #tpu.memory_space<semaphore_mem>> -> memref<!tpu.dma_semaphore, #tpu.memory_space<semaphore_mem>>
      %dma_wait3A_98 = arith.constant 0 : i32
      %dma_wait3A_99 = tpu.memref_slice %arg9[%dma_wait3A_98] : memref<32768xi32, #tpu.memory_space<vmem>> -> memref<16384xi32, #tpu.memory_space<vmem>>
      %dma_wait3A_100 = arith.constant 0 : i32
      %dma_wait3A_101 = tpu.memref_slice %arg3[%dma_wait3A_89, %dma_wait3A_100] : memref<22x16384xi32, #tpu.memory_space<hbm>> -> memref<1x16384xi32, #tpu.memory_space<hbm>>
      %dma_wait3A_102 = tpu.memref_squeeze %dma_wait3A_101 : memref<1x16384xi32, #tpu.memory_space<hbm>> -> memref<16384xi32, #tpu.memory_space<hbm>>
      tpu.wait_dma2 semaphore(%dma_wait3A_97 : memref<!tpu.dma_semaphore, #tpu.memory_space<semaphore_mem>>) src(%dma_wait3A_102 : memref<16384xi32, #tpu.memory_space<hbm>>) dst(%dma_wait3A_99 : memref<16384xi32, #tpu.memory_space<vmem>>)
      %scan3A_103 = arith.constant 0 : i32
      %scan3A_104 = arith.constant 0 : i32
      %scan3A_105 = arith.constant 32 : i32
      %scan3A_106 = arith.addi %scan3A_104, %scan3A_105 : i32
      %scan3A_107 = arith.constant 1 : i32
      scf.for %scan3A_161 = %scan3A_104 to %scan3A_106 step %scan3A_107  : i32 {
        %mul3A_162 = arith.constant 16 : i32
        %mul3A_163 = arith.muli %scan3A_161, %mul3A_162 : i32
        %add3A_164 = arith.constant 0 : i32
        %add3A_165 = arith.addi %add3A_164, %mul3A_163 : i32
        %get3A = arith.index_cast %add3A_165 : i32 to index
        %get3A_166 = tpu.vector_load %arg9[%get3A] {strides = array<i32>} : memref<32768xi32, #tpu.memory_space<vmem>>, vector<16xi32>,
        %and3A = arith.constant 65535 : i32
        %and3A_167 = vector.broadcast %and3A : i32 to vector<16xi32>
        %and3A_168 = arith.andi %get3A_166, %and3A_167 : vector<16xi32>
        %shift_right_logical3A = arith.constant 16 : i32
        %shift_right_logical3A_169 = vector.broadcast %shift_right_logical3A : i32 to vector<16xi32>
        %shift_right_logical3A_170 = arith.shrui %get3A_166, %shift_right_logical3A_169 : vector<16xi32>
        %gather3A = tpu.vector_load_idx %arg7[%and3A_168] : memref<10000xi32, #tpu.memory_space<vmem>>[vector<16xi32>], vector<16xi32>,
        %gather3A_171 = tpu.vector_load_idx %arg7[%shift_right_logical3A_170] : memref<10000xi32, #tpu.memory_space<vmem>>[vector<16xi32>], vector<16xi32>,
        %gather3A_172 = tpu.vector_load_idx %arg8[%and3A_168] : memref<10000xi32, #tpu.memory_space<vmem>>[vector<16xi32>], vector<16xi32>,
        %gather3A_173 = tpu.vector_load_idx %arg8[%shift_right_logical3A_170] : memref<10000xi32, #tpu.memory_space<vmem>>[vector<16xi32>], vector<16xi32>,
        %bitcast3A = vector.bitcast %gather3A : vector<16xi32> to vector<32xbf16>
        %bitcast3A_174 = vector.bitcast %gather3A_171 : vector<16xi32> to vector<32xbf16>
        %sub3A = arith.subf %bitcast3A, %bitcast3A_174 : vector<32xbf16>
        %bitcast3A_175 = vector.bitcast %gather3A_172 : vector<16xi32> to vector<32xbf16>
        %bitcast3A_176 = vector.bitcast %gather3A_173 : vector<16xi32> to vector<32xbf16>
        %sub3A_177 = arith.subf %bitcast3A_175, %bitcast3A_176 : vector<32xbf16>
        %add3A_178 = arith.constant 512 : i32
        %add3A_179 = arith.addi %add3A_178, %mul3A_163 : i32
        %get3A_180 = arith.index_cast %add3A_179 : i32 to index
        %get3A_181 = tpu.vector_load %arg9[%get3A_180] {strides = array<i32>} : memref<32768xi32, #tpu.memory_space<vmem>>, vector<16xi32>,
        %and3A_182 = arith.constant 65535 : i32
        %and3A_183 = vector.broadcast %and3A_182 : i32 to vector<16xi32>
        %and3A_184 = arith.andi %get3A_181, %and3A_183 : vector<16xi32>
        %shift_right_logical3A_185 = arith.constant 16 : i32
        %shift_right_logical3A_186 = vector.broadcast %shift_right_logical3A_185 : i32 to vector<16xi32>
        %shift_right_logical3A_187 = arith.shrui %get3A_181, %shift_right_logical3A_186 : vector<16xi32>
        %gather3A_188 = tpu.vector_load_idx %arg7[%and3A_184] : memref<10000xi32, #tpu.memory_space<vmem>>[vector<16xi32>], vector<16xi32>,
        %gather3A_189 = tpu.vector_load_idx %arg7[%shift_right_logical3A_187] : memref<10000xi32, #tpu.memory_space<vmem>>[vector<16xi32>], vector<16xi32>,
        %gather3A_190 = tpu.vector_load_idx %arg8[%and3A_184] : memref<10000xi32, #tpu.memory_space<vmem>>[vector<16xi32>], vector<16xi32>,
        %gather3A_191 = tpu.vector_load_idx %arg8[%shift_right_logical3A_187] : memref<10000xi32, #tpu.memory_space<vmem>>[vector<16xi32>], vector<16xi32>,
        %bitcast3A_192 = vector.bitcast %gather3A_188 : vector<16xi32> to vector<32xbf16>
        %bitcast3A_193 = vector.bitcast %gather3A_189 : vector<16xi32> to vector<32xbf16>
        %sub3A_194 = arith.subf %bitcast3A_192, %bitcast3A_193 : vector<32xbf16>
        %bitcast3A_195 = vector.bitcast %gather3A_190 : vector<16xi32> to vector<32xbf16>
        %bitcast3A_196 = vector.bitcast %gather3A_191 : vector<16xi32> to vector<32xbf16>
        %sub3A_197 = arith.subf %bitcast3A_195, %bitcast3A_196 : vector<32xbf16>
        %max3A = arith.maximumf %sub3A, %sub3A_194 : vector<32xbf16>
        %max3A_198 = arith.maximumf %sub3A_177, %sub3A_197 : vector<32xbf16>
        %add3A_199 = arith.constant 1024 : i32
        %add3A_200 = arith.addi %add3A_199, %mul3A_163 : i32
        %get3A_201 = arith.index_cast %add3A_200 : i32 to index
        %get3A_202 = tpu.vector_load %arg9[%get3A_201] {strides = array<i32>} : memref<32768xi32, #tpu.memory_space<vmem>>, vector<16xi32>,
        %and3A_203 = arith.constant 65535 : i32
        %and3A_204 = vector.broadcast %and3A_203 : i32 to vector<16xi32>
        %and3A_205 = arith.andi %get3A_202, %and3A_204 : vector<16xi32>
        %shift_right_logical3A_206 = arith.constant 16 : i32
        %shift_right_logical3A_207 = vector.broadcast %shift_right_logical3A_206 : i32 to vector<16xi32>
        %shift_right_logical3A_208 = arith.shrui %get3A_202, %shift_right_logical3A_207 : vector<16xi32>
        %gather3A_209 = tpu.vector_load_idx %arg7[%and3A_205] : memref<10000xi32, #tpu.memory_space<vmem>>[vector<16xi32>], vector<16xi32>,
        %gather3A_210 = tpu.vector_load_idx %arg7[%shift_right_logical3A_208] : memref<10000xi32, #tpu.memory_space<vmem>>[vector<16xi32>], vector<16xi32>,
        %gather3A_211 = tpu.vector_load_idx %arg8[%and3A_205] : memref<10000xi32, #tpu.memory_space<vmem>>[vector<16xi32>], vector<16xi32>,
        %gather3A_212 = tpu.vector_load_idx %arg8[%shift_right_logical3A_208] : memref<10000xi32, #tpu.memory_space<vmem>>[vector<16xi32>], vector<16xi32>,
        %bitcast3A_213 = vector.bitcast %gather3A_209 : vector<16xi32> to vector<32xbf16>
        %bitcast3A_214 = vector.bitcast %gather3A_210 : vector<16xi32> to vector<32xbf16>
        %sub3A_215 = arith.subf %bitcast3A_213, %bitcast3A_214 : vector<32xbf16>
        %bitcast3A_216 = vector.bitcast %gather3A_211 : vector<16xi32> to vector<32xbf16>
        %bitcast3A_217 = vector.bitcast %gather3A_212 : vector<16xi32> to vector<32xbf16>
        %sub3A_218 = arith.subf %bitcast3A_216, %bitcast3A_217 : vector<32xbf16>
        %max3A_219 = arith.maximumf %max3A, %sub3A_215 : vector<32xbf16>
        %max3A_220 = arith.maximumf %max3A_198, %sub3A_218 : vector<32xbf16>
        %add3A_221 = arith.constant 1536 : i32
        %add3A_222 = arith.addi %add3A_221, %mul3A_163 : i32
        %get3A_223 = arith.index_cast %add3A_222 : i32 to index
        %get3A_224 = tpu.vector_load %arg9[%get3A_223] {strides = array<i32>} : memref<32768xi32, #tpu.memory_space<vmem>>, vector<16xi32>,
        %and3A_225 = arith.constant 65535 : i32
        %and3A_226 = vector.broadcast %and3A_225 : i32 to vector<16xi32>
        %and3A_227 = arith.andi %get3A_224, %and3A_226 : vector<16xi32>
        %shift_right_logical3A_228 = arith.constant 16 : i32
        %shift_right_logical3A_229 = vector.broadcast %shift_right_logical3A_228 : i32 to vector<16xi32>
        %shift_right_logical3A_230 = arith.shrui %get3A_224, %shift_right_logical3A_229 : vector<16xi32>
        %gather3A_231 = tpu.vector_load_idx %arg7[%and3A_227] : memref<10000xi32, #tpu.memory_space<vmem>>[vector<16xi32>], vector<16xi32>,
        %gather3A_232 = tpu.vector_load_idx %arg7[%shift_right_logical3A_230] : memref<10000xi32, #tpu.memory_space<vmem>>[vector<16xi32>], vector<16xi32>,
        %gather3A_233 = tpu.vector_load_idx %arg8[%and3A_227] : memref<10000xi32, #tpu.memory_space<vmem>>[vector<16xi32>], vector<16xi32>,
        %gather3A_234 = tpu.vector_load_idx %arg8[%shift_right_logical3A_230] : memref<10000xi32, #tpu.memory_space<vmem>>[vector<16xi32>], vector<16xi32>,
        %bitcast3A_235 = vector.bitcast %gather3A_231 : vector<16xi32> to vector<32xbf16>
        %bitcast3A_236 = vector.bitcast %gather3A_232 : vector<16xi32> to vector<32xbf16>
        %sub3A_237 = arith.subf %bitcast3A_235, %bitcast3A_236 : vector<32xbf16>
        %bitcast3A_238 = vector.bitcast %gather3A_233 : vector<16xi32> to vector<32xbf16>
        %bitcast3A_239 = vector.bitcast %gather3A_234 : vector<16xi32> to vector<32xbf16>
        %sub3A_240 = arith.subf %bitcast3A_238, %bitcast3A_239 : vector<32xbf16>
        %max3A_241 = arith.maximumf %max3A_219, %sub3A_237 : vector<32xbf16>
        %max3A_242 = arith.maximumf %max3A_220, %sub3A_240 : vector<32xbf16>
        %add3A_243 = arith.constant 2048 : i32
        %add3A_244 = arith.addi %add3A_243, %mul3A_163 : i32
        %get3A_245 = arith.index_cast %add3A_244 : i32 to index
        %get3A_246 = tpu.vector_load %arg9[%get3A_245] {strides = array<i32>} : memref<32768xi32, #tpu.memory_space<vmem>>, vector<16xi32>,
        %and3A_247 = arith.constant 65535 : i32
        %and3A_248 = vector.broadcast %and3A_247 : i32 to vector<16xi32>
        %and3A_249 = arith.andi %get3A_246, %and3A_248 : vector<16xi32>
        %shift_right_logical3A_250 = arith.constant 16 : i32
        %shift_right_logical3A_251 = vector.broadcast %shift_right_logical3A_250 : i32 to vector<16xi32>
        %shift_right_logical3A_252 = arith.shrui %get3A_246, %shift_right_logical3A_251 : vector<16xi32>
        %gather3A_253 = tpu.vector_load_idx %arg7[%and3A_249] : memref<10000xi32, #tpu.memory_space<vmem>>[vector<16xi32>], vector<16xi32>,
        %gather3A_254 = tpu.vector_load_idx %arg7[%shift_right_logical3A_252] : memref<10000xi32, #tpu.memory_space<vmem>>[vector<16xi32>], vector<16xi32>,
        %gather3A_255 = tpu.vector_load_idx %arg8[%and3A_249] : memref<10000xi32, #tpu.memory_space<vmem>>[vector<16xi32>], vector<16xi32>,
        %gather3A_256 = tpu.vector_load_idx %arg8[%shift_right_logical3A_252] : memref<10000xi32, #tpu.memory_space<vmem>>[vector<16xi32>], vector<16xi32>,
        %bitcast3A_257 = vector.bitcast %gather3A_253 : vector<16xi32> to vector<32xbf16>
        %bitcast3A_258 = vector.bitcast %gather3A_254 : vector<16xi32> to vector<32xbf16>
        %sub3A_259 = arith.subf %bitcast3A_257, %bitcast3A_258 : vector<32xbf16>
        %bitcast3A_260 = vector.bitcast %gather3A_255 : vector<16xi32> to vector<32xbf16>
        %bitcast3A_261 = vector.bitcast %gather3A_256 : vector<16xi32> to vector<32xbf16>
        %sub3A_262 = arith.subf %bitcast3A_260, %bitcast3A_261 : vector<32xbf16>
        %max3A_263 = arith.maximumf %max3A_241, %sub3A_259 : vector<32xbf16>
        %max3A_264 = arith.maximumf %max3A_242, %sub3A_262 : vector<32xbf16>
        %add3A_265 = arith.constant 2560 : i32
        %add3A_266 = arith.addi %add3A_265, %mul3A_163 : i32
        %get3A_267 = arith.index_cast %add3A_266 : i32 to index
        %get3A_268 = tpu.vector_load %arg9[%get3A_267] {strides = array<i32>} : memref<32768xi32, #tpu.memory_space<vmem>>, vector<16xi32>,
        %and3A_269 = arith.constant 65535 : i32
        %and3A_270 = vector.broadcast %and3A_269 : i32 to vector<16xi32>
        %and3A_271 = arith.andi %get3A_268, %and3A_270 : vector<16xi32>
        %shift_right_logical3A_272 = arith.constant 16 : i32
        %shift_right_logical3A_273 = vector.broadcast %shift_right_logical3A_272 : i32 to vector<16xi32>
        %shift_right_logical3A_274 = arith.shrui %get3A_268, %shift_right_logical3A_273 : vector<16xi32>
        %gather3A_275 = tpu.vector_load_idx %arg7[%and3A_271] : memref<10000xi32, #tpu.memory_space<vmem>>[vector<16xi32>], vector<16xi32>,
        %gather3A_276 = tpu.vector_load_idx %arg7[%shift_right_logical3A_274] : memref<10000xi32, #tpu.memory_space<vmem>>[vector<16xi32>], vector<16xi32>,
        %gather3A_277 = tpu.vector_load_idx %arg8[%and3A_271] : memref<10000xi32, #tpu.memory_space<vmem>>[vector<16xi32>], vector<16xi32>,
        %gather3A_278 = tpu.vector_load_idx %arg8[%shift_right_logical3A_274] : memref<10000xi32, #tpu.memory_space<vmem>>[vector<16xi32>], vector<16xi32>,
        %bitcast3A_279 = vector.bitcast %gather3A_275 : vector<16xi32> to vector<32xbf16>
        %bitcast3A_280 = vector.bitcast %gather3A_276 : vector<16xi32> to vector<32xbf16>
        %sub3A_281 = arith.subf %bitcast3A_279, %bitcast3A_280 : vector<32xbf16>
        %bitcast3A_282 = vector.bitcast %gather3A_277 : vector<16xi32> to vector<32xbf16>
        %bitcast3A_283 = vector.bitcast %gather3A_278 : vector<16xi32> to vector<32xbf16>
        %sub3A_284 = arith.subf %bitcast3A_282, %bitcast3A_283 : vector<32xbf16>
        %max3A_285 = arith.maximumf %max3A_263, %sub3A_281 : vector<32xbf16>
        %max3A_286 = arith.maximumf %max3A_264, %sub3A_284 : vector<32xbf16>
        %add3A_287 = arith.constant 3072 : i32
        %add3A_288 = arith.addi %add3A_287, %mul3A_163 : i32
        %get3A_289 = arith.index_cast %add3A_288 : i32 to index
        %get3A_290 = tpu.vector_load %arg9[%get3A_289] {strides = array<i32>} : memref<32768xi32, #tpu.memory_space<vmem>>, vector<16xi32>,
        %and3A_291 = arith.constant 65535 : i32
        %and3A_292 = vector.broadcast %and3A_291 : i32 to vector<16xi32>
        %and3A_293 = arith.andi %get3A_290, %and3A_292 : vector<16xi32>
        %shift_right_logical3A_294 = arith.constant 16 : i32
        %shift_right_logical3A_295 = vector.broadcast %shift_right_logical3A_294 : i32 to vector<16xi32>
        %shift_right_logical3A_296 = arith.shrui %get3A_290, %shift_right_logical3A_295 : vector<16xi32>
        %gather3A_297 = tpu.vector_load_idx %arg7[%and3A_293] : memref<10000xi32, #tpu.memory_space<vmem>>[vector<16xi32>], vector<16xi32>,
        %gather3A_298 = tpu.vector_load_idx %arg7[%shift_right_logical3A_296] : memref<10000xi32, #tpu.memory_space<vmem>>[vector<16xi32>], vector<16xi32>,
        %gather3A_299 = tpu.vector_load_idx %arg8[%and3A_293] : memref<10000xi32, #tpu.memory_space<vmem>>[vector<16xi32>], vector<16xi32>,
        %gather3A_300 = tpu.vector_load_idx %arg8[%shift_right_logical3A_296] : memref<10000xi32, #tpu.memory_space<vmem>>[vector<16xi32>], vector<16xi32>,
        %bitcast3A_301 = vector.bitcast %gather3A_297 : vector<16xi32> to vector<32xbf16>
        %bitcast3A_302 = vector.bitcast %gather3A_298 : vector<16xi32> to vector<32xbf16>
        %sub3A_303 = arith.subf %bitcast3A_301, %bitcast3A_302 : vector<32xbf16>
        %bitcast3A_304 = vector.bitcast %gather3A_299 : vector<16xi32> to vector<32xbf16>
        %bitcast3A_305 = vector.bitcast %gather3A_300 : vector<16xi32> to vector<32xbf16>
        %sub3A_306 = arith.subf %bitcast3A_304, %bitcast3A_305 : vector<32xbf16>
        %max3A_307 = arith.maximumf %max3A_285, %sub3A_303 : vector<32xbf16>
        %max3A_308 = arith.maximumf %max3A_286, %sub3A_306 : vector<32xbf16>
        %add3A_309 = arith.constant 3584 : i32
        %add3A_310 = arith.addi %add3A_309, %mul3A_163 : i32
        %get3A_311 = arith.index_cast %add3A_310 : i32 to index
        %get3A_312 = tpu.vector_load %arg9[%get3A_311] {strides = array<i32>} : memref<32768xi32, #tpu.memory_space<vmem>>, vector<16xi32>,
        %and3A_313 = arith.constant 65535 : i32
        %and3A_314 = vector.broadcast %and3A_313 : i32 to vector<16xi32>
        %and3A_315 = arith.andi %get3A_312, %and3A_314 : vector<16xi32>
        %shift_right_logical3A_316 = arith.constant 16 : i32
        %shift_right_logical3A_317 = vector.broadcast %shift_right_logical3A_316 : i32 to vector<16xi32>
        %shift_right_logical3A_318 = arith.shrui %get3A_312, %shift_right_logical3A_317 : vector<16xi32>
        %gather3A_319 = tpu.vector_load_idx %arg7[%and3A_315] : memref<10000xi32, #tpu.memory_space<vmem>>[vector<16xi32>], vector<16xi32>,
        %gather3A_320 = tpu.vector_load_idx %arg7[%shift_right_logical3A_318] : memref<10000xi32, #tpu.memory_space<vmem>>[vector<16xi32>], vector<16xi32>,
        %gather3A_321 = tpu.vector_load_idx %arg8[%and3A_315] : memref<10000xi32, #tpu.memory_space<vmem>>[vector<16xi32>], vector<16xi32>,
        %gather3A_322 = tpu.vector_load_idx %arg8[%shift_right_logical3A_318] : memref<10000xi32, #tpu.memory_space<vmem>>[vector<16xi32>], vector<16xi32>,
        %bitcast3A_323 = vector.bitcast %gather3A_319 : vector<16xi32> to vector<32xbf16>
        %bitcast3A_324 = vector.bitcast %gather3A_320 : vector<16xi32> to vector<32xbf16>
        %sub3A_325 = arith.subf %bitcast3A_323, %bitcast3A_324 : vector<32xbf16>
        %bitcast3A_326 = vector.bitcast %gather3A_321 : vector<16xi32> to vector<32xbf16>
        %bitcast3A_327 = vector.bitcast %gather3A_322 : vector<16xi32> to vector<32xbf16>
        %sub3A_328 = arith.subf %bitcast3A_326, %bitcast3A_327 : vector<32xbf16>
        %max3A_329 = arith.maximumf %max3A_307, %sub3A_325 : vector<32xbf16>
        %max3A_330 = arith.maximumf %max3A_308, %sub3A_328 : vector<32xbf16>
        %add3A_331 = arith.constant 4096 : i32
        %add3A_332 = arith.addi %add3A_331, %mul3A_163 : i32
        %get3A_333 = arith.index_cast %add3A_332 : i32 to index
        %get3A_334 = tpu.vector_load %arg9[%get3A_333] {strides = array<i32>} : memref<32768xi32, #tpu.memory_space<vmem>>, vector<16xi32>,
        %and3A_335 = arith.constant 65535 : i32
        %and3A_336 = vector.broadcast %and3A_335 : i32 to vector<16xi32>
        %and3A_337 = arith.andi %get3A_334, %and3A_336 : vector<16xi32>
        %shift_right_logical3A_338 = arith.constant 16 : i32
        %shift_right_logical3A_339 = vector.broadcast %shift_right_logical3A_338 : i32 to vector<16xi32>
        %shift_right_logical3A_340 = arith.shrui %get3A_334, %shift_right_logical3A_339 : vector<16xi32>
        %gather3A_341 = tpu.vector_load_idx %arg7[%and3A_337] : memref<10000xi32, #tpu.memory_space<vmem>>[vector<16xi32>], vector<16xi32>,
        %gather3A_342 = tpu.vector_load_idx %arg7[%shift_right_logical3A_340] : memref<10000xi32, #tpu.memory_space<vmem>>[vector<16xi32>], vector<16xi32>,
        %gather3A_343 = tpu.vector_load_idx %arg8[%and3A_337] : memref<10000xi32, #tpu.memory_space<vmem>>[vector<16xi32>], vector<16xi32>,
        %gather3A_344 = tpu.vector_load_idx %arg8[%shift_right_logical3A_340] : memref<10000xi32, #tpu.memory_space<vmem>>[vector<16xi32>], vector<16xi32>,
        %bitcast3A_345 = vector.bitcast %gather3A_341 : vector<16xi32> to vector<32xbf16>
        %bitcast3A_346 = vector.bitcast %gather3A_342 : vector<16xi32> to vector<32xbf16>
        %sub3A_347 = arith.subf %bitcast3A_345, %bitcast3A_346 : vector<32xbf16>
        %bitcast3A_348 = vector.bitcast %gather3A_343 : vector<16xi32> to vector<32xbf16>
        %bitcast3A_349 = vector.bitcast %gather3A_344 : vector<16xi32> to vector<32xbf16>
        %sub3A_350 = arith.subf %bitcast3A_348, %bitcast3A_349 : vector<32xbf16>
        %max3A_351 = arith.maximumf %max3A_329, %sub3A_347 : vector<32xbf16>
        %max3A_352 = arith.maximumf %max3A_330, %sub3A_350 : vector<32xbf16>
        %add3A_353 = arith.constant 4608 : i32
        %add3A_354 = arith.addi %add3A_353, %mul3A_163 : i32
        %get3A_355 = arith.index_cast %add3A_354 : i32 to index
        %get3A_356 = tpu.vector_load %arg9[%get3A_355] {strides = array<i32>} : memref<32768xi32, #tpu.memory_space<vmem>>, vector<16xi32>,
        %and3A_357 = arith.constant 65535 : i32
        %and3A_358 = vector.broadcast %and3A_357 : i32 to vector<16xi32>
        %and3A_359 = arith.andi %get3A_356, %and3A_358 : vector<16xi32>
        %shift_right_logical3A_360 = arith.constant 16 : i32
        %shift_right_logical3A_361 = vector.broadcast %shift_right_logical3A_360 : i32 to vector<16xi32>
        %shift_right_logical3A_362 = arith.shrui %get3A_356, %shift_right_logical3A_361 : vector<16xi32>
        %gather3A_363 = tpu.vector_load_idx %arg7[%and3A_359] : memref<10000xi32, #tpu.memory_space<vmem>>[vector<16xi32>], vector<16xi32>,
        %gather3A_364 = tpu.vector_load_idx %arg7[%shift_right_logical3A_362] : memref<10000xi32, #tpu.memory_space<vmem>>[vector<16xi32>], vector<16xi32>,
        %gather3A_365 = tpu.vector_load_idx %arg8[%and3A_359] : memref<10000xi32, #tpu.memory_space<vmem>>[vector<16xi32>], vector<16xi32>,
        %gather3A_366 = tpu.vector_load_idx %arg8[%shift_right_logical3A_362] : memref<10000xi32, #tpu.memory_space<vmem>>[vector<16xi32>], vector<16xi32>,
        %bitcast3A_367 = vector.bitcast %gather3A_363 : vector<16xi32> to vector<32xbf16>
        %bitcast3A_368 = vector.bitcast %gather3A_364 : vector<16xi32> to vector<32xbf16>
        %sub3A_369 = arith.subf %bitcast3A_367, %bitcast3A_368 : vector<32xbf16>
        %bitcast3A_370 = vector.bitcast %gather3A_365 : vector<16xi32> to vector<32xbf16>
        %bitcast3A_371 = vector.bitcast %gather3A_366 : vector<16xi32> to vector<32xbf16>
        %sub3A_372 = arith.subf %bitcast3A_370, %bitcast3A_371 : vector<32xbf16>
        %max3A_373 = arith.maximumf %max3A_351, %sub3A_369 : vector<32xbf16>
        %max3A_374 = arith.maximumf %max3A_352, %sub3A_372 : vector<32xbf16>
        %add3A_375 = arith.constant 5120 : i32
        %add3A_376 = arith.addi %add3A_375, %mul3A_163 : i32
        %get3A_377 = arith.index_cast %add3A_376 : i32 to index
        %get3A_378 = tpu.vector_load %arg9[%get3A_377] {strides = array<i32>} : memref<32768xi32, #tpu.memory_space<vmem>>, vector<16xi32>,
        %and3A_379 = arith.constant 65535 : i32
        %and3A_380 = vector.broadcast %and3A_379 : i32 to vector<16xi32>
        %and3A_381 = arith.andi %get3A_378, %and3A_380 : vector<16xi32>
        %shift_right_logical3A_382 = arith.constant 16 : i32
        %shift_right_logical3A_383 = vector.broadcast %shift_right_logical3A_382 : i32 to vector<16xi32>
        %shift_right_logical3A_384 = arith.shrui %get3A_378, %shift_right_logical3A_383 : vector<16xi32>
        %gather3A_385 = tpu.vector_load_idx %arg7[%and3A_381] : memref<10000xi32, #tpu.memory_space<vmem>>[vector<16xi32>], vector<16xi32>,
        %gather3A_386 = tpu.vector_load_idx %arg7[%shift_right_logical3A_384] : memref<10000xi32, #tpu.memory_space<vmem>>[vector<16xi32>], vector<16xi32>,
        %gather3A_387 = tpu.vector_load_idx %arg8[%and3A_381] : memref<10000xi32, #tpu.memory_space<vmem>>[vector<16xi32>], vector<16xi32>,
        %gather3A_388 = tpu.vector_load_idx %arg8[%shift_right_logical3A_384] : memref<10000xi32, #tpu.memory_space<vmem>>[vector<16xi32>], vector<16xi32>,
        %bitcast3A_389 = vector.bitcast %gather3A_385 : vector<16xi32> to vector<32xbf16>
        %bitcast3A_390 = vector.bitcast %gather3A_386 : vector<16xi32> to vector<32xbf16>
        %sub3A_391 = arith.subf %bitcast3A_389, %bitcast3A_390 : vector<32xbf16>
        %bitcast3A_392 = vector.bitcast %gather3A_387 : vector<16xi32> to vector<32xbf16>
        %bitcast3A_393 = vector.bitcast %gather3A_388 : vector<16xi32> to vector<32xbf16>
        %sub3A_394 = arith.subf %bitcast3A_392, %bitcast3A_393 : vector<32xbf16>
        %max3A_395 = arith.maximumf %max3A_373, %sub3A_391 : vector<32xbf16>
        %max3A_396 = arith.maximumf %max3A_374, %sub3A_394 : vector<32xbf16>
        %add3A_397 = arith.constant 5632 : i32
        %add3A_398 = arith.addi %add3A_397, %mul3A_163 : i32
        %get3A_399 = arith.index_cast %add3A_398 : i32 to index
        %get3A_400 = tpu.vector_load %arg9[%get3A_399] {strides = array<i32>} : memref<32768xi32, #tpu.memory_space<vmem>>, vector<16xi32>,
        %and3A_401 = arith.constant 65535 : i32
        %and3A_402 = vector.broadcast %and3A_401 : i32 to vector<16xi32>
        %and3A_403 = arith.andi %get3A_400, %and3A_402 : vector<16xi32>
        %shift_right_logical3A_404 = arith.constant 16 : i32
        %shift_right_logical3A_405 = vector.broadcast %shift_right_logical3A_404 : i32 to vector<16xi32>
        %shift_right_logical3A_406 = arith.shrui %get3A_400, %shift_right_logical3A_405 : vector<16xi32>
        %gather3A_407 = tpu.vector_load_idx %arg7[%and3A_403] : memref<10000xi32, #tpu.memory_space<vmem>>[vector<16xi32>], vector<16xi32>,
        %gather3A_408 = tpu.vector_load_idx %arg7[%shift_right_logical3A_406] : memref<10000xi32, #tpu.memory_space<vmem>>[vector<16xi32>], vector<16xi32>,
        %gather3A_409 = tpu.vector_load_idx %arg8[%and3A_403] : memref<10000xi32, #tpu.memory_space<vmem>>[vector<16xi32>], vector<16xi32>,
        %gather3A_410 = tpu.vector_load_idx %arg8[%shift_right_logical3A_406] : memref<10000xi32, #tpu.memory_space<vmem>>[vector<16xi32>], vector<16xi32>,
        %bitcast3A_411 = vector.bitcast %gather3A_407 : vector<16xi32> to vector<32xbf16>
        %bitcast3A_412 = vector.bitcast %gather3A_408 : vector<16xi32> to vector<32xbf16>
        %sub3A_413 = arith.subf %bitcast3A_411, %bitcast3A_412 : vector<32xbf16>
        %bitcast3A_414 = vector.bitcast %gather3A_409 : vector<16xi32> to vector<32xbf16>
        %bitcast3A_415 = vector.bitcast %gather3A_410 : vector<16xi32> to vector<32xbf16>
        %sub3A_416 = arith.subf %bitcast3A_414, %bitcast3A_415 : vector<32xbf16>
        %max3A_417 = arith.maximumf %max3A_395, %sub3A_413 : vector<32xbf16>
        %max3A_418 = arith.maximumf %max3A_396, %sub3A_416 : vector<32xbf16>
        %add3A_419 = arith.constant 6144 : i32
        %add3A_420 = arith.addi %add3A_419, %mul3A_163 : i32
        %get3A_421 = arith.index_cast %add3A_420 : i32 to index
        %get3A_422 = tpu.vector_load %arg9[%get3A_421] {strides = array<i32>} : memref<32768xi32, #tpu.memory_space<vmem>>, vector<16xi32>,
        %and3A_423 = arith.constant 65535 : i32
        %and3A_424 = vector.broadcast %and3A_423 : i32 to vector<16xi32>
        %and3A_425 = arith.andi %get3A_422, %and3A_424 : vector<16xi32>
        %shift_right_logical3A_426 = arith.constant 16 : i32
        %shift_right_logical3A_427 = vector.broadcast %shift_right_logical3A_426 : i32 to vector<16xi32>
        %shift_right_logical3A_428 = arith.shrui %get3A_422, %shift_right_logical3A_427 : vector<16xi32>
        %gather3A_429 = tpu.vector_load_idx %arg7[%and3A_425] : memref<10000xi32, #tpu.memory_space<vmem>>[vector<16xi32>], vector<16xi32>,
        %gather3A_430 = tpu.vector_load_idx %arg7[%shift_right_logical3A_428] : memref<10000xi32, #tpu.memory_space<vmem>>[vector<16xi32>], vector<16xi32>,
        %gather3A_431 = tpu.vector_load_idx %arg8[%and3A_425] : memref<10000xi32, #tpu.memory_space<vmem>>[vector<16xi32>], vector<16xi32>,
        %gather3A_432 = tpu.vector_load_idx %arg8[%shift_right_logical3A_428] : memref<10000xi32, #tpu.memory_space<vmem>>[vector<16xi32>], vector<16xi32>,
        %bitcast3A_433 = vector.bitcast %gather3A_429 : vector<16xi32> to vector<32xbf16>
        %bitcast3A_434 = vector.bitcast %gather3A_430 : vector<16xi32> to vector<32xbf16>
        %sub3A_435 = arith.subf %bitcast3A_433, %bitcast3A_434 : vector<32xbf16>
        %bitcast3A_436 = vector.bitcast %gather3A_431 : vector<16xi32> to vector<32xbf16>
        %bitcast3A_437 = vector.bitcast %gather3A_432 : vector<16xi32> to vector<32xbf16>
        %sub3A_438 = arith.subf %bitcast3A_436, %bitcast3A_437 : vector<32xbf16>
        %max3A_439 = arith.maximumf %max3A_417, %sub3A_435 : vector<32xbf16>
        %max3A_440 = arith.maximumf %max3A_418, %sub3A_438 : vector<32xbf16>
        %add3A_441 = arith.constant 6656 : i32
        %add3A_442 = arith.addi %add3A_441, %mul3A_163 : i32
        %get3A_443 = arith.index_cast %add3A_442 : i32 to index
        %get3A_444 = tpu.vector_load %arg9[%get3A_443] {strides = array<i32>} : memref<32768xi32, #tpu.memory_space<vmem>>, vector<16xi32>,
        %and3A_445 = arith.constant 65535 : i32
        %and3A_446 = vector.broadcast %and3A_445 : i32 to vector<16xi32>
        %and3A_447 = arith.andi %get3A_444, %and3A_446 : vector<16xi32>
        %shift_right_logical3A_448 = arith.constant 16 : i32
        %shift_right_logical3A_449 = vector.broadcast %shift_right_logical3A_448 : i32 to vector<16xi32>
        %shift_right_logical3A_450 = arith.shrui %get3A_444, %shift_right_logical3A_449 : vector<16xi32>
        %gather3A_451 = tpu.vector_load_idx %arg7[%and3A_447] : memref<10000xi32, #tpu.memory_space<vmem>>[vector<16xi32>], vector<16xi32>,
        %gather3A_452 = tpu.vector_load_idx %arg7[%shift_right_logical3A_450] : memref<10000xi32, #tpu.memory_space<vmem>>[vector<16xi32>], vector<16xi32>,
        %gather3A_453 = tpu.vector_load_idx %arg8[%and3A_447] : memref<10000xi32, #tpu.memory_space<vmem>>[vector<16xi32>], vector<16xi32>,
        %gather3A_454 = tpu.vector_load_idx %arg8[%shift_right_logical3A_450] : memref<10000xi32, #tpu.memory_space<vmem>>[vector<16xi32>], vector<16xi32>,
        %bitcast3A_455 = vector.bitcast %gather3A_451 : vector<16xi32> to vector<32xbf16>
        %bitcast3A_456 = vector.bitcast %gather3A_452 : vector<16xi32> to vector<32xbf16>
        %sub3A_457 = arith.subf %bitcast3A_455, %bitcast3A_456 : vector<32xbf16>
        %bitcast3A_458 = vector.bitcast %gather3A_453 : vector<16xi32> to vector<32xbf16>
        %bitcast3A_459 = vector.bitcast %gather3A_454 : vector<16xi32> to vector<32xbf16>
        %sub3A_460 = arith.subf %bitcast3A_458, %bitcast3A_459 : vector<32xbf16>
        %max3A_461 = arith.maximumf %max3A_439, %sub3A_457 : vector<32xbf16>
        %max3A_462 = arith.maximumf %max3A_440, %sub3A_460 : vector<32xbf16>
        %add3A_463 = arith.constant 7168 : i32
        %add3A_464 = arith.addi %add3A_463, %mul3A_163 : i32
        %get3A_465 = arith.index_cast %add3A_464 : i32 to index
        %get3A_466 = tpu.vector_load %arg9[%get3A_465] {strides = array<i32>} : memref<32768xi32, #tpu.memory_space<vmem>>, vector<16xi32>,
        %and3A_467 = arith.constant 65535 : i32
        %and3A_468 = vector.broadcast %and3A_467 : i32 to vector<16xi32>
        %and3A_469 = arith.andi %get3A_466, %and3A_468 : vector<16xi32>
        %shift_right_logical3A_470 = arith.constant 16 : i32
        %shift_right_logical3A_471 = vector.broadcast %shift_right_logical3A_470 : i32 to vector<16xi32>
        %shift_right_logical3A_472 = arith.shrui %get3A_466, %shift_right_logical3A_471 : vector<16xi32>
        %gather3A_473 = tpu.vector_load_idx %arg7[%and3A_469] : memref<10000xi32, #tpu.memory_space<vmem>>[vector<16xi32>], vector<16xi32>,
        %gather3A_474 = tpu.vector_load_idx %arg7[%shift_right_logical3A_472] : memref<10000xi32, #tpu.memory_space<vmem>>[vector<16xi32>], vector<16xi32>,
        %gather3A_475 = tpu.vector_load_idx %arg8[%and3A_469] : memref<10000xi32, #tpu.memory_space<vmem>>[vector<16xi32>], vector<16xi32>,
        %gather3A_476 = tpu.vector_load_idx %arg8[%shift_right_logical3A_472] : memref<10000xi32, #tpu.memory_space<vmem>>[vector<16xi32>], vector<16xi32>,
        %bitcast3A_477 = vector.bitcast %gather3A_473 : vector<16xi32> to vector<32xbf16>
        %bitcast3A_478 = vector.bitcast %gather3A_474 : vector<16xi32> to vector<32xbf16>
        %sub3A_479 = arith.subf %bitcast3A_477, %bitcast3A_478 : vector<32xbf16>
        %bitcast3A_480 = vector.bitcast %gather3A_475 : vector<16xi32> to vector<32xbf16>
        %bitcast3A_481 = vector.bitcast %gather3A_476 : vector<16xi32> to vector<32xbf16>
        %sub3A_482 = arith.subf %bitcast3A_480, %bitcast3A_481 : vector<32xbf16>
        %max3A_483 = arith.maximumf %max3A_461, %sub3A_479 : vector<32xbf16>
        %max3A_484 = arith.maximumf %max3A_462, %sub3A_482 : vector<32xbf16>
        %add3A_485 = arith.constant 7680 : i32
        %add3A_486 = arith.addi %add3A_485, %mul3A_163 : i32
        %get3A_487 = arith.index_cast %add3A_486 : i32 to index
        %get3A_488 = tpu.vector_load %arg9[%get3A_487] {strides = array<i32>} : memref<32768xi32, #tpu.memory_space<vmem>>, vector<16xi32>,
        %and3A_489 = arith.constant 65535 : i32
        %and3A_490 = vector.broadcast %and3A_489 : i32 to vector<16xi32>
        %and3A_491 = arith.andi %get3A_488, %and3A_490 : vector<16xi32>
        %shift_right_logical3A_492 = arith.constant 16 : i32
        %shift_right_logical3A_493 = vector.broadcast %shift_right_logical3A_492 : i32 to vector<16xi32>
        %shift_right_logical3A_494 = arith.shrui %get3A_488, %shift_right_logical3A_493 : vector<16xi32>
        %gather3A_495 = tpu.vector_load_idx %arg7[%and3A_491] : memref<10000xi32, #tpu.memory_space<vmem>>[vector<16xi32>], vector<16xi32>,
        %gather3A_496 = tpu.vector_load_idx %arg7[%shift_right_logical3A_494] : memref<10000xi32, #tpu.memory_space<vmem>>[vector<16xi32>], vector<16xi32>,
        %gather3A_497 = tpu.vector_load_idx %arg8[%and3A_491] : memref<10000xi32, #tpu.memory_space<vmem>>[vector<16xi32>], vector<16xi32>,
        %gather3A_498 = tpu.vector_load_idx %arg8[%shift_right_logical3A_494] : memref<10000xi32, #tpu.memory_space<vmem>>[vector<16xi32>], vector<16xi32>,
        %bitcast3A_499 = vector.bitcast %gather3A_495 : vector<16xi32> to vector<32xbf16>
        %bitcast3A_500 = vector.bitcast %gather3A_496 : vector<16xi32> to vector<32xbf16>
        %sub3A_501 = arith.subf %bitcast3A_499, %bitcast3A_500 : vector<32xbf16>
        %bitcast3A_502 = vector.bitcast %gather3A_497 : vector<16xi32> to vector<32xbf16>
        %bitcast3A_503 = vector.bitcast %gather3A_498 : vector<16xi32> to vector<32xbf16>
        %sub3A_504 = arith.subf %bitcast3A_502, %bitcast3A_503 : vector<32xbf16>
        %max3A_505 = arith.maximumf %max3A_483, %sub3A_501 : vector<32xbf16>
        %max3A_506 = arith.maximumf %max3A_484, %sub3A_504 : vector<32xbf16>
        %add3A_507 = arith.constant 8192 : i32
        %add3A_508 = arith.addi %add3A_507, %mul3A_163 : i32
        %get3A_509 = arith.index_cast %add3A_508 : i32 to index
        %get3A_510 = tpu.vector_load %arg9[%get3A_509] {strides = array<i32>} : memref<32768xi32, #tpu.memory_space<vmem>>, vector<16xi32>,
        %and3A_511 = arith.constant 65535 : i32
        %and3A_512 = vector.broadcast %and3A_511 : i32 to vector<16xi32>
        %and3A_513 = arith.andi %get3A_510, %and3A_512 : vector<16xi32>
        %shift_right_logical3A_514 = arith.constant 16 : i32
        %shift_right_logical3A_515 = vector.broadcast %shift_right_logical3A_514 : i32 to vector<16xi32>
        %shift_right_logical3A_516 = arith.shrui %get3A_510, %shift_right_logical3A_515 : vector<16xi32>
        %gather3A_517 = tpu.vector_load_idx %arg7[%and3A_513] : memref<10000xi32, #tpu.memory_space<vmem>>[vector<16xi32>], vector<16xi32>,
        %gather3A_518 = tpu.vector_load_idx %arg7[%shift_right_logical3A_516] : memref<10000xi32, #tpu.memory_space<vmem>>[vector<16xi32>], vector<16xi32>,
        %gather3A_519 = tpu.vector_load_idx %arg8[%and3A_513] : memref<10000xi32, #tpu.memory_space<vmem>>[vector<16xi32>], vector<16xi32>,
        %gather3A_520 = tpu.vector_load_idx %arg8[%shift_right_logical3A_516] : memref<10000xi32, #tpu.memory_space<vmem>>[vector<16xi32>], vector<16xi32>,
        %bitcast3A_521 = vector.bitcast %gather3A_517 : vector<16xi32> to vector<32xbf16>
        %bitcast3A_522 = vector.bitcast %gather3A_518 : vector<16xi32> to vector<32xbf16>
        %sub3A_523 = arith.subf %bitcast3A_521, %bitcast3A_522 : vector<32xbf16>
        %bitcast3A_524 = vector.bitcast %gather3A_519 : vector<16xi32> to vector<32xbf16>
        %bitcast3A_525 = vector.bitcast %gather3A_520 : vector<16xi32> to vector<32xbf16>
        %sub3A_526 = arith.subf %bitcast3A_524, %bitcast3A_525 : vector<32xbf16>
        %max3A_527 = arith.maximumf %max3A_505, %sub3A_523 : vector<32xbf16>
        %max3A_528 = arith.maximumf %max3A_506, %sub3A_526 : vector<32xbf16>
        %add3A_529 = arith.constant 8704 : i32
        %add3A_530 = arith.addi %add3A_529, %mul3A_163 : i32
        %get3A_531 = arith.index_cast %add3A_530 : i32 to index
        %get3A_532 = tpu.vector_load %arg9[%get3A_531] {strides = array<i32>} : memref<32768xi32, #tpu.memory_space<vmem>>, vector<16xi32>,
        %and3A_533 = arith.constant 65535 : i32
        %and3A_534 = vector.broadcast %and3A_533 : i32 to vector<16xi32>
        %and3A_535 = arith.andi %get3A_532, %and3A_534 : vector<16xi32>
        %shift_right_logical3A_536 = arith.constant 16 : i32
        %shift_right_logical3A_537 = vector.broadcast %shift_right_logical3A_536 : i32 to vector<16xi32>
        %shift_right_logical3A_538 = arith.shrui %get3A_532, %shift_right_logical3A_537 : vector<16xi32>
        %gather3A_539 = tpu.vector_load_idx %arg7[%and3A_535] : memref<10000xi32, #tpu.memory_space<vmem>>[vector<16xi32>], vector<16xi32>,
        %gather3A_540 = tpu.vector_load_idx %arg7[%shift_right_logical3A_538] : memref<10000xi32, #tpu.memory_space<vmem>>[vector<16xi32>], vector<16xi32>,
        %gather3A_541 = tpu.vector_load_idx %arg8[%and3A_535] : memref<10000xi32, #tpu.memory_space<vmem>>[vector<16xi32>], vector<16xi32>,
        %gather3A_542 = tpu.vector_load_idx %arg8[%shift_right_logical3A_538] : memref<10000xi32, #tpu.memory_space<vmem>>[vector<16xi32>], vector<16xi32>,
        %bitcast3A_543 = vector.bitcast %gather3A_539 : vector<16xi32> to vector<32xbf16>
        %bitcast3A_544 = vector.bitcast %gather3A_540 : vector<16xi32> to vector<32xbf16>
        %sub3A_545 = arith.subf %bitcast3A_543, %bitcast3A_544 : vector<32xbf16>
        %bitcast3A_546 = vector.bitcast %gather3A_541 : vector<16xi32> to vector<32xbf16>
        %bitcast3A_547 = vector.bitcast %gather3A_542 : vector<16xi32> to vector<32xbf16>
        %sub3A_548 = arith.subf %bitcast3A_546, %bitcast3A_547 : vector<32xbf16>
        %max3A_549 = arith.maximumf %max3A_527, %sub3A_545 : vector<32xbf16>
        %max3A_550 = arith.maximumf %max3A_528, %sub3A_548 : vector<32xbf16>
        %add3A_551 = arith.constant 9216 : i32
        %add3A_552 = arith.addi %add3A_551, %mul3A_163 : i32
        %get3A_553 = arith.index_cast %add3A_552 : i32 to index
        %get3A_554 = tpu.vector_load %arg9[%get3A_553] {strides = array<i32>} : memref<32768xi32, #tpu.memory_space<vmem>>, vector<16xi32>,
        %and3A_555 = arith.constant 65535 : i32
        %and3A_556 = vector.broadcast %and3A_555 : i32 to vector<16xi32>
        %and3A_557 = arith.andi %get3A_554, %and3A_556 : vector<16xi32>
        %shift_right_logical3A_558 = arith.constant 16 : i32
        %shift_right_logical3A_559 = vector.broadcast %shift_right_logical3A_558 : i32 to vector<16xi32>
        %shift_right_logical3A_560 = arith.shrui %get3A_554, %shift_right_logical3A_559 : vector<16xi32>
        %gather3A_561 = tpu.vector_load_idx %arg7[%and3A_557] : memref<10000xi32, #tpu.memory_space<vmem>>[vector<16xi32>], vector<16xi32>,
        %gather3A_562 = tpu.vector_load_idx %arg7[%shift_right_logical3A_560] : memref<10000xi32, #tpu.memory_space<vmem>>[vector<16xi32>], vector<16xi32>,
        %gather3A_563 = tpu.vector_load_idx %arg8[%and3A_557] : memref<10000xi32, #tpu.memory_space<vmem>>[vector<16xi32>], vector<16xi32>,
        %gather3A_564 = tpu.vector_load_idx %arg8[%shift_right_logical3A_560] : memref<10000xi32, #tpu.memory_space<vmem>>[vector<16xi32>], vector<16xi32>,
        %bitcast3A_565 = vector.bitcast %gather3A_561 : vector<16xi32> to vector<32xbf16>
        %bitcast3A_566 = vector.bitcast %gather3A_562 : vector<16xi32> to vector<32xbf16>
        %sub3A_567 = arith.subf %bitcast3A_565, %bitcast3A_566 : vector<32xbf16>
        %bitcast3A_568 = vector.bitcast %gather3A_563 : vector<16xi32> to vector<32xbf16>
        %bitcast3A_569 = vector.bitcast %gather3A_564 : vector<16xi32> to vector<32xbf16>
        %sub3A_570 = arith.subf %bitcast3A_568, %bitcast3A_569 : vector<32xbf16>
        %max3A_571 = arith.maximumf %max3A_549, %sub3A_567 : vector<32xbf16>
        %max3A_572 = arith.maximumf %max3A_550, %sub3A_570 : vector<32xbf16>
        %add3A_573 = arith.constant 9728 : i32
        %add3A_574 = arith.addi %add3A_573, %mul3A_163 : i32
        %get3A_575 = arith.index_cast %add3A_574 : i32 to index
        %get3A_576 = tpu.vector_load %arg9[%get3A_575] {strides = array<i32>} : memref<32768xi32, #tpu.memory_space<vmem>>, vector<16xi32>,
        %and3A_577 = arith.constant 65535 : i32
        %and3A_578 = vector.broadcast %and3A_577 : i32 to vector<16xi32>
        %and3A_579 = arith.andi %get3A_576, %and3A_578 : vector<16xi32>
        %shift_right_logical3A_580 = arith.constant 16 : i32
        %shift_right_logical3A_581 = vector.broadcast %shift_right_logical3A_580 : i32 to vector<16xi32>
        %shift_right_logical3A_582 = arith.shrui %get3A_576, %shift_right_logical3A_581 : vector<16xi32>
        %gather3A_583 = tpu.vector_load_idx %arg7[%and3A_579] : memref<10000xi32, #tpu.memory_space<vmem>>[vector<16xi32>], vector<16xi32>,
        %gather3A_584 = tpu.vector_load_idx %arg7[%shift_right_logical3A_582] : memref<10000xi32, #tpu.memory_space<vmem>>[vector<16xi32>], vector<16xi32>,
        %gather3A_585 = tpu.vector_load_idx %arg8[%and3A_579] : memref<10000xi32, #tpu.memory_space<vmem>>[vector<16xi32>], vector<16xi32>,
        %gather3A_586 = tpu.vector_load_idx %arg8[%shift_right_logical3A_582] : memref<10000xi32, #tpu.memory_space<vmem>>[vector<16xi32>], vector<16xi32>,
        %bitcast3A_587 = vector.bitcast %gather3A_583 : vector<16xi32> to vector<32xbf16>
        %bitcast3A_588 = vector.bitcast %gather3A_584 : vector<16xi32> to vector<32xbf16>
        %sub3A_589 = arith.subf %bitcast3A_587, %bitcast3A_588 : vector<32xbf16>
        %bitcast3A_590 = vector.bitcast %gather3A_585 : vector<16xi32> to vector<32xbf16>
        %bitcast3A_591 = vector.bitcast %gather3A_586 : vector<16xi32> to vector<32xbf16>
        %sub3A_592 = arith.subf %bitcast3A_590, %bitcast3A_591 : vector<32xbf16>
        %max3A_593 = arith.maximumf %max3A_571, %sub3A_589 : vector<32xbf16>
        %max3A_594 = arith.maximumf %max3A_572, %sub3A_592 : vector<32xbf16>
        %add3A_595 = arith.constant 10240 : i32
        %add3A_596 = arith.addi %add3A_595, %mul3A_163 : i32
        %get3A_597 = arith.index_cast %add3A_596 : i32 to index
        %get3A_598 = tpu.vector_load %arg9[%get3A_597] {strides = array<i32>} : memref<32768xi32, #tpu.memory_space<vmem>>, vector<16xi32>,
        %and3A_599 = arith.constant 65535 : i32
        %and3A_600 = vector.broadcast %and3A_599 : i32 to vector<16xi32>
        %and3A_601 = arith.andi %get3A_598, %and3A_600 : vector<16xi32>
        %shift_right_logical3A_602 = arith.constant 16 : i32
        %shift_right_logical3A_603 = vector.broadcast %shift_right_logical3A_602 : i32 to vector<16xi32>
        %shift_right_logical3A_604 = arith.shrui %get3A_598, %shift_right_logical3A_603 : vector<16xi32>
        %gather3A_605 = tpu.vector_load_idx %arg7[%and3A_601] : memref<10000xi32, #tpu.memory_space<vmem>>[vector<16xi32>], vector<16xi32>,
        %gather3A_606 = tpu.vector_load_idx %arg7[%shift_right_logical3A_604] : memref<10000xi32, #tpu.memory_space<vmem>>[vector<16xi32>], vector<16xi32>,
        %gather3A_607 = tpu.vector_load_idx %arg8[%and3A_601] : memref<10000xi32, #tpu.memory_space<vmem>>[vector<16xi32>], vector<16xi32>,
        %gather3A_608 = tpu.vector_load_idx %arg8[%shift_right_logical3A_604] : memref<10000xi32, #tpu.memory_space<vmem>>[vector<16xi32>], vector<16xi32>,
        %bitcast3A_609 = vector.bitcast %gather3A_605 : vector<16xi32> to vector<32xbf16>
        %bitcast3A_610 = vector.bitcast %gather3A_606 : vector<16xi32> to vector<32xbf16>
        %sub3A_611 = arith.subf %bitcast3A_609, %bitcast3A_610 : vector<32xbf16>
        %bitcast3A_612 = vector.bitcast %gather3A_607 : vector<16xi32> to vector<32xbf16>
        %bitcast3A_613 = vector.bitcast %gather3A_608 : vector<16xi32> to vector<32xbf16>
        %sub3A_614 = arith.subf %bitcast3A_612, %bitcast3A_613 : vector<32xbf16>
        %max3A_615 = arith.maximumf %max3A_593, %sub3A_611 : vector<32xbf16>
        %max3A_616 = arith.maximumf %max3A_594, %sub3A_614 : vector<32xbf16>
        %add3A_617 = arith.constant 10752 : i32
        %add3A_618 = arith.addi %add3A_617, %mul3A_163 : i32
        %get3A_619 = arith.index_cast %add3A_618 : i32 to index
        %get3A_620 = tpu.vector_load %arg9[%get3A_619] {strides = array<i32>} : memref<32768xi32, #tpu.memory_space<vmem>>, vector<16xi32>,
        %and3A_621 = arith.constant 65535 : i32
        %and3A_622 = vector.broadcast %and3A_621 : i32 to vector<16xi32>
        %and3A_623 = arith.andi %get3A_620, %and3A_622 : vector<16xi32>
        %shift_right_logical3A_624 = arith.constant 16 : i32
        %shift_right_logical3A_625 = vector.broadcast %shift_right_logical3A_624 : i32 to vector<16xi32>
        %shift_right_logical3A_626 = arith.shrui %get3A_620, %shift_right_logical3A_625 : vector<16xi32>
        %gather3A_627 = tpu.vector_load_idx %arg7[%and3A_623] : memref<10000xi32, #tpu.memory_space<vmem>>[vector<16xi32>], vector<16xi32>,
        %gather3A_628 = tpu.vector_load_idx %arg7[%shift_right_logical3A_626] : memref<10000xi32, #tpu.memory_space<vmem>>[vector<16xi32>], vector<16xi32>,
        %gather3A_629 = tpu.vector_load_idx %arg8[%and3A_623] : memref<10000xi32, #tpu.memory_space<vmem>>[vector<16xi32>], vector<16xi32>,
        %gather3A_630 = tpu.vector_load_idx %arg8[%shift_right_logical3A_626] : memref<10000xi32, #tpu.memory_space<vmem>>[vector<16xi32>], vector<16xi32>,
        %bitcast3A_631 = vector.bitcast %gather3A_627 : vector<16xi32> to vector<32xbf16>
        %bitcast3A_632 = vector.bitcast %gather3A_628 : vector<16xi32> to vector<32xbf16>
        %sub3A_633 = arith.subf %bitcast3A_631, %bitcast3A_632 : vector<32xbf16>
        %bitcast3A_634 = vector.bitcast %gather3A_629 : vector<16xi32> to vector<32xbf16>
        %bitcast3A_635 = vector.bitcast %gather3A_630 : vector<16xi32> to vector<32xbf16>
        %sub3A_636 = arith.subf %bitcast3A_634, %bitcast3A_635 : vector<32xbf16>
        %max3A_637 = arith.maximumf %max3A_615, %sub3A_633 : vector<32xbf16>
        %max3A_638 = arith.maximumf %max3A_616, %sub3A_636 : vector<32xbf16>
        %add3A_639 = arith.constant 11264 : i32
        %add3A_640 = arith.addi %add3A_639, %mul3A_163 : i32
        %get3A_641 = arith.index_cast %add3A_640 : i32 to index
        %get3A_642 = tpu.vector_load %arg9[%get3A_641] {strides = array<i32>} : memref<32768xi32, #tpu.memory_space<vmem>>, vector<16xi32>,
        %and3A_643 = arith.constant 65535 : i32
        %and3A_644 = vector.broadcast %and3A_643 : i32 to vector<16xi32>
        %and3A_645 = arith.andi %get3A_642, %and3A_644 : vector<16xi32>
        %shift_right_logical3A_646 = arith.constant 16 : i32
        %shift_right_logical3A_647 = vector.broadcast %shift_right_logical3A_646 : i32 to vector<16xi32>
        %shift_right_logical3A_648 = arith.shrui %get3A_642, %shift_right_logical3A_647 : vector<16xi32>
        %gather3A_649 = tpu.vector_load_idx %arg7[%and3A_645] : memref<10000xi32, #tpu.memory_space<vmem>>[vector<16xi32>], vector<16xi32>,
        %gather3A_650 = tpu.vector_load_idx %arg7[%shift_right_logical3A_648] : memref<10000xi32, #tpu.memory_space<vmem>>[vector<16xi32>], vector<16xi32>,
        %gather3A_651 = tpu.vector_load_idx %arg8[%and3A_645] : memref<10000xi32, #tpu.memory_space<vmem>>[vector<16xi32>], vector<16xi32>,
        %gather3A_652 = tpu.vector_load_idx %arg8[%shift_right_logical3A_648] : memref<10000xi32, #tpu.memory_space<vmem>>[vector<16xi32>], vector<16xi32>,
        %bitcast3A_653 = vector.bitcast %gather3A_649 : vector<16xi32> to vector<32xbf16>
        %bitcast3A_654 = vector.bitcast %gather3A_650 : vector<16xi32> to vector<32xbf16>
        %sub3A_655 = arith.subf %bitcast3A_653, %bitcast3A_654 : vector<32xbf16>
        %bitcast3A_656 = vector.bitcast %gather3A_651 : vector<16xi32> to vector<32xbf16>
        %bitcast3A_657 = vector.bitcast %gather3A_652 : vector<16xi32> to vector<32xbf16>
        %sub3A_658 = arith.subf %bitcast3A_656, %bitcast3A_657 : vector<32xbf16>
        %max3A_659 = arith.maximumf %max3A_637, %sub3A_655 : vector<32xbf16>
        %max3A_660 = arith.maximumf %max3A_638, %sub3A_658 : vector<32xbf16>
        %add3A_661 = arith.constant 11776 : i32
        %add3A_662 = arith.addi %add3A_661, %mul3A_163 : i32
        %get3A_663 = arith.index_cast %add3A_662 : i32 to index
        %get3A_664 = tpu.vector_load %arg9[%get3A_663] {strides = array<i32>} : memref<32768xi32, #tpu.memory_space<vmem>>, vector<16xi32>,
        %and3A_665 = arith.constant 65535 : i32
        %and3A_666 = vector.broadcast %and3A_665 : i32 to vector<16xi32>
        %and3A_667 = arith.andi %get3A_664, %and3A_666 : vector<16xi32>
        %shift_right_logical3A_668 = arith.constant 16 : i32
        %shift_right_logical3A_669 = vector.broadcast %shift_right_logical3A_668 : i32 to vector<16xi32>
        %shift_right_logical3A_670 = arith.shrui %get3A_664, %shift_right_logical3A_669 : vector<16xi32>
        %gather3A_671 = tpu.vector_load_idx %arg7[%and3A_667] : memref<10000xi32, #tpu.memory_space<vmem>>[vector<16xi32>], vector<16xi32>,
        %gather3A_672 = tpu.vector_load_idx %arg7[%shift_right_logical3A_670] : memref<10000xi32, #tpu.memory_space<vmem>>[vector<16xi32>], vector<16xi32>,
        %gather3A_673 = tpu.vector_load_idx %arg8[%and3A_667] : memref<10000xi32, #tpu.memory_space<vmem>>[vector<16xi32>], vector<16xi32>,
        %gather3A_674 = tpu.vector_load_idx %arg8[%shift_right_logical3A_670] : memref<10000xi32, #tpu.memory_space<vmem>>[vector<16xi32>], vector<16xi32>,
        %bitcast3A_675 = vector.bitcast %gather3A_671 : vector<16xi32> to vector<32xbf16>
        %bitcast3A_676 = vector.bitcast %gather3A_672 : vector<16xi32> to vector<32xbf16>
        %sub3A_677 = arith.subf %bitcast3A_675, %bitcast3A_676 : vector<32xbf16>
        %bitcast3A_678 = vector.bitcast %gather3A_673 : vector<16xi32> to vector<32xbf16>
        %bitcast3A_679 = vector.bitcast %gather3A_674 : vector<16xi32> to vector<32xbf16>
        %sub3A_680 = arith.subf %bitcast3A_678, %bitcast3A_679 : vector<32xbf16>
        %max3A_681 = arith.maximumf %max3A_659, %sub3A_677 : vector<32xbf16>
        %max3A_682 = arith.maximumf %max3A_660, %sub3A_680 : vector<32xbf16>
        %add3A_683 = arith.constant 12288 : i32
        %add3A_684 = arith.addi %add3A_683, %mul3A_163 : i32
        %get3A_685 = arith.index_cast %add3A_684 : i32 to index
        %get3A_686 = tpu.vector_load %arg9[%get3A_685] {strides = array<i32>} : memref<32768xi32, #tpu.memory_space<vmem>>, vector<16xi32>,
        %and3A_687 = arith.constant 65535 : i32
        %and3A_688 = vector.broadcast %and3A_687 : i32 to vector<16xi32>
        %and3A_689 = arith.andi %get3A_686, %and3A_688 : vector<16xi32>
        %shift_right_logical3A_690 = arith.constant 16 : i32
        %shift_right_logical3A_691 = vector.broadcast %shift_right_logical3A_690 : i32 to vector<16xi32>
        %shift_right_logical3A_692 = arith.shrui %get3A_686, %shift_right_logical3A_691 : vector<16xi32>
        %gather3A_693 = tpu.vector_load_idx %arg7[%and3A_689] : memref<10000xi32, #tpu.memory_space<vmem>>[vector<16xi32>], vector<16xi32>,
        %gather3A_694 = tpu.vector_load_idx %arg7[%shift_right_logical3A_692] : memref<10000xi32, #tpu.memory_space<vmem>>[vector<16xi32>], vector<16xi32>,
        %gather3A_695 = tpu.vector_load_idx %arg8[%and3A_689] : memref<10000xi32, #tpu.memory_space<vmem>>[vector<16xi32>], vector<16xi32>,
        %gather3A_696 = tpu.vector_load_idx %arg8[%shift_right_logical3A_692] : memref<10000xi32, #tpu.memory_space<vmem>>[vector<16xi32>], vector<16xi32>,
        %bitcast3A_697 = vector.bitcast %gather3A_693 : vector<16xi32> to vector<32xbf16>
        %bitcast3A_698 = vector.bitcast %gather3A_694 : vector<16xi32> to vector<32xbf16>
        %sub3A_699 = arith.subf %bitcast3A_697, %bitcast3A_698 : vector<32xbf16>
        %bitcast3A_700 = vector.bitcast %gather3A_695 : vector<16xi32> to vector<32xbf16>
        %bitcast3A_701 = vector.bitcast %gather3A_696 : vector<16xi32> to vector<32xbf16>
        %sub3A_702 = arith.subf %bitcast3A_700, %bitcast3A_701 : vector<32xbf16>
        %max3A_703 = arith.maximumf %max3A_681, %sub3A_699 : vector<32xbf16>
        %max3A_704 = arith.maximumf %max3A_682, %sub3A_702 : vector<32xbf16>
        %add3A_705 = arith.constant 12800 : i32
        %add3A_706 = arith.addi %add3A_705, %mul3A_163 : i32
        %get3A_707 = arith.index_cast %add3A_706 : i32 to index
        %get3A_708 = tpu.vector_load %arg9[%get3A_707] {strides = array<i32>} : memref<32768xi32, #tpu.memory_space<vmem>>, vector<16xi32>,
        %and3A_709 = arith.constant 65535 : i32
        %and3A_710 = vector.broadcast %and3A_709 : i32 to vector<16xi32>
        %and3A_711 = arith.andi %get3A_708, %and3A_710 : vector<16xi32>
        %shift_right_logical3A_712 = arith.constant 16 : i32
        %shift_right_logical3A_713 = vector.broadcast %shift_right_logical3A_712 : i32 to vector<16xi32>
        %shift_right_logical3A_714 = arith.shrui %get3A_708, %shift_right_logical3A_713 : vector<16xi32>
        %gather3A_715 = tpu.vector_load_idx %arg7[%and3A_711] : memref<10000xi32, #tpu.memory_space<vmem>>[vector<16xi32>], vector<16xi32>,
        %gather3A_716 = tpu.vector_load_idx %arg7[%shift_right_logical3A_714] : memref<10000xi32, #tpu.memory_space<vmem>>[vector<16xi32>], vector<16xi32>,
        %gather3A_717 = tpu.vector_load_idx %arg8[%and3A_711] : memref<10000xi32, #tpu.memory_space<vmem>>[vector<16xi32>], vector<16xi32>,
        %gather3A_718 = tpu.vector_load_idx %arg8[%shift_right_logical3A_714] : memref<10000xi32, #tpu.memory_space<vmem>>[vector<16xi32>], vector<16xi32>,
        %bitcast3A_719 = vector.bitcast %gather3A_715 : vector<16xi32> to vector<32xbf16>
        %bitcast3A_720 = vector.bitcast %gather3A_716 : vector<16xi32> to vector<32xbf16>
        %sub3A_721 = arith.subf %bitcast3A_719, %bitcast3A_720 : vector<32xbf16>
        %bitcast3A_722 = vector.bitcast %gather3A_717 : vector<16xi32> to vector<32xbf16>
        %bitcast3A_723 = vector.bitcast %gather3A_718 : vector<16xi32> to vector<32xbf16>
        %sub3A_724 = arith.subf %bitcast3A_722, %bitcast3A_723 : vector<32xbf16>
        %max3A_725 = arith.maximumf %max3A_703, %sub3A_721 : vector<32xbf16>
        %max3A_726 = arith.maximumf %max3A_704, %sub3A_724 : vector<32xbf16>
        %add3A_727 = arith.constant 13312 : i32
        %add3A_728 = arith.addi %add3A_727, %mul3A_163 : i32
        %get3A_729 = arith.index_cast %add3A_728 : i32 to index
        %get3A_730 = tpu.vector_load %arg9[%get3A_729] {strides = array<i32>} : memref<32768xi32, #tpu.memory_space<vmem>>, vector<16xi32>,
        %and3A_731 = arith.constant 65535 : i32
        %and3A_732 = vector.broadcast %and3A_731 : i32 to vector<16xi32>
        %and3A_733 = arith.andi %get3A_730, %and3A_732 : vector<16xi32>
        %shift_right_logical3A_734 = arith.constant 16 : i32
        %shift_right_logical3A_735 = vector.broadcast %shift_right_logical3A_734 : i32 to vector<16xi32>
        %shift_right_logical3A_736 = arith.shrui %get3A_730, %shift_right_logical3A_735 : vector<16xi32>
        %gather3A_737 = tpu.vector_load_idx %arg7[%and3A_733] : memref<10000xi32, #tpu.memory_space<vmem>>[vector<16xi32>], vector<16xi32>,
        %gather3A_738 = tpu.vector_load_idx %arg7[%shift_right_logical3A_736] : memref<10000xi32, #tpu.memory_space<vmem>>[vector<16xi32>], vector<16xi32>,
        %gather3A_739 = tpu.vector_load_idx %arg8[%and3A_733] : memref<10000xi32, #tpu.memory_space<vmem>>[vector<16xi32>], vector<16xi32>,
        %gather3A_740 = tpu.vector_load_idx %arg8[%shift_right_logical3A_736] : memref<10000xi32, #tpu.memory_space<vmem>>[vector<16xi32>], vector<16xi32>,
        %bitcast3A_741 = vector.bitcast %gather3A_737 : vector<16xi32> to vector<32xbf16>
        %bitcast3A_742 = vector.bitcast %gather3A_738 : vector<16xi32> to vector<32xbf16>
        %sub3A_743 = arith.subf %bitcast3A_741, %bitcast3A_742 : vector<32xbf16>
        %bitcast3A_744 = vector.bitcast %gather3A_739 : vector<16xi32> to vector<32xbf16>
        %bitcast3A_745 = vector.bitcast %gather3A_740 : vector<16xi32> to vector<32xbf16>
        %sub3A_746 = arith.subf %bitcast3A_744, %bitcast3A_745 : vector<32xbf16>
        %max3A_747 = arith.maximumf %max3A_725, %sub3A_743 : vector<32xbf16>
        %max3A_748 = arith.maximumf %max3A_726, %sub3A_746 : vector<32xbf16>
        %add3A_749 = arith.constant 13824 : i32
        %add3A_750 = arith.addi %add3A_749, %mul3A_163 : i32
        %get3A_751 = arith.index_cast %add3A_750 : i32 to index
        %get3A_752 = tpu.vector_load %arg9[%get3A_751] {strides = array<i32>} : memref<32768xi32, #tpu.memory_space<vmem>>, vector<16xi32>,
        %and3A_753 = arith.constant 65535 : i32
        %and3A_754 = vector.broadcast %and3A_753 : i32 to vector<16xi32>
        %and3A_755 = arith.andi %get3A_752, %and3A_754 : vector<16xi32>
        %shift_right_logical3A_756 = arith.constant 16 : i32
        %shift_right_logical3A_757 = vector.broadcast %shift_right_logical3A_756 : i32 to vector<16xi32>
        %shift_right_logical3A_758 = arith.shrui %get3A_752, %shift_right_logical3A_757 : vector<16xi32>
        %gather3A_759 = tpu.vector_load_idx %arg7[%and3A_755] : memref<10000xi32, #tpu.memory_space<vmem>>[vector<16xi32>], vector<16xi32>,
        %gather3A_760 = tpu.vector_load_idx %arg7[%shift_right_logical3A_758] : memref<10000xi32, #tpu.memory_space<vmem>>[vector<16xi32>], vector<16xi32>,
        %gather3A_761 = tpu.vector_load_idx %arg8[%and3A_755] : memref<10000xi32, #tpu.memory_space<vmem>>[vector<16xi32>], vector<16xi32>,
        %gather3A_762 = tpu.vector_load_idx %arg8[%shift_right_logical3A_758] : memref<10000xi32, #tpu.memory_space<vmem>>[vector<16xi32>], vector<16xi32>,
        %bitcast3A_763 = vector.bitcast %gather3A_759 : vector<16xi32> to vector<32xbf16>
        %bitcast3A_764 = vector.bitcast %gather3A_760 : vector<16xi32> to vector<32xbf16>
        %sub3A_765 = arith.subf %bitcast3A_763, %bitcast3A_764 : vector<32xbf16>
        %bitcast3A_766 = vector.bitcast %gather3A_761 : vector<16xi32> to vector<32xbf16>
        %bitcast3A_767 = vector.bitcast %gather3A_762 : vector<16xi32> to vector<32xbf16>
        %sub3A_768 = arith.subf %bitcast3A_766, %bitcast3A_767 : vector<32xbf16>
        %max3A_769 = arith.maximumf %max3A_747, %sub3A_765 : vector<32xbf16>
        %max3A_770 = arith.maximumf %max3A_748, %sub3A_768 : vector<32xbf16>
        %add3A_771 = arith.constant 14336 : i32
        %add3A_772 = arith.addi %add3A_771, %mul3A_163 : i32
        %get3A_773 = arith.index_cast %add3A_772 : i32 to index
        %get3A_774 = tpu.vector_load %arg9[%get3A_773] {strides = array<i32>} : memref<32768xi32, #tpu.memory_space<vmem>>, vector<16xi32>,
        %and3A_775 = arith.constant 65535 : i32
        %and3A_776 = vector.broadcast %and3A_775 : i32 to vector<16xi32>
        %and3A_777 = arith.andi %get3A_774, %and3A_776 : vector<16xi32>
        %shift_right_logical3A_778 = arith.constant 16 : i32
        %shift_right_logical3A_779 = vector.broadcast %shift_right_logical3A_778 : i32 to vector<16xi32>
        %shift_right_logical3A_780 = arith.shrui %get3A_774, %shift_right_logical3A_779 : vector<16xi32>
        %gather3A_781 = tpu.vector_load_idx %arg7[%and3A_777] : memref<10000xi32, #tpu.memory_space<vmem>>[vector<16xi32>], vector<16xi32>,
        %gather3A_782 = tpu.vector_load_idx %arg7[%shift_right_logical3A_780] : memref<10000xi32, #tpu.memory_space<vmem>>[vector<16xi32>], vector<16xi32>,
        %gather3A_783 = tpu.vector_load_idx %arg8[%and3A_777] : memref<10000xi32, #tpu.memory_space<vmem>>[vector<16xi32>], vector<16xi32>,
        %gather3A_784 = tpu.vector_load_idx %arg8[%shift_right_logical3A_780] : memref<10000xi32, #tpu.memory_space<vmem>>[vector<16xi32>], vector<16xi32>,
        %bitcast3A_785 = vector.bitcast %gather3A_781 : vector<16xi32> to vector<32xbf16>
        %bitcast3A_786 = vector.bitcast %gather3A_782 : vector<16xi32> to vector<32xbf16>
        %sub3A_787 = arith.subf %bitcast3A_785, %bitcast3A_786 : vector<32xbf16>
        %bitcast3A_788 = vector.bitcast %gather3A_783 : vector<16xi32> to vector<32xbf16>
        %bitcast3A_789 = vector.bitcast %gather3A_784 : vector<16xi32> to vector<32xbf16>
        %sub3A_790 = arith.subf %bitcast3A_788, %bitcast3A_789 : vector<32xbf16>
        %max3A_791 = arith.maximumf %max3A_769, %sub3A_787 : vector<32xbf16>
        %max3A_792 = arith.maximumf %max3A_770, %sub3A_790 : vector<32xbf16>
        %add3A_793 = arith.constant 14848 : i32
        %add3A_794 = arith.addi %add3A_793, %mul3A_163 : i32
        %get3A_795 = arith.index_cast %add3A_794 : i32 to index
        %get3A_796 = tpu.vector_load %arg9[%get3A_795] {strides = array<i32>} : memref<32768xi32, #tpu.memory_space<vmem>>, vector<16xi32>,
        %and3A_797 = arith.constant 65535 : i32
        %and3A_798 = vector.broadcast %and3A_797 : i32 to vector<16xi32>
        %and3A_799 = arith.andi %get3A_796, %and3A_798 : vector<16xi32>
        %shift_right_logical3A_800 = arith.constant 16 : i32
        %shift_right_logical3A_801 = vector.broadcast %shift_right_logical3A_800 : i32 to vector<16xi32>
        %shift_right_logical3A_802 = arith.shrui %get3A_796, %shift_right_logical3A_801 : vector<16xi32>
        %gather3A_803 = tpu.vector_load_idx %arg7[%and3A_799] : memref<10000xi32, #tpu.memory_space<vmem>>[vector<16xi32>], vector<16xi32>,
        %gather3A_804 = tpu.vector_load_idx %arg7[%shift_right_logical3A_802] : memref<10000xi32, #tpu.memory_space<vmem>>[vector<16xi32>], vector<16xi32>,
        %gather3A_805 = tpu.vector_load_idx %arg8[%and3A_799] : memref<10000xi32, #tpu.memory_space<vmem>>[vector<16xi32>], vector<16xi32>,
        %gather3A_806 = tpu.vector_load_idx %arg8[%shift_right_logical3A_802] : memref<10000xi32, #tpu.memory_space<vmem>>[vector<16xi32>], vector<16xi32>,
        %bitcast3A_807 = vector.bitcast %gather3A_803 : vector<16xi32> to vector<32xbf16>
        %bitcast3A_808 = vector.bitcast %gather3A_804 : vector<16xi32> to vector<32xbf16>
        %sub3A_809 = arith.subf %bitcast3A_807, %bitcast3A_808 : vector<32xbf16>
        %bitcast3A_810 = vector.bitcast %gather3A_805 : vector<16xi32> to vector<32xbf16>
        %bitcast3A_811 = vector.bitcast %gather3A_806 : vector<16xi32> to vector<32xbf16>
        %sub3A_812 = arith.subf %bitcast3A_810, %bitcast3A_811 : vector<32xbf16>
        %max3A_813 = arith.maximumf %max3A_791, %sub3A_809 : vector<32xbf16>
        %max3A_814 = arith.maximumf %max3A_792, %sub3A_812 : vector<32xbf16>
        %add3A_815 = arith.constant 15360 : i32
        %add3A_816 = arith.addi %add3A_815, %mul3A_163 : i32
        %get3A_817 = arith.index_cast %add3A_816 : i32 to index
        %get3A_818 = tpu.vector_load %arg9[%get3A_817] {strides = array<i32>} : memref<32768xi32, #tpu.memory_space<vmem>>, vector<16xi32>,
        %and3A_819 = arith.constant 65535 : i32
        %and3A_820 = vector.broadcast %and3A_819 : i32 to vector<16xi32>
        %and3A_821 = arith.andi %get3A_818, %and3A_820 : vector<16xi32>
        %shift_right_logical3A_822 = arith.constant 16 : i32
        %shift_right_logical3A_823 = vector.broadcast %shift_right_logical3A_822 : i32 to vector<16xi32>
        %shift_right_logical3A_824 = arith.shrui %get3A_818, %shift_right_logical3A_823 : vector<16xi32>
        %gather3A_825 = tpu.vector_load_idx %arg7[%and3A_821] : memref<10000xi32, #tpu.memory_space<vmem>>[vector<16xi32>], vector<16xi32>,
        %gather3A_826 = tpu.vector_load_idx %arg7[%shift_right_logical3A_824] : memref<10000xi32, #tpu.memory_space<vmem>>[vector<16xi32>], vector<16xi32>,
        %gather3A_827 = tpu.vector_load_idx %arg8[%and3A_821] : memref<10000xi32, #tpu.memory_space<vmem>>[vector<16xi32>], vector<16xi32>,
        %gather3A_828 = tpu.vector_load_idx %arg8[%shift_right_logical3A_824] : memref<10000xi32, #tpu.memory_space<vmem>>[vector<16xi32>], vector<16xi32>,
        %bitcast3A_829 = vector.bitcast %gather3A_825 : vector<16xi32> to vector<32xbf16>
        %bitcast3A_830 = vector.bitcast %gather3A_826 : vector<16xi32> to vector<32xbf16>
        %sub3A_831 = arith.subf %bitcast3A_829, %bitcast3A_830 : vector<32xbf16>
        %bitcast3A_832 = vector.bitcast %gather3A_827 : vector<16xi32> to vector<32xbf16>
        %bitcast3A_833 = vector.bitcast %gather3A_828 : vector<16xi32> to vector<32xbf16>
        %sub3A_834 = arith.subf %bitcast3A_832, %bitcast3A_833 : vector<32xbf16>
        %max3A_835 = arith.maximumf %max3A_813, %sub3A_831 : vector<32xbf16>
        %max3A_836 = arith.maximumf %max3A_814, %sub3A_834 : vector<32xbf16>
        %add3A_837 = arith.constant 15872 : i32
        %add3A_838 = arith.addi %add3A_837, %mul3A_163 : i32
        %get3A_839 = arith.index_cast %add3A_838 : i32 to index
        %get3A_840 = tpu.vector_load %arg9[%get3A_839] {strides = array<i32>} : memref<32768xi32, #tpu.memory_space<vmem>>, vector<16xi32>,
        %and3A_841 = arith.constant 65535 : i32
        %and3A_842 = vector.broadcast %and3A_841 : i32 to vector<16xi32>
        %and3A_843 = arith.andi %get3A_840, %and3A_842 : vector<16xi32>
        %shift_right_logical3A_844 = arith.constant 16 : i32
        %shift_right_logical3A_845 = vector.broadcast %shift_right_logical3A_844 : i32 to vector<16xi32>
        %shift_right_logical3A_846 = arith.shrui %get3A_840, %shift_right_logical3A_845 : vector<16xi32>
        %gather3A_847 = tpu.vector_load_idx %arg7[%and3A_843] : memref<10000xi32, #tpu.memory_space<vmem>>[vector<16xi32>], vector<16xi32>,
        %gather3A_848 = tpu.vector_load_idx %arg7[%shift_right_logical3A_846] : memref<10000xi32, #tpu.memory_space<vmem>>[vector<16xi32>], vector<16xi32>,
        %gather3A_849 = tpu.vector_load_idx %arg8[%and3A_843] : memref<10000xi32, #tpu.memory_space<vmem>>[vector<16xi32>], vector<16xi32>,
        %gather3A_850 = tpu.vector_load_idx %arg8[%shift_right_logical3A_846] : memref<10000xi32, #tpu.memory_space<vmem>>[vector<16xi32>], vector<16xi32>,
        %bitcast3A_851 = vector.bitcast %gather3A_847 : vector<16xi32> to vector<32xbf16>
        %bitcast3A_852 = vector.bitcast %gather3A_848 : vector<16xi32> to vector<32xbf16>
        %sub3A_853 = arith.subf %bitcast3A_851, %bitcast3A_852 : vector<32xbf16>
        %bitcast3A_854 = vector.bitcast %gather3A_849 : vector<16xi32> to vector<32xbf16>
        %bitcast3A_855 = vector.bitcast %gather3A_850 : vector<16xi32> to vector<32xbf16>
        %sub3A_856 = arith.subf %bitcast3A_854, %bitcast3A_855 : vector<32xbf16>
        %max3A_857 = arith.maximumf %max3A_835, %sub3A_853 : vector<32xbf16>
        %max3A_858 = arith.maximumf %max3A_836, %sub3A_856 : vector<32xbf16>
        %unpack3A = tpu.unpack_subelements %max3A_857, 0 {pack_format = #tpu.pack_format<interleaved>} : vector<32xbf16> -> vector<16xf32>
        %unpack3A_859 = tpu.unpack_subelements %max3A_857, 1 {pack_format = #tpu.pack_format<interleaved>} : vector<32xbf16> -> vector<16xf32>
        %unpack3A_860 = tpu.unpack_subelements %max3A_858, 0 {pack_format = #tpu.pack_format<interleaved>} : vector<32xbf16> -> vector<16xf32>
        %unpack3A_861 = tpu.unpack_subelements %max3A_858, 1 {pack_format = #tpu.pack_format<interleaved>} : vector<32xbf16> -> vector<16xf32>
        %mul3A_862 = arith.constant 512 : i32
        %mul3A_863 = arith.muli %mul3A_88, %mul3A_862 : i32
        %add3A_864 = arith.addi %mul3A_863, %mul3A_163 : i32
        %swap3A = arith.index_cast %add3A_864 : i32 to index
        %swap3A_865 = tpu.vector_load %arg10[%swap3A] {strides = array<i32>} : memref<40960xf32, #tpu.memory_space<vmem>>, vector<16xf32>,
        tpu.vector_store %arg10[%swap3A], %unpack3A {strides = array<i32>} : memref<40960xf32, #tpu.memory_space<vmem>>, vector<16xf32>,
        %add3A_866 = arith.constant 10240 : i32
        %add3A_867 = arith.addi %add3A_866, %add3A_864 : i32
        %swap3A_868 = arith.index_cast %add3A_867 : i32 to index
        %swap3A_869 = tpu.vector_load %arg10[%swap3A_868] {strides = array<i32>} : memref<40960xf32, #tpu.memory_space<vmem>>, vector<16xf32>,
        tpu.vector_store %arg10[%swap3A_868], %unpack3A_859 {strides = array<i32>} : memref<40960xf32, #tpu.memory_space<vmem>>, vector<16xf32>,
        %add3A_870 = arith.constant 20480 : i32
        %add3A_871 = arith.addi %add3A_870, %add3A_864 : i32
        %swap3A_872 = arith.index_cast %add3A_871 : i32 to index
        %swap3A_873 = tpu.vector_load %arg10[%swap3A_872] {strides = array<i32>} : memref<40960xf32, #tpu.memory_space<vmem>>, vector<16xf32>,
        tpu.vector_store %arg10[%swap3A_872], %unpack3A_860 {strides = array<i32>} : memref<40960xf32, #tpu.memory_space<vmem>>, vector<16xf32>,
        %add3A_874 = arith.constant 30720 : i32
        %add3A_875 = arith.addi %add3A_874, %add3A_864 : i32
        %swap3A_876 = arith.index_cast %add3A_875 : i32 to index
        %swap3A_877 = tpu.vector_load %arg10[%swap3A_876] {strides = array<i32>} : memref<40960xf32, #tpu.memory_space<vmem>>, vector<16xf32>,
        tpu.vector_store %arg10[%swap3A_876], %unpack3A_861 {strides = array<i32>} : memref<40960xf32, #tpu.memory_space<vmem>>, vector<16xf32>,
      }
      %scan3A_108 = arith.constant 32 : i32
      %add3A_109 = arith.constant 2 : i32
      %add3A_110 = arith.addi %mul3A_88, %add3A_109 : i32
      %dma_start3A_111 = arith.constant 0 : i32
      %dma_start3A_112 = arith.constant 0 : i32
      %dma_start3A_113 = tpu.memref_slice %arg9[%dma_start3A_112] : memref<32768xi32, #tpu.memory_space<vmem>> -> memref<16384xi32, #tpu.memory_space<vmem>>
      %dma_start3A_114 = arith.constant 0 : i32
      %dma_start3A_115 = tpu.memref_slice %arg3[%add3A_110, %dma_start3A_114] : memref<22x16384xi32, #tpu.memory_space<hbm>> -> memref<1x16384xi32, #tpu.memory_space<hbm>>
      %dma_start3A_116 = tpu.memref_squeeze %dma_start3A_115 : memref<1x16384xi32, #tpu.memory_space<hbm>> -> memref<16384xi32, #tpu.memory_space<hbm>>
      %dma_start3A_117 = tpu.memref_slice %arg11[%dma_start3A_111] : memref<2x!tpu.dma_semaphore, #tpu.memory_space<semaphore_mem>> -> memref<1x!tpu.dma_semaphore, #tpu.memory_space<semaphore_mem>>
      %dma_start3A_118 = tpu.memref_squeeze %dma_start3A_117 : memref<1x!tpu.dma_semaphore, #tpu.memory_space<semaphore_mem>> -> memref<!tpu.dma_semaphore, #tpu.memory_space<semaphore_mem>>
      %dma_start3A_119 = arith.constant 0 : i32
      %dma_start3A_120 = tpu.memref_slice %arg9[%dma_start3A_119] : memref<32768xi32, #tpu.memory_space<vmem>> -> memref<16384xi32, #tpu.memory_space<vmem>>
      %dma_start3A_121 = arith.constant 0 : i32
      %dma_start3A_122 = tpu.memref_slice %arg3[%add3A_110, %dma_start3A_121] : memref<22x16384xi32, #tpu.memory_space<hbm>> -> memref<1x16384xi32, #tpu.memory_space<hbm>>
      %dma_start3A_123 = tpu.memref_squeeze %dma_start3A_122 : memref<1x16384xi32, #tpu.memory_space<hbm>> -> memref<16384xi32, #tpu.memory_space<hbm>>
      tpu.enqueue_dma source(%dma_start3A_123 : memref<16384xi32, #tpu.memory_space<hbm>>) target(%dma_start3A_120 : memref<16384xi32, #tpu.memory_space<vmem>>) target_semaphore(%dma_start3A_118 : memref<!tpu.dma_semaphore, #tpu.memory_space<semaphore_mem>>)
      %dma_wait3A_124 = arith.constant 0 : i32
      %dma_wait3A_125 = arith.constant 1 : i32
      %dma_wait3A_126 = arith.constant 16384 : i32
      %dma_wait3A_127 = tpu.memref_slice %arg9[%dma_wait3A_126] : memref<32768xi32, #tpu.memory_space<vmem>> -> memref<16384xi32, #tpu.memory_space<vmem>>
      %dma_wait3A_128 = arith.constant 0 : i32
      %dma_wait3A_129 = tpu.memref_slice %arg3[%dma_wait3A_124, %dma_wait3A_128] : memref<22x16384xi32, #tpu.memory_space<hbm>> -> memref<1x16384xi32, #tpu.memory_space<hbm>>
      %dma_wait3A_130 = tpu.memref_squeeze %dma_wait3A_129 : memref<1x16384xi32, #tpu.memory_space<hbm>> -> memref<16384xi32, #tpu.memory_space<hbm>>
      %dma_wait3A_131 = tpu.memref_slice %arg11[%dma_wait3A_125] : memref<2x!tpu.dma_semaphore, #tpu.memory_space<semaphore_mem>> -> memref<1x!tpu.dma_semaphore, #tpu.memory_space<semaphore_mem>>
      %dma_wait3A_132 = tpu.memref_squeeze %dma_wait3A_131 : memref<1x!tpu.dma_semaphore, #tpu.memory_space<semaphore_mem>> -> memref<!tpu.dma_semaphore, #tpu.memory_space<semaphore_mem>>
      %dma_wait3A_133 = arith.constant 16384 : i32
      %dma_wait3A_134 = tpu.memref_slice %arg9[%dma_wait3A_133] : memref<32768xi32, #tpu.memory_space<vmem>> -> memref<16384xi32, #tpu.memory_space<vmem>>
      %dma_wait3A_135 = arith.constant 0 : i32
      %dma_wait3A_136 = tpu.memref_slice %arg3[%dma_wait3A_124, %dma_wait3A_135] : memref<22x16384xi32, #tpu.memory_space<hbm>> -> memref<1x16384xi32, #tpu.memory_space<hbm>>
      %dma_wait3A_137 = tpu.memref_squeeze %dma_wait3A_136 : memref<1x16384xi32, #tpu.memory_space<hbm>> -> memref<16384xi32, #tpu.memory_space<hbm>>
      tpu.wait_dma2 semaphore(%dma_wait3A_132 : memref<!tpu.dma_semaphore, #tpu.memory_space<semaphore_mem>>) src(%dma_wait3A_137 : memref<16384xi32, #tpu.memory_space<hbm>>) dst(%dma_wait3A_134 : memref<16384xi32, #tpu.memory_space<vmem>>)
      %add3A_138 = arith.constant 1 : i32
      %add3A_139 = arith.addi %mul3A_88, %add3A_138 : i32
      %scan3A_140 = arith.constant 0 : i32
      %scan3A_141 = arith.constant 0 : i32
      %scan3A_142 = arith.constant 32 : i32
      %scan3A_143 = arith.addi %scan3A_141, %scan3A_142 : i32
      %scan3A_144 = arith.constant 1 : i32
      scf.for %scan3A_161 = %scan3A_141 to %scan3A_143 step %scan3A_144  : i32 {
        %mul3A_162 = arith.constant 16 : i32
        %mul3A_163 = arith.muli %scan3A_161, %mul3A_162 : i32
        %add3A_164 = arith.constant 16384 : i32
        %add3A_165 = arith.addi %add3A_164, %mul3A_163 : i32
        %get3A = arith.index_cast %add3A_165 : i32 to index
        %get3A_166 = tpu.vector_load %arg9[%get3A] {strides = array<i32>} : memref<32768xi32, #tpu.memory_space<vmem>>, vector<16xi32>,
        %and3A = arith.constant 65535 : i32
        %and3A_167 = vector.broadcast %and3A : i32 to vector<16xi32>
        %and3A_168 = arith.andi %get3A_166, %and3A_167 : vector<16xi32>
        %shift_right_logical3A = arith.constant 16 : i32
        %shift_right_logical3A_169 = vector.broadcast %shift_right_logical3A : i32 to vector<16xi32>
        %shift_right_logical3A_170 = arith.shrui %get3A_166, %shift_right_logical3A_169 : vector<16xi32>
        %gather3A = tpu.vector_load_idx %arg7[%and3A_168] : memref<10000xi32, #tpu.memory_space<vmem>>[vector<16xi32>], vector<16xi32>,
        %gather3A_171 = tpu.vector_load_idx %arg7[%shift_right_logical3A_170] : memref<10000xi32, #tpu.memory_space<vmem>>[vector<16xi32>], vector<16xi32>,
        %gather3A_172 = tpu.vector_load_idx %arg8[%and3A_168] : memref<10000xi32, #tpu.memory_space<vmem>>[vector<16xi32>], vector<16xi32>,
        %gather3A_173 = tpu.vector_load_idx %arg8[%shift_right_logical3A_170] : memref<10000xi32, #tpu.memory_space<vmem>>[vector<16xi32>], vector<16xi32>,
        %bitcast3A = vector.bitcast %gather3A : vector<16xi32> to vector<32xbf16>
        %bitcast3A_174 = vector.bitcast %gather3A_171 : vector<16xi32> to vector<32xbf16>
        %sub3A = arith.subf %bitcast3A, %bitcast3A_174 : vector<32xbf16>
        %bitcast3A_175 = vector.bitcast %gather3A_172 : vector<16xi32> to vector<32xbf16>
        %bitcast3A_176 = vector.bitcast %gather3A_173 : vector<16xi32> to vector<32xbf16>
        %sub3A_177 = arith.subf %bitcast3A_175, %bitcast3A_176 : vector<32xbf16>
        %add3A_178 = arith.constant 16896 : i32
        %add3A_179 = arith.addi %add3A_178, %mul3A_163 : i32
        %get3A_180 = arith.index_cast %add3A_179 : i32 to index
        %get3A_181 = tpu.vector_load %arg9[%get3A_180] {strides = array<i32>} : memref<32768xi32, #tpu.memory_space<vmem>>, vector<16xi32>,
        %and3A_182 = arith.constant 65535 : i32
        %and3A_183 = vector.broadcast %and3A_182 : i32 to vector<16xi32>
        %and3A_184 = arith.andi %get3A_181, %and3A_183 : vector<16xi32>
        %shift_right_logical3A_185 = arith.constant 16 : i32
        %shift_right_logical3A_186 = vector.broadcast %shift_right_logical3A_185 : i32 to vector<16xi32>
        %shift_right_logical3A_187 = arith.shrui %get3A_181, %shift_right_logical3A_186 : vector<16xi32>
        %gather3A_188 = tpu.vector_load_idx %arg7[%and3A_184] : memref<10000xi32, #tpu.memory_space<vmem>>[vector<16xi32>], vector<16xi32>,
        %gather3A_189 = tpu.vector_load_idx %arg7[%shift_right_logical3A_187] : memref<10000xi32, #tpu.memory_space<vmem>>[vector<16xi32>], vector<16xi32>,
        %gather3A_190 = tpu.vector_load_idx %arg8[%and3A_184] : memref<10000xi32, #tpu.memory_space<vmem>>[vector<16xi32>], vector<16xi32>,
        %gather3A_191 = tpu.vector_load_idx %arg8[%shift_right_logical3A_187] : memref<10000xi32, #tpu.memory_space<vmem>>[vector<16xi32>], vector<16xi32>,
        %bitcast3A_192 = vector.bitcast %gather3A_188 : vector<16xi32> to vector<32xbf16>
        %bitcast3A_193 = vector.bitcast %gather3A_189 : vector<16xi32> to vector<32xbf16>
        %sub3A_194 = arith.subf %bitcast3A_192, %bitcast3A_193 : vector<32xbf16>
        %bitcast3A_195 = vector.bitcast %gather3A_190 : vector<16xi32> to vector<32xbf16>
        %bitcast3A_196 = vector.bitcast %gather3A_191 : vector<16xi32> to vector<32xbf16>
        %sub3A_197 = arith.subf %bitcast3A_195, %bitcast3A_196 : vector<32xbf16>
        %max3A = arith.maximumf %sub3A, %sub3A_194 : vector<32xbf16>
        %max3A_198 = arith.maximumf %sub3A_177, %sub3A_197 : vector<32xbf16>
        %add3A_199 = arith.constant 17408 : i32
        %add3A_200 = arith.addi %add3A_199, %mul3A_163 : i32
        %get3A_201 = arith.index_cast %add3A_200 : i32 to index
        %get3A_202 = tpu.vector_load %arg9[%get3A_201] {strides = array<i32>} : memref<32768xi32, #tpu.memory_space<vmem>>, vector<16xi32>,
        %and3A_203 = arith.constant 65535 : i32
        %and3A_204 = vector.broadcast %and3A_203 : i32 to vector<16xi32>
        %and3A_205 = arith.andi %get3A_202, %and3A_204 : vector<16xi32>
        %shift_right_logical3A_206 = arith.constant 16 : i32
        %shift_right_logical3A_207 = vector.broadcast %shift_right_logical3A_206 : i32 to vector<16xi32>
        %shift_right_logical3A_208 = arith.shrui %get3A_202, %shift_right_logical3A_207 : vector<16xi32>
        %gather3A_209 = tpu.vector_load_idx %arg7[%and3A_205] : memref<10000xi32, #tpu.memory_space<vmem>>[vector<16xi32>], vector<16xi32>,
        %gather3A_210 = tpu.vector_load_idx %arg7[%shift_right_logical3A_208] : memref<10000xi32, #tpu.memory_space<vmem>>[vector<16xi32>], vector<16xi32>,
        %gather3A_211 = tpu.vector_load_idx %arg8[%and3A_205] : memref<10000xi32, #tpu.memory_space<vmem>>[vector<16xi32>], vector<16xi32>,
        %gather3A_212 = tpu.vector_load_idx %arg8[%shift_right_logical3A_208] : memref<10000xi32, #tpu.memory_space<vmem>>[vector<16xi32>], vector<16xi32>,
        %bitcast3A_213 = vector.bitcast %gather3A_209 : vector<16xi32> to vector<32xbf16>
        %bitcast3A_214 = vector.bitcast %gather3A_210 : vector<16xi32> to vector<32xbf16>
        %sub3A_215 = arith.subf %bitcast3A_213, %bitcast3A_214 : vector<32xbf16>
        %bitcast3A_216 = vector.bitcast %gather3A_211 : vector<16xi32> to vector<32xbf16>
        %bitcast3A_217 = vector.bitcast %gather3A_212 : vector<16xi32> to vector<32xbf16>
        %sub3A_218 = arith.subf %bitcast3A_216, %bitcast3A_217 : vector<32xbf16>
        %max3A_219 = arith.maximumf %max3A, %sub3A_215 : vector<32xbf16>
        %max3A_220 = arith.maximumf %max3A_198, %sub3A_218 : vector<32xbf16>
        %add3A_221 = arith.constant 17920 : i32
        %add3A_222 = arith.addi %add3A_221, %mul3A_163 : i32
        %get3A_223 = arith.index_cast %add3A_222 : i32 to index
        %get3A_224 = tpu.vector_load %arg9[%get3A_223] {strides = array<i32>} : memref<32768xi32, #tpu.memory_space<vmem>>, vector<16xi32>,
        %and3A_225 = arith.constant 65535 : i32
        %and3A_226 = vector.broadcast %and3A_225 : i32 to vector<16xi32>
        %and3A_227 = arith.andi %get3A_224, %and3A_226 : vector<16xi32>
        %shift_right_logical3A_228 = arith.constant 16 : i32
        %shift_right_logical3A_229 = vector.broadcast %shift_right_logical3A_228 : i32 to vector<16xi32>
        %shift_right_logical3A_230 = arith.shrui %get3A_224, %shift_right_logical3A_229 : vector<16xi32>
        %gather3A_231 = tpu.vector_load_idx %arg7[%and3A_227] : memref<10000xi32, #tpu.memory_space<vmem>>[vector<16xi32>], vector<16xi32>,
        %gather3A_232 = tpu.vector_load_idx %arg7[%shift_right_logical3A_230] : memref<10000xi32, #tpu.memory_space<vmem>>[vector<16xi32>], vector<16xi32>,
        %gather3A_233 = tpu.vector_load_idx %arg8[%and3A_227] : memref<10000xi32, #tpu.memory_space<vmem>>[vector<16xi32>], vector<16xi32>,
        %gather3A_234 = tpu.vector_load_idx %arg8[%shift_right_logical3A_230] : memref<10000xi32, #tpu.memory_space<vmem>>[vector<16xi32>], vector<16xi32>,
        %bitcast3A_235 = vector.bitcast %gather3A_231 : vector<16xi32> to vector<32xbf16>
        %bitcast3A_236 = vector.bitcast %gather3A_232 : vector<16xi32> to vector<32xbf16>
        %sub3A_237 = arith.subf %bitcast3A_235, %bitcast3A_236 : vector<32xbf16>
        %bitcast3A_238 = vector.bitcast %gather3A_233 : vector<16xi32> to vector<32xbf16>
        %bitcast3A_239 = vector.bitcast %gather3A_234 : vector<16xi32> to vector<32xbf16>
        %sub3A_240 = arith.subf %bitcast3A_238, %bitcast3A_239 : vector<32xbf16>
        %max3A_241 = arith.maximumf %max3A_219, %sub3A_237 : vector<32xbf16>
        %max3A_242 = arith.maximumf %max3A_220, %sub3A_240 : vector<32xbf16>
        %add3A_243 = arith.constant 18432 : i32
        %add3A_244 = arith.addi %add3A_243, %mul3A_163 : i32
        %get3A_245 = arith.index_cast %add3A_244 : i32 to index
        %get3A_246 = tpu.vector_load %arg9[%get3A_245] {strides = array<i32>} : memref<32768xi32, #tpu.memory_space<vmem>>, vector<16xi32>,
        %and3A_247 = arith.constant 65535 : i32
        %and3A_248 = vector.broadcast %and3A_247 : i32 to vector<16xi32>
        %and3A_249 = arith.andi %get3A_246, %and3A_248 : vector<16xi32>
        %shift_right_logical3A_250 = arith.constant 16 : i32
        %shift_right_logical3A_251 = vector.broadcast %shift_right_logical3A_250 : i32 to vector<16xi32>
        %shift_right_logical3A_252 = arith.shrui %get3A_246, %shift_right_logical3A_251 : vector<16xi32>
        %gather3A_253 = tpu.vector_load_idx %arg7[%and3A_249] : memref<10000xi32, #tpu.memory_space<vmem>>[vector<16xi32>], vector<16xi32>,
        %gather3A_254 = tpu.vector_load_idx %arg7[%shift_right_logical3A_252] : memref<10000xi32, #tpu.memory_space<vmem>>[vector<16xi32>], vector<16xi32>,
        %gather3A_255 = tpu.vector_load_idx %arg8[%and3A_249] : memref<10000xi32, #tpu.memory_space<vmem>>[vector<16xi32>], vector<16xi32>,
        %gather3A_256 = tpu.vector_load_idx %arg8[%shift_right_logical3A_252] : memref<10000xi32, #tpu.memory_space<vmem>>[vector<16xi32>], vector<16xi32>,
        %bitcast3A_257 = vector.bitcast %gather3A_253 : vector<16xi32> to vector<32xbf16>
        %bitcast3A_258 = vector.bitcast %gather3A_254 : vector<16xi32> to vector<32xbf16>
        %sub3A_259 = arith.subf %bitcast3A_257, %bitcast3A_258 : vector<32xbf16>
        %bitcast3A_260 = vector.bitcast %gather3A_255 : vector<16xi32> to vector<32xbf16>
        %bitcast3A_261 = vector.bitcast %gather3A_256 : vector<16xi32> to vector<32xbf16>
        %sub3A_262 = arith.subf %bitcast3A_260, %bitcast3A_261 : vector<32xbf16>
        %max3A_263 = arith.maximumf %max3A_241, %sub3A_259 : vector<32xbf16>
        %max3A_264 = arith.maximumf %max3A_242, %sub3A_262 : vector<32xbf16>
        %add3A_265 = arith.constant 18944 : i32
        %add3A_266 = arith.addi %add3A_265, %mul3A_163 : i32
        %get3A_267 = arith.index_cast %add3A_266 : i32 to index
        %get3A_268 = tpu.vector_load %arg9[%get3A_267] {strides = array<i32>} : memref<32768xi32, #tpu.memory_space<vmem>>, vector<16xi32>,
        %and3A_269 = arith.constant 65535 : i32
        %and3A_270 = vector.broadcast %and3A_269 : i32 to vector<16xi32>
        %and3A_271 = arith.andi %get3A_268, %and3A_270 : vector<16xi32>
        %shift_right_logical3A_272 = arith.constant 16 : i32
        %shift_right_logical3A_273 = vector.broadcast %shift_right_logical3A_272 : i32 to vector<16xi32>
        %shift_right_logical3A_274 = arith.shrui %get3A_268, %shift_right_logical3A_273 : vector<16xi32>
        %gather3A_275 = tpu.vector_load_idx %arg7[%and3A_271] : memref<10000xi32, #tpu.memory_space<vmem>>[vector<16xi32>], vector<16xi32>,
        %gather3A_276 = tpu.vector_load_idx %arg7[%shift_right_logical3A_274] : memref<10000xi32, #tpu.memory_space<vmem>>[vector<16xi32>], vector<16xi32>,
        %gather3A_277 = tpu.vector_load_idx %arg8[%and3A_271] : memref<10000xi32, #tpu.memory_space<vmem>>[vector<16xi32>], vector<16xi32>,
        %gather3A_278 = tpu.vector_load_idx %arg8[%shift_right_logical3A_274] : memref<10000xi32, #tpu.memory_space<vmem>>[vector<16xi32>], vector<16xi32>,
        %bitcast3A_279 = vector.bitcast %gather3A_275 : vector<16xi32> to vector<32xbf16>
        %bitcast3A_280 = vector.bitcast %gather3A_276 : vector<16xi32> to vector<32xbf16>
        %sub3A_281 = arith.subf %bitcast3A_279, %bitcast3A_280 : vector<32xbf16>
        %bitcast3A_282 = vector.bitcast %gather3A_277 : vector<16xi32> to vector<32xbf16>
        %bitcast3A_283 = vector.bitcast %gather3A_278 : vector<16xi32> to vector<32xbf16>
        %sub3A_284 = arith.subf %bitcast3A_282, %bitcast3A_283 : vector<32xbf16>
        %max3A_285 = arith.maximumf %max3A_263, %sub3A_281 : vector<32xbf16>
        %max3A_286 = arith.maximumf %max3A_264, %sub3A_284 : vector<32xbf16>
        %add3A_287 = arith.constant 19456 : i32
        %add3A_288 = arith.addi %add3A_287, %mul3A_163 : i32
        %get3A_289 = arith.index_cast %add3A_288 : i32 to index
        %get3A_290 = tpu.vector_load %arg9[%get3A_289] {strides = array<i32>} : memref<32768xi32, #tpu.memory_space<vmem>>, vector<16xi32>,
        %and3A_291 = arith.constant 65535 : i32
        %and3A_292 = vector.broadcast %and3A_291 : i32 to vector<16xi32>
        %and3A_293 = arith.andi %get3A_290, %and3A_292 : vector<16xi32>
        %shift_right_logical3A_294 = arith.constant 16 : i32
        %shift_right_logical3A_295 = vector.broadcast %shift_right_logical3A_294 : i32 to vector<16xi32>
        %shift_right_logical3A_296 = arith.shrui %get3A_290, %shift_right_logical3A_295 : vector<16xi32>
        %gather3A_297 = tpu.vector_load_idx %arg7[%and3A_293] : memref<10000xi32, #tpu.memory_space<vmem>>[vector<16xi32>], vector<16xi32>,
        %gather3A_298 = tpu.vector_load_idx %arg7[%shift_right_logical3A_296] : memref<10000xi32, #tpu.memory_space<vmem>>[vector<16xi32>], vector<16xi32>,
        %gather3A_299 = tpu.vector_load_idx %arg8[%and3A_293] : memref<10000xi32, #tpu.memory_space<vmem>>[vector<16xi32>], vector<16xi32>,
        %gather3A_300 = tpu.vector_load_idx %arg8[%shift_right_logical3A_296] : memref<10000xi32, #tpu.memory_space<vmem>>[vector<16xi32>], vector<16xi32>,
        %bitcast3A_301 = vector.bitcast %gather3A_297 : vector<16xi32> to vector<32xbf16>
        %bitcast3A_302 = vector.bitcast %gather3A_298 : vector<16xi32> to vector<32xbf16>
        %sub3A_303 = arith.subf %bitcast3A_301, %bitcast3A_302 : vector<32xbf16>
        %bitcast3A_304 = vector.bitcast %gather3A_299 : vector<16xi32> to vector<32xbf16>
        %bitcast3A_305 = vector.bitcast %gather3A_300 : vector<16xi32> to vector<32xbf16>
        %sub3A_306 = arith.subf %bitcast3A_304, %bitcast3A_305 : vector<32xbf16>
        %max3A_307 = arith.maximumf %max3A_285, %sub3A_303 : vector<32xbf16>
        %max3A_308 = arith.maximumf %max3A_286, %sub3A_306 : vector<32xbf16>
        %add3A_309 = arith.constant 19968 : i32
        %add3A_310 = arith.addi %add3A_309, %mul3A_163 : i32
        %get3A_311 = arith.index_cast %add3A_310 : i32 to index
        %get3A_312 = tpu.vector_load %arg9[%get3A_311] {strides = array<i32>} : memref<32768xi32, #tpu.memory_space<vmem>>, vector<16xi32>,
        %and3A_313 = arith.constant 65535 : i32
        %and3A_314 = vector.broadcast %and3A_313 : i32 to vector<16xi32>
        %and3A_315 = arith.andi %get3A_312, %and3A_314 : vector<16xi32>
        %shift_right_logical3A_316 = arith.constant 16 : i32
        %shift_right_logical3A_317 = vector.broadcast %shift_right_logical3A_316 : i32 to vector<16xi32>
        %shift_right_logical3A_318 = arith.shrui %get3A_312, %shift_right_logical3A_317 : vector<16xi32>
        %gather3A_319 = tpu.vector_load_idx %arg7[%and3A_315] : memref<10000xi32, #tpu.memory_space<vmem>>[vector<16xi32>], vector<16xi32>,
        %gather3A_320 = tpu.vector_load_idx %arg7[%shift_right_logical3A_318] : memref<10000xi32, #tpu.memory_space<vmem>>[vector<16xi32>], vector<16xi32>,
        %gather3A_321 = tpu.vector_load_idx %arg8[%and3A_315] : memref<10000xi32, #tpu.memory_space<vmem>>[vector<16xi32>], vector<16xi32>,
        %gather3A_322 = tpu.vector_load_idx %arg8[%shift_right_logical3A_318] : memref<10000xi32, #tpu.memory_space<vmem>>[vector<16xi32>], vector<16xi32>,
        %bitcast3A_323 = vector.bitcast %gather3A_319 : vector<16xi32> to vector<32xbf16>
        %bitcast3A_324 = vector.bitcast %gather3A_320 : vector<16xi32> to vector<32xbf16>
        %sub3A_325 = arith.subf %bitcast3A_323, %bitcast3A_324 : vector<32xbf16>
        %bitcast3A_326 = vector.bitcast %gather3A_321 : vector<16xi32> to vector<32xbf16>
        %bitcast3A_327 = vector.bitcast %gather3A_322 : vector<16xi32> to vector<32xbf16>
        %sub3A_328 = arith.subf %bitcast3A_326, %bitcast3A_327 : vector<32xbf16>
        %max3A_329 = arith.maximumf %max3A_307, %sub3A_325 : vector<32xbf16>
        %max3A_330 = arith.maximumf %max3A_308, %sub3A_328 : vector<32xbf16>
        %add3A_331 = arith.constant 20480 : i32
        %add3A_332 = arith.addi %add3A_331, %mul3A_163 : i32
        %get3A_333 = arith.index_cast %add3A_332 : i32 to index
        %get3A_334 = tpu.vector_load %arg9[%get3A_333] {strides = array<i32>} : memref<32768xi32, #tpu.memory_space<vmem>>, vector<16xi32>,
        %and3A_335 = arith.constant 65535 : i32
        %and3A_336 = vector.broadcast %and3A_335 : i32 to vector<16xi32>
        %and3A_337 = arith.andi %get3A_334, %and3A_336 : vector<16xi32>
        %shift_right_logical3A_338 = arith.constant 16 : i32
        %shift_right_logical3A_339 = vector.broadcast %shift_right_logical3A_338 : i32 to vector<16xi32>
        %shift_right_logical3A_340 = arith.shrui %get3A_334, %shift_right_logical3A_339 : vector<16xi32>
        %gather3A_341 = tpu.vector_load_idx %arg7[%and3A_337] : memref<10000xi32, #tpu.memory_space<vmem>>[vector<16xi32>], vector<16xi32>,
        %gather3A_342 = tpu.vector_load_idx %arg7[%shift_right_logical3A_340] : memref<10000xi32, #tpu.memory_space<vmem>>[vector<16xi32>], vector<16xi32>,
        %gather3A_343 = tpu.vector_load_idx %arg8[%and3A_337] : memref<10000xi32, #tpu.memory_space<vmem>>[vector<16xi32>], vector<16xi32>,
        %gather3A_344 = tpu.vector_load_idx %arg8[%shift_right_logical3A_340] : memref<10000xi32, #tpu.memory_space<vmem>>[vector<16xi32>], vector<16xi32>,
        %bitcast3A_345 = vector.bitcast %gather3A_341 : vector<16xi32> to vector<32xbf16>
        %bitcast3A_346 = vector.bitcast %gather3A_342 : vector<16xi32> to vector<32xbf16>
        %sub3A_347 = arith.subf %bitcast3A_345, %bitcast3A_346 : vector<32xbf16>
        %bitcast3A_348 = vector.bitcast %gather3A_343 : vector<16xi32> to vector<32xbf16>
        %bitcast3A_349 = vector.bitcast %gather3A_344 : vector<16xi32> to vector<32xbf16>
        %sub3A_350 = arith.subf %bitcast3A_348, %bitcast3A_349 : vector<32xbf16>
        %max3A_351 = arith.maximumf %max3A_329, %sub3A_347 : vector<32xbf16>
        %max3A_352 = arith.maximumf %max3A_330, %sub3A_350 : vector<32xbf16>
        %add3A_353 = arith.constant 20992 : i32
        %add3A_354 = arith.addi %add3A_353, %mul3A_163 : i32
        %get3A_355 = arith.index_cast %add3A_354 : i32 to index
        %get3A_356 = tpu.vector_load %arg9[%get3A_355] {strides = array<i32>} : memref<32768xi32, #tpu.memory_space<vmem>>, vector<16xi32>,
        %and3A_357 = arith.constant 65535 : i32
        %and3A_358 = vector.broadcast %and3A_357 : i32 to vector<16xi32>
        %and3A_359 = arith.andi %get3A_356, %and3A_358 : vector<16xi32>
        %shift_right_logical3A_360 = arith.constant 16 : i32
        %shift_right_logical3A_361 = vector.broadcast %shift_right_logical3A_360 : i32 to vector<16xi32>
        %shift_right_logical3A_362 = arith.shrui %get3A_356, %shift_right_logical3A_361 : vector<16xi32>
        %gather3A_363 = tpu.vector_load_idx %arg7[%and3A_359] : memref<10000xi32, #tpu.memory_space<vmem>>[vector<16xi32>], vector<16xi32>,
        %gather3A_364 = tpu.vector_load_idx %arg7[%shift_right_logical3A_362] : memref<10000xi32, #tpu.memory_space<vmem>>[vector<16xi32>], vector<16xi32>,
        %gather3A_365 = tpu.vector_load_idx %arg8[%and3A_359] : memref<10000xi32, #tpu.memory_space<vmem>>[vector<16xi32>], vector<16xi32>,
        %gather3A_366 = tpu.vector_load_idx %arg8[%shift_right_logical3A_362] : memref<10000xi32, #tpu.memory_space<vmem>>[vector<16xi32>], vector<16xi32>,
        %bitcast3A_367 = vector.bitcast %gather3A_363 : vector<16xi32> to vector<32xbf16>
        %bitcast3A_368 = vector.bitcast %gather3A_364 : vector<16xi32> to vector<32xbf16>
        %sub3A_369 = arith.subf %bitcast3A_367, %bitcast3A_368 : vector<32xbf16>
        %bitcast3A_370 = vector.bitcast %gather3A_365 : vector<16xi32> to vector<32xbf16>
        %bitcast3A_371 = vector.bitcast %gather3A_366 : vector<16xi32> to vector<32xbf16>
        %sub3A_372 = arith.subf %bitcast3A_370, %bitcast3A_371 : vector<32xbf16>
        %max3A_373 = arith.maximumf %max3A_351, %sub3A_369 : vector<32xbf16>
        %max3A_374 = arith.maximumf %max3A_352, %sub3A_372 : vector<32xbf16>
        %add3A_375 = arith.constant 21504 : i32
        %add3A_376 = arith.addi %add3A_375, %mul3A_163 : i32
        %get3A_377 = arith.index_cast %add3A_376 : i32 to index
        %get3A_378 = tpu.vector_load %arg9[%get3A_377] {strides = array<i32>} : memref<32768xi32, #tpu.memory_space<vmem>>, vector<16xi32>,
        %and3A_379 = arith.constant 65535 : i32
        %and3A_380 = vector.broadcast %and3A_379 : i32 to vector<16xi32>
        %and3A_381 = arith.andi %get3A_378, %and3A_380 : vector<16xi32>
        %shift_right_logical3A_382 = arith.constant 16 : i32
        %shift_right_logical3A_383 = vector.broadcast %shift_right_logical3A_382 : i32 to vector<16xi32>
        %shift_right_logical3A_384 = arith.shrui %get3A_378, %shift_right_logical3A_383 : vector<16xi32>
        %gather3A_385 = tpu.vector_load_idx %arg7[%and3A_381] : memref<10000xi32, #tpu.memory_space<vmem>>[vector<16xi32>], vector<16xi32>,
        %gather3A_386 = tpu.vector_load_idx %arg7[%shift_right_logical3A_384] : memref<10000xi32, #tpu.memory_space<vmem>>[vector<16xi32>], vector<16xi32>,
        %gather3A_387 = tpu.vector_load_idx %arg8[%and3A_381] : memref<10000xi32, #tpu.memory_space<vmem>>[vector<16xi32>], vector<16xi32>,
        %gather3A_388 = tpu.vector_load_idx %arg8[%shift_right_logical3A_384] : memref<10000xi32, #tpu.memory_space<vmem>>[vector<16xi32>], vector<16xi32>,
        %bitcast3A_389 = vector.bitcast %gather3A_385 : vector<16xi32> to vector<32xbf16>
        %bitcast3A_390 = vector.bitcast %gather3A_386 : vector<16xi32> to vector<32xbf16>
        %sub3A_391 = arith.subf %bitcast3A_389, %bitcast3A_390 : vector<32xbf16>
        %bitcast3A_392 = vector.bitcast %gather3A_387 : vector<16xi32> to vector<32xbf16>
        %bitcast3A_393 = vector.bitcast %gather3A_388 : vector<16xi32> to vector<32xbf16>
        %sub3A_394 = arith.subf %bitcast3A_392, %bitcast3A_393 : vector<32xbf16>
        %max3A_395 = arith.maximumf %max3A_373, %sub3A_391 : vector<32xbf16>
        %max3A_396 = arith.maximumf %max3A_374, %sub3A_394 : vector<32xbf16>
        %add3A_397 = arith.constant 22016 : i32
        %add3A_398 = arith.addi %add3A_397, %mul3A_163 : i32
        %get3A_399 = arith.index_cast %add3A_398 : i32 to index
        %get3A_400 = tpu.vector_load %arg9[%get3A_399] {strides = array<i32>} : memref<32768xi32, #tpu.memory_space<vmem>>, vector<16xi32>,
        %and3A_401 = arith.constant 65535 : i32
        %and3A_402 = vector.broadcast %and3A_401 : i32 to vector<16xi32>
        %and3A_403 = arith.andi %get3A_400, %and3A_402 : vector<16xi32>
        %shift_right_logical3A_404 = arith.constant 16 : i32
        %shift_right_logical3A_405 = vector.broadcast %shift_right_logical3A_404 : i32 to vector<16xi32>
        %shift_right_logical3A_406 = arith.shrui %get3A_400, %shift_right_logical3A_405 : vector<16xi32>
        %gather3A_407 = tpu.vector_load_idx %arg7[%and3A_403] : memref<10000xi32, #tpu.memory_space<vmem>>[vector<16xi32>], vector<16xi32>,
        %gather3A_408 = tpu.vector_load_idx %arg7[%shift_right_logical3A_406] : memref<10000xi32, #tpu.memory_space<vmem>>[vector<16xi32>], vector<16xi32>,
        %gather3A_409 = tpu.vector_load_idx %arg8[%and3A_403] : memref<10000xi32, #tpu.memory_space<vmem>>[vector<16xi32>], vector<16xi32>,
        %gather3A_410 = tpu.vector_load_idx %arg8[%shift_right_logical3A_406] : memref<10000xi32, #tpu.memory_space<vmem>>[vector<16xi32>], vector<16xi32>,
        %bitcast3A_411 = vector.bitcast %gather3A_407 : vector<16xi32> to vector<32xbf16>
        %bitcast3A_412 = vector.bitcast %gather3A_408 : vector<16xi32> to vector<32xbf16>
        %sub3A_413 = arith.subf %bitcast3A_411, %bitcast3A_412 : vector<32xbf16>
        %bitcast3A_414 = vector.bitcast %gather3A_409 : vector<16xi32> to vector<32xbf16>
        %bitcast3A_415 = vector.bitcast %gather3A_410 : vector<16xi32> to vector<32xbf16>
        %sub3A_416 = arith.subf %bitcast3A_414, %bitcast3A_415 : vector<32xbf16>
        %max3A_417 = arith.maximumf %max3A_395, %sub3A_413 : vector<32xbf16>
        %max3A_418 = arith.maximumf %max3A_396, %sub3A_416 : vector<32xbf16>
        %add3A_419 = arith.constant 22528 : i32
        %add3A_420 = arith.addi %add3A_419, %mul3A_163 : i32
        %get3A_421 = arith.index_cast %add3A_420 : i32 to index
        %get3A_422 = tpu.vector_load %arg9[%get3A_421] {strides = array<i32>} : memref<32768xi32, #tpu.memory_space<vmem>>, vector<16xi32>,
        %and3A_423 = arith.constant 65535 : i32
        %and3A_424 = vector.broadcast %and3A_423 : i32 to vector<16xi32>
        %and3A_425 = arith.andi %get3A_422, %and3A_424 : vector<16xi32>
        %shift_right_logical3A_426 = arith.constant 16 : i32
        %shift_right_logical3A_427 = vector.broadcast %shift_right_logical3A_426 : i32 to vector<16xi32>
        %shift_right_logical3A_428 = arith.shrui %get3A_422, %shift_right_logical3A_427 : vector<16xi32>
        %gather3A_429 = tpu.vector_load_idx %arg7[%and3A_425] : memref<10000xi32, #tpu.memory_space<vmem>>[vector<16xi32>], vector<16xi32>,
        %gather3A_430 = tpu.vector_load_idx %arg7[%shift_right_logical3A_428] : memref<10000xi32, #tpu.memory_space<vmem>>[vector<16xi32>], vector<16xi32>,
        %gather3A_431 = tpu.vector_load_idx %arg8[%and3A_425] : memref<10000xi32, #tpu.memory_space<vmem>>[vector<16xi32>], vector<16xi32>,
        %gather3A_432 = tpu.vector_load_idx %arg8[%shift_right_logical3A_428] : memref<10000xi32, #tpu.memory_space<vmem>>[vector<16xi32>], vector<16xi32>,
        %bitcast3A_433 = vector.bitcast %gather3A_429 : vector<16xi32> to vector<32xbf16>
        %bitcast3A_434 = vector.bitcast %gather3A_430 : vector<16xi32> to vector<32xbf16>
        %sub3A_435 = arith.subf %bitcast3A_433, %bitcast3A_434 : vector<32xbf16>
        %bitcast3A_436 = vector.bitcast %gather3A_431 : vector<16xi32> to vector<32xbf16>
        %bitcast3A_437 = vector.bitcast %gather3A_432 : vector<16xi32> to vector<32xbf16>
        %sub3A_438 = arith.subf %bitcast3A_436, %bitcast3A_437 : vector<32xbf16>
        %max3A_439 = arith.maximumf %max3A_417, %sub3A_435 : vector<32xbf16>
        %max3A_440 = arith.maximumf %max3A_418, %sub3A_438 : vector<32xbf16>
        %add3A_441 = arith.constant 23040 : i32
        %add3A_442 = arith.addi %add3A_441, %mul3A_163 : i32
        %get3A_443 = arith.index_cast %add3A_442 : i32 to index
        %get3A_444 = tpu.vector_load %arg9[%get3A_443] {strides = array<i32>} : memref<32768xi32, #tpu.memory_space<vmem>>, vector<16xi32>,
        %and3A_445 = arith.constant 65535 : i32
        %and3A_446 = vector.broadcast %and3A_445 : i32 to vector<16xi32>
        %and3A_447 = arith.andi %get3A_444, %and3A_446 : vector<16xi32>
        %shift_right_logical3A_448 = arith.constant 16 : i32
        %shift_right_logical3A_449 = vector.broadcast %shift_right_logical3A_448 : i32 to vector<16xi32>
        %shift_right_logical3A_450 = arith.shrui %get3A_444, %shift_right_logical3A_449 : vector<16xi32>
        %gather3A_451 = tpu.vector_load_idx %arg7[%and3A_447] : memref<10000xi32, #tpu.memory_space<vmem>>[vector<16xi32>], vector<16xi32>,
        %gather3A_452 = tpu.vector_load_idx %arg7[%shift_right_logical3A_450] : memref<10000xi32, #tpu.memory_space<vmem>>[vector<16xi32>], vector<16xi32>,
        %gather3A_453 = tpu.vector_load_idx %arg8[%and3A_447] : memref<10000xi32, #tpu.memory_space<vmem>>[vector<16xi32>], vector<16xi32>,
        %gather3A_454 = tpu.vector_load_idx %arg8[%shift_right_logical3A_450] : memref<10000xi32, #tpu.memory_space<vmem>>[vector<16xi32>], vector<16xi32>,
        %bitcast3A_455 = vector.bitcast %gather3A_451 : vector<16xi32> to vector<32xbf16>
        %bitcast3A_456 = vector.bitcast %gather3A_452 : vector<16xi32> to vector<32xbf16>
        %sub3A_457 = arith.subf %bitcast3A_455, %bitcast3A_456 : vector<32xbf16>
        %bitcast3A_458 = vector.bitcast %gather3A_453 : vector<16xi32> to vector<32xbf16>
        %bitcast3A_459 = vector.bitcast %gather3A_454 : vector<16xi32> to vector<32xbf16>
        %sub3A_460 = arith.subf %bitcast3A_458, %bitcast3A_459 : vector<32xbf16>
        %max3A_461 = arith.maximumf %max3A_439, %sub3A_457 : vector<32xbf16>
        %max3A_462 = arith.maximumf %max3A_440, %sub3A_460 : vector<32xbf16>
        %add3A_463 = arith.constant 23552 : i32
        %add3A_464 = arith.addi %add3A_463, %mul3A_163 : i32
        %get3A_465 = arith.index_cast %add3A_464 : i32 to index
        %get3A_466 = tpu.vector_load %arg9[%get3A_465] {strides = array<i32>} : memref<32768xi32, #tpu.memory_space<vmem>>, vector<16xi32>,
        %and3A_467 = arith.constant 65535 : i32
        %and3A_468 = vector.broadcast %and3A_467 : i32 to vector<16xi32>
        %and3A_469 = arith.andi %get3A_466, %and3A_468 : vector<16xi32>
        %shift_right_logical3A_470 = arith.constant 16 : i32
        %shift_right_logical3A_471 = vector.broadcast %shift_right_logical3A_470 : i32 to vector<16xi32>
        %shift_right_logical3A_472 = arith.shrui %get3A_466, %shift_right_logical3A_471 : vector<16xi32>
        %gather3A_473 = tpu.vector_load_idx %arg7[%and3A_469] : memref<10000xi32, #tpu.memory_space<vmem>>[vector<16xi32>], vector<16xi32>,
        %gather3A_474 = tpu.vector_load_idx %arg7[%shift_right_logical3A_472] : memref<10000xi32, #tpu.memory_space<vmem>>[vector<16xi32>], vector<16xi32>,
        %gather3A_475 = tpu.vector_load_idx %arg8[%and3A_469] : memref<10000xi32, #tpu.memory_space<vmem>>[vector<16xi32>], vector<16xi32>,
        %gather3A_476 = tpu.vector_load_idx %arg8[%shift_right_logical3A_472] : memref<10000xi32, #tpu.memory_space<vmem>>[vector<16xi32>], vector<16xi32>,
        %bitcast3A_477 = vector.bitcast %gather3A_473 : vector<16xi32> to vector<32xbf16>
        %bitcast3A_478 = vector.bitcast %gather3A_474 : vector<16xi32> to vector<32xbf16>
        %sub3A_479 = arith.subf %bitcast3A_477, %bitcast3A_478 : vector<32xbf16>
        %bitcast3A_480 = vector.bitcast %gather3A_475 : vector<16xi32> to vector<32xbf16>
        %bitcast3A_481 = vector.bitcast %gather3A_476 : vector<16xi32> to vector<32xbf16>
        %sub3A_482 = arith.subf %bitcast3A_480, %bitcast3A_481 : vector<32xbf16>
        %max3A_483 = arith.maximumf %max3A_461, %sub3A_479 : vector<32xbf16>
        %max3A_484 = arith.maximumf %max3A_462, %sub3A_482 : vector<32xbf16>
        %add3A_485 = arith.constant 24064 : i32
        %add3A_486 = arith.addi %add3A_485, %mul3A_163 : i32
        %get3A_487 = arith.index_cast %add3A_486 : i32 to index
        %get3A_488 = tpu.vector_load %arg9[%get3A_487] {strides = array<i32>} : memref<32768xi32, #tpu.memory_space<vmem>>, vector<16xi32>,
        %and3A_489 = arith.constant 65535 : i32
        %and3A_490 = vector.broadcast %and3A_489 : i32 to vector<16xi32>
        %and3A_491 = arith.andi %get3A_488, %and3A_490 : vector<16xi32>
        %shift_right_logical3A_492 = arith.constant 16 : i32
        %shift_right_logical3A_493 = vector.broadcast %shift_right_logical3A_492 : i32 to vector<16xi32>
        %shift_right_logical3A_494 = arith.shrui %get3A_488, %shift_right_logical3A_493 : vector<16xi32>
        %gather3A_495 = tpu.vector_load_idx %arg7[%and3A_491] : memref<10000xi32, #tpu.memory_space<vmem>>[vector<16xi32>], vector<16xi32>,
        %gather3A_496 = tpu.vector_load_idx %arg7[%shift_right_logical3A_494] : memref<10000xi32, #tpu.memory_space<vmem>>[vector<16xi32>], vector<16xi32>,
        %gather3A_497 = tpu.vector_load_idx %arg8[%and3A_491] : memref<10000xi32, #tpu.memory_space<vmem>>[vector<16xi32>], vector<16xi32>,
        %gather3A_498 = tpu.vector_load_idx %arg8[%shift_right_logical3A_494] : memref<10000xi32, #tpu.memory_space<vmem>>[vector<16xi32>], vector<16xi32>,
        %bitcast3A_499 = vector.bitcast %gather3A_495 : vector<16xi32> to vector<32xbf16>
        %bitcast3A_500 = vector.bitcast %gather3A_496 : vector<16xi32> to vector<32xbf16>
        %sub3A_501 = arith.subf %bitcast3A_499, %bitcast3A_500 : vector<32xbf16>
        %bitcast3A_502 = vector.bitcast %gather3A_497 : vector<16xi32> to vector<32xbf16>
        %bitcast3A_503 = vector.bitcast %gather3A_498 : vector<16xi32> to vector<32xbf16>
        %sub3A_504 = arith.subf %bitcast3A_502, %bitcast3A_503 : vector<32xbf16>
        %max3A_505 = arith.maximumf %max3A_483, %sub3A_501 : vector<32xbf16>
        %max3A_506 = arith.maximumf %max3A_484, %sub3A_504 : vector<32xbf16>
        %add3A_507 = arith.constant 24576 : i32
        %add3A_508 = arith.addi %add3A_507, %mul3A_163 : i32
        %get3A_509 = arith.index_cast %add3A_508 : i32 to index
        %get3A_510 = tpu.vector_load %arg9[%get3A_509] {strides = array<i32>} : memref<32768xi32, #tpu.memory_space<vmem>>, vector<16xi32>,
        %and3A_511 = arith.constant 65535 : i32
        %and3A_512 = vector.broadcast %and3A_511 : i32 to vector<16xi32>
        %and3A_513 = arith.andi %get3A_510, %and3A_512 : vector<16xi32>
        %shift_right_logical3A_514 = arith.constant 16 : i32
        %shift_right_logical3A_515 = vector.broadcast %shift_right_logical3A_514 : i32 to vector<16xi32>
        %shift_right_logical3A_516 = arith.shrui %get3A_510, %shift_right_logical3A_515 : vector<16xi32>
        %gather3A_517 = tpu.vector_load_idx %arg7[%and3A_513] : memref<10000xi32, #tpu.memory_space<vmem>>[vector<16xi32>], vector<16xi32>,
        %gather3A_518 = tpu.vector_load_idx %arg7[%shift_right_logical3A_516] : memref<10000xi32, #tpu.memory_space<vmem>>[vector<16xi32>], vector<16xi32>,
        %gather3A_519 = tpu.vector_load_idx %arg8[%and3A_513] : memref<10000xi32, #tpu.memory_space<vmem>>[vector<16xi32>], vector<16xi32>,
        %gather3A_520 = tpu.vector_load_idx %arg8[%shift_right_logical3A_516] : memref<10000xi32, #tpu.memory_space<vmem>>[vector<16xi32>], vector<16xi32>,
        %bitcast3A_521 = vector.bitcast %gather3A_517 : vector<16xi32> to vector<32xbf16>
        %bitcast3A_522 = vector.bitcast %gather3A_518 : vector<16xi32> to vector<32xbf16>
        %sub3A_523 = arith.subf %bitcast3A_521, %bitcast3A_522 : vector<32xbf16>
        %bitcast3A_524 = vector.bitcast %gather3A_519 : vector<16xi32> to vector<32xbf16>
        %bitcast3A_525 = vector.bitcast %gather3A_520 : vector<16xi32> to vector<32xbf16>
        %sub3A_526 = arith.subf %bitcast3A_524, %bitcast3A_525 : vector<32xbf16>
        %max3A_527 = arith.maximumf %max3A_505, %sub3A_523 : vector<32xbf16>
        %max3A_528 = arith.maximumf %max3A_506, %sub3A_526 : vector<32xbf16>
        %add3A_529 = arith.constant 25088 : i32
        %add3A_530 = arith.addi %add3A_529, %mul3A_163 : i32
        %get3A_531 = arith.index_cast %add3A_530 : i32 to index
        %get3A_532 = tpu.vector_load %arg9[%get3A_531] {strides = array<i32>} : memref<32768xi32, #tpu.memory_space<vmem>>, vector<16xi32>,
        %and3A_533 = arith.constant 65535 : i32
        %and3A_534 = vector.broadcast %and3A_533 : i32 to vector<16xi32>
        %and3A_535 = arith.andi %get3A_532, %and3A_534 : vector<16xi32>
        %shift_right_logical3A_536 = arith.constant 16 : i32
        %shift_right_logical3A_537 = vector.broadcast %shift_right_logical3A_536 : i32 to vector<16xi32>
        %shift_right_logical3A_538 = arith.shrui %get3A_532, %shift_right_logical3A_537 : vector<16xi32>
        %gather3A_539 = tpu.vector_load_idx %arg7[%and3A_535] : memref<10000xi32, #tpu.memory_space<vmem>>[vector<16xi32>], vector<16xi32>,
        %gather3A_540 = tpu.vector_load_idx %arg7[%shift_right_logical3A_538] : memref<10000xi32, #tpu.memory_space<vmem>>[vector<16xi32>], vector<16xi32>,
        %gather3A_541 = tpu.vector_load_idx %arg8[%and3A_535] : memref<10000xi32, #tpu.memory_space<vmem>>[vector<16xi32>], vector<16xi32>,
        %gather3A_542 = tpu.vector_load_idx %arg8[%shift_right_logical3A_538] : memref<10000xi32, #tpu.memory_space<vmem>>[vector<16xi32>], vector<16xi32>,
        %bitcast3A_543 = vector.bitcast %gather3A_539 : vector<16xi32> to vector<32xbf16>
        %bitcast3A_544 = vector.bitcast %gather3A_540 : vector<16xi32> to vector<32xbf16>
        %sub3A_545 = arith.subf %bitcast3A_543, %bitcast3A_544 : vector<32xbf16>
        %bitcast3A_546 = vector.bitcast %gather3A_541 : vector<16xi32> to vector<32xbf16>
        %bitcast3A_547 = vector.bitcast %gather3A_542 : vector<16xi32> to vector<32xbf16>
        %sub3A_548 = arith.subf %bitcast3A_546, %bitcast3A_547 : vector<32xbf16>
        %max3A_549 = arith.maximumf %max3A_527, %sub3A_545 : vector<32xbf16>
        %max3A_550 = arith.maximumf %max3A_528, %sub3A_548 : vector<32xbf16>
        %add3A_551 = arith.constant 25600 : i32
        %add3A_552 = arith.addi %add3A_551, %mul3A_163 : i32
        %get3A_553 = arith.index_cast %add3A_552 : i32 to index
        %get3A_554 = tpu.vector_load %arg9[%get3A_553] {strides = array<i32>} : memref<32768xi32, #tpu.memory_space<vmem>>, vector<16xi32>,
        %and3A_555 = arith.constant 65535 : i32
        %and3A_556 = vector.broadcast %and3A_555 : i32 to vector<16xi32>
        %and3A_557 = arith.andi %get3A_554, %and3A_556 : vector<16xi32>
        %shift_right_logical3A_558 = arith.constant 16 : i32
        %shift_right_logical3A_559 = vector.broadcast %shift_right_logical3A_558 : i32 to vector<16xi32>
        %shift_right_logical3A_560 = arith.shrui %get3A_554, %shift_right_logical3A_559 : vector<16xi32>
        %gather3A_561 = tpu.vector_load_idx %arg7[%and3A_557] : memref<10000xi32, #tpu.memory_space<vmem>>[vector<16xi32>], vector<16xi32>,
        %gather3A_562 = tpu.vector_load_idx %arg7[%shift_right_logical3A_560] : memref<10000xi32, #tpu.memory_space<vmem>>[vector<16xi32>], vector<16xi32>,
        %gather3A_563 = tpu.vector_load_idx %arg8[%and3A_557] : memref<10000xi32, #tpu.memory_space<vmem>>[vector<16xi32>], vector<16xi32>,
        %gather3A_564 = tpu.vector_load_idx %arg8[%shift_right_logical3A_560] : memref<10000xi32, #tpu.memory_space<vmem>>[vector<16xi32>], vector<16xi32>,
        %bitcast3A_565 = vector.bitcast %gather3A_561 : vector<16xi32> to vector<32xbf16>
        %bitcast3A_566 = vector.bitcast %gather3A_562 : vector<16xi32> to vector<32xbf16>
        %sub3A_567 = arith.subf %bitcast3A_565, %bitcast3A_566 : vector<32xbf16>
        %bitcast3A_568 = vector.bitcast %gather3A_563 : vector<16xi32> to vector<32xbf16>
        %bitcast3A_569 = vector.bitcast %gather3A_564 : vector<16xi32> to vector<32xbf16>
        %sub3A_570 = arith.subf %bitcast3A_568, %bitcast3A_569 : vector<32xbf16>
        %max3A_571 = arith.maximumf %max3A_549, %sub3A_567 : vector<32xbf16>
        %max3A_572 = arith.maximumf %max3A_550, %sub3A_570 : vector<32xbf16>
        %add3A_573 = arith.constant 26112 : i32
        %add3A_574 = arith.addi %add3A_573, %mul3A_163 : i32
        %get3A_575 = arith.index_cast %add3A_574 : i32 to index
        %get3A_576 = tpu.vector_load %arg9[%get3A_575] {strides = array<i32>} : memref<32768xi32, #tpu.memory_space<vmem>>, vector<16xi32>,
        %and3A_577 = arith.constant 65535 : i32
        %and3A_578 = vector.broadcast %and3A_577 : i32 to vector<16xi32>
        %and3A_579 = arith.andi %get3A_576, %and3A_578 : vector<16xi32>
        %shift_right_logical3A_580 = arith.constant 16 : i32
        %shift_right_logical3A_581 = vector.broadcast %shift_right_logical3A_580 : i32 to vector<16xi32>
        %shift_right_logical3A_582 = arith.shrui %get3A_576, %shift_right_logical3A_581 : vector<16xi32>
        %gather3A_583 = tpu.vector_load_idx %arg7[%and3A_579] : memref<10000xi32, #tpu.memory_space<vmem>>[vector<16xi32>], vector<16xi32>,
        %gather3A_584 = tpu.vector_load_idx %arg7[%shift_right_logical3A_582] : memref<10000xi32, #tpu.memory_space<vmem>>[vector<16xi32>], vector<16xi32>,
        %gather3A_585 = tpu.vector_load_idx %arg8[%and3A_579] : memref<10000xi32, #tpu.memory_space<vmem>>[vector<16xi32>], vector<16xi32>,
        %gather3A_586 = tpu.vector_load_idx %arg8[%shift_right_logical3A_582] : memref<10000xi32, #tpu.memory_space<vmem>>[vector<16xi32>], vector<16xi32>,
        %bitcast3A_587 = vector.bitcast %gather3A_583 : vector<16xi32> to vector<32xbf16>
        %bitcast3A_588 = vector.bitcast %gather3A_584 : vector<16xi32> to vector<32xbf16>
        %sub3A_589 = arith.subf %bitcast3A_587, %bitcast3A_588 : vector<32xbf16>
        %bitcast3A_590 = vector.bitcast %gather3A_585 : vector<16xi32> to vector<32xbf16>
        %bitcast3A_591 = vector.bitcast %gather3A_586 : vector<16xi32> to vector<32xbf16>
        %sub3A_592 = arith.subf %bitcast3A_590, %bitcast3A_591 : vector<32xbf16>
        %max3A_593 = arith.maximumf %max3A_571, %sub3A_589 : vector<32xbf16>
        %max3A_594 = arith.maximumf %max3A_572, %sub3A_592 : vector<32xbf16>
        %add3A_595 = arith.constant 26624 : i32
        %add3A_596 = arith.addi %add3A_595, %mul3A_163 : i32
        %get3A_597 = arith.index_cast %add3A_596 : i32 to index
        %get3A_598 = tpu.vector_load %arg9[%get3A_597] {strides = array<i32>} : memref<32768xi32, #tpu.memory_space<vmem>>, vector<16xi32>,
        %and3A_599 = arith.constant 65535 : i32
        %and3A_600 = vector.broadcast %and3A_599 : i32 to vector<16xi32>
        %and3A_601 = arith.andi %get3A_598, %and3A_600 : vector<16xi32>
        %shift_right_logical3A_602 = arith.constant 16 : i32
        %shift_right_logical3A_603 = vector.broadcast %shift_right_logical3A_602 : i32 to vector<16xi32>
        %shift_right_logical3A_604 = arith.shrui %get3A_598, %shift_right_logical3A_603 : vector<16xi32>
        %gather3A_605 = tpu.vector_load_idx %arg7[%and3A_601] : memref<10000xi32, #tpu.memory_space<vmem>>[vector<16xi32>], vector<16xi32>,
        %gather3A_606 = tpu.vector_load_idx %arg7[%shift_right_logical3A_604] : memref<10000xi32, #tpu.memory_space<vmem>>[vector<16xi32>], vector<16xi32>,
        %gather3A_607 = tpu.vector_load_idx %arg8[%and3A_601] : memref<10000xi32, #tpu.memory_space<vmem>>[vector<16xi32>], vector<16xi32>,
        %gather3A_608 = tpu.vector_load_idx %arg8[%shift_right_logical3A_604] : memref<10000xi32, #tpu.memory_space<vmem>>[vector<16xi32>], vector<16xi32>,
        %bitcast3A_609 = vector.bitcast %gather3A_605 : vector<16xi32> to vector<32xbf16>
        %bitcast3A_610 = vector.bitcast %gather3A_606 : vector<16xi32> to vector<32xbf16>
        %sub3A_611 = arith.subf %bitcast3A_609, %bitcast3A_610 : vector<32xbf16>
        %bitcast3A_612 = vector.bitcast %gather3A_607 : vector<16xi32> to vector<32xbf16>
        %bitcast3A_613 = vector.bitcast %gather3A_608 : vector<16xi32> to vector<32xbf16>
        %sub3A_614 = arith.subf %bitcast3A_612, %bitcast3A_613 : vector<32xbf16>
        %max3A_615 = arith.maximumf %max3A_593, %sub3A_611 : vector<32xbf16>
        %max3A_616 = arith.maximumf %max3A_594, %sub3A_614 : vector<32xbf16>
        %add3A_617 = arith.constant 27136 : i32
        %add3A_618 = arith.addi %add3A_617, %mul3A_163 : i32
        %get3A_619 = arith.index_cast %add3A_618 : i32 to index
        %get3A_620 = tpu.vector_load %arg9[%get3A_619] {strides = array<i32>} : memref<32768xi32, #tpu.memory_space<vmem>>, vector<16xi32>,
        %and3A_621 = arith.constant 65535 : i32
        %and3A_622 = vector.broadcast %and3A_621 : i32 to vector<16xi32>
        %and3A_623 = arith.andi %get3A_620, %and3A_622 : vector<16xi32>
        %shift_right_logical3A_624 = arith.constant 16 : i32
        %shift_right_logical3A_625 = vector.broadcast %shift_right_logical3A_624 : i32 to vector<16xi32>
        %shift_right_logical3A_626 = arith.shrui %get3A_620, %shift_right_logical3A_625 : vector<16xi32>
        %gather3A_627 = tpu.vector_load_idx %arg7[%and3A_623] : memref<10000xi32, #tpu.memory_space<vmem>>[vector<16xi32>], vector<16xi32>,
        %gather3A_628 = tpu.vector_load_idx %arg7[%shift_right_logical3A_626] : memref<10000xi32, #tpu.memory_space<vmem>>[vector<16xi32>], vector<16xi32>,
        %gather3A_629 = tpu.vector_load_idx %arg8[%and3A_623] : memref<10000xi32, #tpu.memory_space<vmem>>[vector<16xi32>], vector<16xi32>,
        %gather3A_630 = tpu.vector_load_idx %arg8[%shift_right_logical3A_626] : memref<10000xi32, #tpu.memory_space<vmem>>[vector<16xi32>], vector<16xi32>,
        %bitcast3A_631 = vector.bitcast %gather3A_627 : vector<16xi32> to vector<32xbf16>
        %bitcast3A_632 = vector.bitcast %gather3A_628 : vector<16xi32> to vector<32xbf16>
        %sub3A_633 = arith.subf %bitcast3A_631, %bitcast3A_632 : vector<32xbf16>
        %bitcast3A_634 = vector.bitcast %gather3A_629 : vector<16xi32> to vector<32xbf16>
        %bitcast3A_635 = vector.bitcast %gather3A_630 : vector<16xi32> to vector<32xbf16>
        %sub3A_636 = arith.subf %bitcast3A_634, %bitcast3A_635 : vector<32xbf16>
        %max3A_637 = arith.maximumf %max3A_615, %sub3A_633 : vector<32xbf16>
        %max3A_638 = arith.maximumf %max3A_616, %sub3A_636 : vector<32xbf16>
        %add3A_639 = arith.constant 27648 : i32
        %add3A_640 = arith.addi %add3A_639, %mul3A_163 : i32
        %get3A_641 = arith.index_cast %add3A_640 : i32 to index
        %get3A_642 = tpu.vector_load %arg9[%get3A_641] {strides = array<i32>} : memref<32768xi32, #tpu.memory_space<vmem>>, vector<16xi32>,
        %and3A_643 = arith.constant 65535 : i32
        %and3A_644 = vector.broadcast %and3A_643 : i32 to vector<16xi32>
        %and3A_645 = arith.andi %get3A_642, %and3A_644 : vector<16xi32>
        %shift_right_logical3A_646 = arith.constant 16 : i32
        %shift_right_logical3A_647 = vector.broadcast %shift_right_logical3A_646 : i32 to vector<16xi32>
        %shift_right_logical3A_648 = arith.shrui %get3A_642, %shift_right_logical3A_647 : vector<16xi32>
        %gather3A_649 = tpu.vector_load_idx %arg7[%and3A_645] : memref<10000xi32, #tpu.memory_space<vmem>>[vector<16xi32>], vector<16xi32>,
        %gather3A_650 = tpu.vector_load_idx %arg7[%shift_right_logical3A_648] : memref<10000xi32, #tpu.memory_space<vmem>>[vector<16xi32>], vector<16xi32>,
        %gather3A_651 = tpu.vector_load_idx %arg8[%and3A_645] : memref<10000xi32, #tpu.memory_space<vmem>>[vector<16xi32>], vector<16xi32>,
        %gather3A_652 = tpu.vector_load_idx %arg8[%shift_right_logical3A_648] : memref<10000xi32, #tpu.memory_space<vmem>>[vector<16xi32>], vector<16xi32>,
        %bitcast3A_653 = vector.bitcast %gather3A_649 : vector<16xi32> to vector<32xbf16>
        %bitcast3A_654 = vector.bitcast %gather3A_650 : vector<16xi32> to vector<32xbf16>
        %sub3A_655 = arith.subf %bitcast3A_653, %bitcast3A_654 : vector<32xbf16>
        %bitcast3A_656 = vector.bitcast %gather3A_651 : vector<16xi32> to vector<32xbf16>
        %bitcast3A_657 = vector.bitcast %gather3A_652 : vector<16xi32> to vector<32xbf16>
        %sub3A_658 = arith.subf %bitcast3A_656, %bitcast3A_657 : vector<32xbf16>
        %max3A_659 = arith.maximumf %max3A_637, %sub3A_655 : vector<32xbf16>
        %max3A_660 = arith.maximumf %max3A_638, %sub3A_658 : vector<32xbf16>
        %add3A_661 = arith.constant 28160 : i32
        %add3A_662 = arith.addi %add3A_661, %mul3A_163 : i32
        %get3A_663 = arith.index_cast %add3A_662 : i32 to index
        %get3A_664 = tpu.vector_load %arg9[%get3A_663] {strides = array<i32>} : memref<32768xi32, #tpu.memory_space<vmem>>, vector<16xi32>,
        %and3A_665 = arith.constant 65535 : i32
        %and3A_666 = vector.broadcast %and3A_665 : i32 to vector<16xi32>
        %and3A_667 = arith.andi %get3A_664, %and3A_666 : vector<16xi32>
        %shift_right_logical3A_668 = arith.constant 16 : i32
        %shift_right_logical3A_669 = vector.broadcast %shift_right_logical3A_668 : i32 to vector<16xi32>
        %shift_right_logical3A_670 = arith.shrui %get3A_664, %shift_right_logical3A_669 : vector<16xi32>
        %gather3A_671 = tpu.vector_load_idx %arg7[%and3A_667] : memref<10000xi32, #tpu.memory_space<vmem>>[vector<16xi32>], vector<16xi32>,
        %gather3A_672 = tpu.vector_load_idx %arg7[%shift_right_logical3A_670] : memref<10000xi32, #tpu.memory_space<vmem>>[vector<16xi32>], vector<16xi32>,
        %gather3A_673 = tpu.vector_load_idx %arg8[%and3A_667] : memref<10000xi32, #tpu.memory_space<vmem>>[vector<16xi32>], vector<16xi32>,
        %gather3A_674 = tpu.vector_load_idx %arg8[%shift_right_logical3A_670] : memref<10000xi32, #tpu.memory_space<vmem>>[vector<16xi32>], vector<16xi32>,
        %bitcast3A_675 = vector.bitcast %gather3A_671 : vector<16xi32> to vector<32xbf16>
        %bitcast3A_676 = vector.bitcast %gather3A_672 : vector<16xi32> to vector<32xbf16>
        %sub3A_677 = arith.subf %bitcast3A_675, %bitcast3A_676 : vector<32xbf16>
        %bitcast3A_678 = vector.bitcast %gather3A_673 : vector<16xi32> to vector<32xbf16>
        %bitcast3A_679 = vector.bitcast %gather3A_674 : vector<16xi32> to vector<32xbf16>
        %sub3A_680 = arith.subf %bitcast3A_678, %bitcast3A_679 : vector<32xbf16>
        %max3A_681 = arith.maximumf %max3A_659, %sub3A_677 : vector<32xbf16>
        %max3A_682 = arith.maximumf %max3A_660, %sub3A_680 : vector<32xbf16>
        %add3A_683 = arith.constant 28672 : i32
        %add3A_684 = arith.addi %add3A_683, %mul3A_163 : i32
        %get3A_685 = arith.index_cast %add3A_684 : i32 to index
        %get3A_686 = tpu.vector_load %arg9[%get3A_685] {strides = array<i32>} : memref<32768xi32, #tpu.memory_space<vmem>>, vector<16xi32>,
        %and3A_687 = arith.constant 65535 : i32
        %and3A_688 = vector.broadcast %and3A_687 : i32 to vector<16xi32>
        %and3A_689 = arith.andi %get3A_686, %and3A_688 : vector<16xi32>
        %shift_right_logical3A_690 = arith.constant 16 : i32
        %shift_right_logical3A_691 = vector.broadcast %shift_right_logical3A_690 : i32 to vector<16xi32>
        %shift_right_logical3A_692 = arith.shrui %get3A_686, %shift_right_logical3A_691 : vector<16xi32>
        %gather3A_693 = tpu.vector_load_idx %arg7[%and3A_689] : memref<10000xi32, #tpu.memory_space<vmem>>[vector<16xi32>], vector<16xi32>,
        %gather3A_694 = tpu.vector_load_idx %arg7[%shift_right_logical3A_692] : memref<10000xi32, #tpu.memory_space<vmem>>[vector<16xi32>], vector<16xi32>,
        %gather3A_695 = tpu.vector_load_idx %arg8[%and3A_689] : memref<10000xi32, #tpu.memory_space<vmem>>[vector<16xi32>], vector<16xi32>,
        %gather3A_696 = tpu.vector_load_idx %arg8[%shift_right_logical3A_692] : memref<10000xi32, #tpu.memory_space<vmem>>[vector<16xi32>], vector<16xi32>,
        %bitcast3A_697 = vector.bitcast %gather3A_693 : vector<16xi32> to vector<32xbf16>
        %bitcast3A_698 = vector.bitcast %gather3A_694 : vector<16xi32> to vector<32xbf16>
        %sub3A_699 = arith.subf %bitcast3A_697, %bitcast3A_698 : vector<32xbf16>
        %bitcast3A_700 = vector.bitcast %gather3A_695 : vector<16xi32> to vector<32xbf16>
        %bitcast3A_701 = vector.bitcast %gather3A_696 : vector<16xi32> to vector<32xbf16>
        %sub3A_702 = arith.subf %bitcast3A_700, %bitcast3A_701 : vector<32xbf16>
        %max3A_703 = arith.maximumf %max3A_681, %sub3A_699 : vector<32xbf16>
        %max3A_704 = arith.maximumf %max3A_682, %sub3A_702 : vector<32xbf16>
        %add3A_705 = arith.constant 29184 : i32
        %add3A_706 = arith.addi %add3A_705, %mul3A_163 : i32
        %get3A_707 = arith.index_cast %add3A_706 : i32 to index
        %get3A_708 = tpu.vector_load %arg9[%get3A_707] {strides = array<i32>} : memref<32768xi32, #tpu.memory_space<vmem>>, vector<16xi32>,
        %and3A_709 = arith.constant 65535 : i32
        %and3A_710 = vector.broadcast %and3A_709 : i32 to vector<16xi32>
        %and3A_711 = arith.andi %get3A_708, %and3A_710 : vector<16xi32>
        %shift_right_logical3A_712 = arith.constant 16 : i32
        %shift_right_logical3A_713 = vector.broadcast %shift_right_logical3A_712 : i32 to vector<16xi32>
        %shift_right_logical3A_714 = arith.shrui %get3A_708, %shift_right_logical3A_713 : vector<16xi32>
        %gather3A_715 = tpu.vector_load_idx %arg7[%and3A_711] : memref<10000xi32, #tpu.memory_space<vmem>>[vector<16xi32>], vector<16xi32>,
        %gather3A_716 = tpu.vector_load_idx %arg7[%shift_right_logical3A_714] : memref<10000xi32, #tpu.memory_space<vmem>>[vector<16xi32>], vector<16xi32>,
        %gather3A_717 = tpu.vector_load_idx %arg8[%and3A_711] : memref<10000xi32, #tpu.memory_space<vmem>>[vector<16xi32>], vector<16xi32>,
        %gather3A_718 = tpu.vector_load_idx %arg8[%shift_right_logical3A_714] : memref<10000xi32, #tpu.memory_space<vmem>>[vector<16xi32>], vector<16xi32>,
        %bitcast3A_719 = vector.bitcast %gather3A_715 : vector<16xi32> to vector<32xbf16>
        %bitcast3A_720 = vector.bitcast %gather3A_716 : vector<16xi32> to vector<32xbf16>
        %sub3A_721 = arith.subf %bitcast3A_719, %bitcast3A_720 : vector<32xbf16>
        %bitcast3A_722 = vector.bitcast %gather3A_717 : vector<16xi32> to vector<32xbf16>
        %bitcast3A_723 = vector.bitcast %gather3A_718 : vector<16xi32> to vector<32xbf16>
        %sub3A_724 = arith.subf %bitcast3A_722, %bitcast3A_723 : vector<32xbf16>
        %max3A_725 = arith.maximumf %max3A_703, %sub3A_721 : vector<32xbf16>
        %max3A_726 = arith.maximumf %max3A_704, %sub3A_724 : vector<32xbf16>
        %add3A_727 = arith.constant 29696 : i32
        %add3A_728 = arith.addi %add3A_727, %mul3A_163 : i32
        %get3A_729 = arith.index_cast %add3A_728 : i32 to index
        %get3A_730 = tpu.vector_load %arg9[%get3A_729] {strides = array<i32>} : memref<32768xi32, #tpu.memory_space<vmem>>, vector<16xi32>,
        %and3A_731 = arith.constant 65535 : i32
        %and3A_732 = vector.broadcast %and3A_731 : i32 to vector<16xi32>
        %and3A_733 = arith.andi %get3A_730, %and3A_732 : vector<16xi32>
        %shift_right_logical3A_734 = arith.constant 16 : i32
        %shift_right_logical3A_735 = vector.broadcast %shift_right_logical3A_734 : i32 to vector<16xi32>
        %shift_right_logical3A_736 = arith.shrui %get3A_730, %shift_right_logical3A_735 : vector<16xi32>
        %gather3A_737 = tpu.vector_load_idx %arg7[%and3A_733] : memref<10000xi32, #tpu.memory_space<vmem>>[vector<16xi32>], vector<16xi32>,
        %gather3A_738 = tpu.vector_load_idx %arg7[%shift_right_logical3A_736] : memref<10000xi32, #tpu.memory_space<vmem>>[vector<16xi32>], vector<16xi32>,
        %gather3A_739 = tpu.vector_load_idx %arg8[%and3A_733] : memref<10000xi32, #tpu.memory_space<vmem>>[vector<16xi32>], vector<16xi32>,
        %gather3A_740 = tpu.vector_load_idx %arg8[%shift_right_logical3A_736] : memref<10000xi32, #tpu.memory_space<vmem>>[vector<16xi32>], vector<16xi32>,
        %bitcast3A_741 = vector.bitcast %gather3A_737 : vector<16xi32> to vector<32xbf16>
        %bitcast3A_742 = vector.bitcast %gather3A_738 : vector<16xi32> to vector<32xbf16>
        %sub3A_743 = arith.subf %bitcast3A_741, %bitcast3A_742 : vector<32xbf16>
        %bitcast3A_744 = vector.bitcast %gather3A_739 : vector<16xi32> to vector<32xbf16>
        %bitcast3A_745 = vector.bitcast %gather3A_740 : vector<16xi32> to vector<32xbf16>
        %sub3A_746 = arith.subf %bitcast3A_744, %bitcast3A_745 : vector<32xbf16>
        %max3A_747 = arith.maximumf %max3A_725, %sub3A_743 : vector<32xbf16>
        %max3A_748 = arith.maximumf %max3A_726, %sub3A_746 : vector<32xbf16>
        %add3A_749 = arith.constant 30208 : i32
        %add3A_750 = arith.addi %add3A_749, %mul3A_163 : i32
        %get3A_751 = arith.index_cast %add3A_750 : i32 to index
        %get3A_752 = tpu.vector_load %arg9[%get3A_751] {strides = array<i32>} : memref<32768xi32, #tpu.memory_space<vmem>>, vector<16xi32>,
        %and3A_753 = arith.constant 65535 : i32
        %and3A_754 = vector.broadcast %and3A_753 : i32 to vector<16xi32>
        %and3A_755 = arith.andi %get3A_752, %and3A_754 : vector<16xi32>
        %shift_right_logical3A_756 = arith.constant 16 : i32
        %shift_right_logical3A_757 = vector.broadcast %shift_right_logical3A_756 : i32 to vector<16xi32>
        %shift_right_logical3A_758 = arith.shrui %get3A_752, %shift_right_logical3A_757 : vector<16xi32>
        %gather3A_759 = tpu.vector_load_idx %arg7[%and3A_755] : memref<10000xi32, #tpu.memory_space<vmem>>[vector<16xi32>], vector<16xi32>,
        %gather3A_760 = tpu.vector_load_idx %arg7[%shift_right_logical3A_758] : memref<10000xi32, #tpu.memory_space<vmem>>[vector<16xi32>], vector<16xi32>,
        %gather3A_761 = tpu.vector_load_idx %arg8[%and3A_755] : memref<10000xi32, #tpu.memory_space<vmem>>[vector<16xi32>], vector<16xi32>,
        %gather3A_762 = tpu.vector_load_idx %arg8[%shift_right_logical3A_758] : memref<10000xi32, #tpu.memory_space<vmem>>[vector<16xi32>], vector<16xi32>,
        %bitcast3A_763 = vector.bitcast %gather3A_759 : vector<16xi32> to vector<32xbf16>
        %bitcast3A_764 = vector.bitcast %gather3A_760 : vector<16xi32> to vector<32xbf16>
        %sub3A_765 = arith.subf %bitcast3A_763, %bitcast3A_764 : vector<32xbf16>
        %bitcast3A_766 = vector.bitcast %gather3A_761 : vector<16xi32> to vector<32xbf16>
        %bitcast3A_767 = vector.bitcast %gather3A_762 : vector<16xi32> to vector<32xbf16>
        %sub3A_768 = arith.subf %bitcast3A_766, %bitcast3A_767 : vector<32xbf16>
        %max3A_769 = arith.maximumf %max3A_747, %sub3A_765 : vector<32xbf16>
        %max3A_770 = arith.maximumf %max3A_748, %sub3A_768 : vector<32xbf16>
        %add3A_771 = arith.constant 30720 : i32
        %add3A_772 = arith.addi %add3A_771, %mul3A_163 : i32
        %get3A_773 = arith.index_cast %add3A_772 : i32 to index
        %get3A_774 = tpu.vector_load %arg9[%get3A_773] {strides = array<i32>} : memref<32768xi32, #tpu.memory_space<vmem>>, vector<16xi32>,
        %and3A_775 = arith.constant 65535 : i32
        %and3A_776 = vector.broadcast %and3A_775 : i32 to vector<16xi32>
        %and3A_777 = arith.andi %get3A_774, %and3A_776 : vector<16xi32>
        %shift_right_logical3A_778 = arith.constant 16 : i32
        %shift_right_logical3A_779 = vector.broadcast %shift_right_logical3A_778 : i32 to vector<16xi32>
        %shift_right_logical3A_780 = arith.shrui %get3A_774, %shift_right_logical3A_779 : vector<16xi32>
        %gather3A_781 = tpu.vector_load_idx %arg7[%and3A_777] : memref<10000xi32, #tpu.memory_space<vmem>>[vector<16xi32>], vector<16xi32>,
        %gather3A_782 = tpu.vector_load_idx %arg7[%shift_right_logical3A_780] : memref<10000xi32, #tpu.memory_space<vmem>>[vector<16xi32>], vector<16xi32>,
        %gather3A_783 = tpu.vector_load_idx %arg8[%and3A_777] : memref<10000xi32, #tpu.memory_space<vmem>>[vector<16xi32>], vector<16xi32>,
        %gather3A_784 = tpu.vector_load_idx %arg8[%shift_right_logical3A_780] : memref<10000xi32, #tpu.memory_space<vmem>>[vector<16xi32>], vector<16xi32>,
        %bitcast3A_785 = vector.bitcast %gather3A_781 : vector<16xi32> to vector<32xbf16>
        %bitcast3A_786 = vector.bitcast %gather3A_782 : vector<16xi32> to vector<32xbf16>
        %sub3A_787 = arith.subf %bitcast3A_785, %bitcast3A_786 : vector<32xbf16>
        %bitcast3A_788 = vector.bitcast %gather3A_783 : vector<16xi32> to vector<32xbf16>
        %bitcast3A_789 = vector.bitcast %gather3A_784 : vector<16xi32> to vector<32xbf16>
        %sub3A_790 = arith.subf %bitcast3A_788, %bitcast3A_789 : vector<32xbf16>
        %max3A_791 = arith.maximumf %max3A_769, %sub3A_787 : vector<32xbf16>
        %max3A_792 = arith.maximumf %max3A_770, %sub3A_790 : vector<32xbf16>
        %add3A_793 = arith.constant 31232 : i32
        %add3A_794 = arith.addi %add3A_793, %mul3A_163 : i32
        %get3A_795 = arith.index_cast %add3A_794 : i32 to index
        %get3A_796 = tpu.vector_load %arg9[%get3A_795] {strides = array<i32>} : memref<32768xi32, #tpu.memory_space<vmem>>, vector<16xi32>,
        %and3A_797 = arith.constant 65535 : i32
        %and3A_798 = vector.broadcast %and3A_797 : i32 to vector<16xi32>
        %and3A_799 = arith.andi %get3A_796, %and3A_798 : vector<16xi32>
        %shift_right_logical3A_800 = arith.constant 16 : i32
        %shift_right_logical3A_801 = vector.broadcast %shift_right_logical3A_800 : i32 to vector<16xi32>
        %shift_right_logical3A_802 = arith.shrui %get3A_796, %shift_right_logical3A_801 : vector<16xi32>
        %gather3A_803 = tpu.vector_load_idx %arg7[%and3A_799] : memref<10000xi32, #tpu.memory_space<vmem>>[vector<16xi32>], vector<16xi32>,
        %gather3A_804 = tpu.vector_load_idx %arg7[%shift_right_logical3A_802] : memref<10000xi32, #tpu.memory_space<vmem>>[vector<16xi32>], vector<16xi32>,
        %gather3A_805 = tpu.vector_load_idx %arg8[%and3A_799] : memref<10000xi32, #tpu.memory_space<vmem>>[vector<16xi32>], vector<16xi32>,
        %gather3A_806 = tpu.vector_load_idx %arg8[%shift_right_logical3A_802] : memref<10000xi32, #tpu.memory_space<vmem>>[vector<16xi32>], vector<16xi32>,
        %bitcast3A_807 = vector.bitcast %gather3A_803 : vector<16xi32> to vector<32xbf16>
        %bitcast3A_808 = vector.bitcast %gather3A_804 : vector<16xi32> to vector<32xbf16>
        %sub3A_809 = arith.subf %bitcast3A_807, %bitcast3A_808 : vector<32xbf16>
        %bitcast3A_810 = vector.bitcast %gather3A_805 : vector<16xi32> to vector<32xbf16>
        %bitcast3A_811 = vector.bitcast %gather3A_806 : vector<16xi32> to vector<32xbf16>
        %sub3A_812 = arith.subf %bitcast3A_810, %bitcast3A_811 : vector<32xbf16>
        %max3A_813 = arith.maximumf %max3A_791, %sub3A_809 : vector<32xbf16>
        %max3A_814 = arith.maximumf %max3A_792, %sub3A_812 : vector<32xbf16>
        %add3A_815 = arith.constant 31744 : i32
        %add3A_816 = arith.addi %add3A_815, %mul3A_163 : i32
        %get3A_817 = arith.index_cast %add3A_816 : i32 to index
        %get3A_818 = tpu.vector_load %arg9[%get3A_817] {strides = array<i32>} : memref<32768xi32, #tpu.memory_space<vmem>>, vector<16xi32>,
        %and3A_819 = arith.constant 65535 : i32
        %and3A_820 = vector.broadcast %and3A_819 : i32 to vector<16xi32>
        %and3A_821 = arith.andi %get3A_818, %and3A_820 : vector<16xi32>
        %shift_right_logical3A_822 = arith.constant 16 : i32
        %shift_right_logical3A_823 = vector.broadcast %shift_right_logical3A_822 : i32 to vector<16xi32>
        %shift_right_logical3A_824 = arith.shrui %get3A_818, %shift_right_logical3A_823 : vector<16xi32>
        %gather3A_825 = tpu.vector_load_idx %arg7[%and3A_821] : memref<10000xi32, #tpu.memory_space<vmem>>[vector<16xi32>], vector<16xi32>,
        %gather3A_826 = tpu.vector_load_idx %arg7[%shift_right_logical3A_824] : memref<10000xi32, #tpu.memory_space<vmem>>[vector<16xi32>], vector<16xi32>,
        %gather3A_827 = tpu.vector_load_idx %arg8[%and3A_821] : memref<10000xi32, #tpu.memory_space<vmem>>[vector<16xi32>], vector<16xi32>,
        %gather3A_828 = tpu.vector_load_idx %arg8[%shift_right_logical3A_824] : memref<10000xi32, #tpu.memory_space<vmem>>[vector<16xi32>], vector<16xi32>,
        %bitcast3A_829 = vector.bitcast %gather3A_825 : vector<16xi32> to vector<32xbf16>
        %bitcast3A_830 = vector.bitcast %gather3A_826 : vector<16xi32> to vector<32xbf16>
        %sub3A_831 = arith.subf %bitcast3A_829, %bitcast3A_830 : vector<32xbf16>
        %bitcast3A_832 = vector.bitcast %gather3A_827 : vector<16xi32> to vector<32xbf16>
        %bitcast3A_833 = vector.bitcast %gather3A_828 : vector<16xi32> to vector<32xbf16>
        %sub3A_834 = arith.subf %bitcast3A_832, %bitcast3A_833 : vector<32xbf16>
        %max3A_835 = arith.maximumf %max3A_813, %sub3A_831 : vector<32xbf16>
        %max3A_836 = arith.maximumf %max3A_814, %sub3A_834 : vector<32xbf16>
        %add3A_837 = arith.constant 32256 : i32
        %add3A_838 = arith.addi %add3A_837, %mul3A_163 : i32
        %get3A_839 = arith.index_cast %add3A_838 : i32 to index
        %get3A_840 = tpu.vector_load %arg9[%get3A_839] {strides = array<i32>} : memref<32768xi32, #tpu.memory_space<vmem>>, vector<16xi32>,
        %and3A_841 = arith.constant 65535 : i32
        %and3A_842 = vector.broadcast %and3A_841 : i32 to vector<16xi32>
        %and3A_843 = arith.andi %get3A_840, %and3A_842 : vector<16xi32>
        %shift_right_logical3A_844 = arith.constant 16 : i32
        %shift_right_logical3A_845 = vector.broadcast %shift_right_logical3A_844 : i32 to vector<16xi32>
        %shift_right_logical3A_846 = arith.shrui %get3A_840, %shift_right_logical3A_845 : vector<16xi32>
        %gather3A_847 = tpu.vector_load_idx %arg7[%and3A_843] : memref<10000xi32, #tpu.memory_space<vmem>>[vector<16xi32>], vector<16xi32>,
        %gather3A_848 = tpu.vector_load_idx %arg7[%shift_right_logical3A_846] : memref<10000xi32, #tpu.memory_space<vmem>>[vector<16xi32>], vector<16xi32>,
        %gather3A_849 = tpu.vector_load_idx %arg8[%and3A_843] : memref<10000xi32, #tpu.memory_space<vmem>>[vector<16xi32>], vector<16xi32>,
        %gather3A_850 = tpu.vector_load_idx %arg8[%shift_right_logical3A_846] : memref<10000xi32, #tpu.memory_space<vmem>>[vector<16xi32>], vector<16xi32>,
        %bitcast3A_851 = vector.bitcast %gather3A_847 : vector<16xi32> to vector<32xbf16>
        %bitcast3A_852 = vector.bitcast %gather3A_848 : vector<16xi32> to vector<32xbf16>
        %sub3A_853 = arith.subf %bitcast3A_851, %bitcast3A_852 : vector<32xbf16>
        %bitcast3A_854 = vector.bitcast %gather3A_849 : vector<16xi32> to vector<32xbf16>
        %bitcast3A_855 = vector.bitcast %gather3A_850 : vector<16xi32> to vector<32xbf16>
        %sub3A_856 = arith.subf %bitcast3A_854, %bitcast3A_855 : vector<32xbf16>
        %max3A_857 = arith.maximumf %max3A_835, %sub3A_853 : vector<32xbf16>
        %max3A_858 = arith.maximumf %max3A_836, %sub3A_856 : vector<32xbf16>
        %unpack3A = tpu.unpack_subelements %max3A_857, 0 {pack_format = #tpu.pack_format<interleaved>} : vector<32xbf16> -> vector<16xf32>
        %unpack3A_859 = tpu.unpack_subelements %max3A_857, 1 {pack_format = #tpu.pack_format<interleaved>} : vector<32xbf16> -> vector<16xf32>
        %unpack3A_860 = tpu.unpack_subelements %max3A_858, 0 {pack_format = #tpu.pack_format<interleaved>} : vector<32xbf16> -> vector<16xf32>
        %unpack3A_861 = tpu.unpack_subelements %max3A_858, 1 {pack_format = #tpu.pack_format<interleaved>} : vector<32xbf16> -> vector<16xf32>
        %mul3A_862 = arith.constant 512 : i32
        %mul3A_863 = arith.muli %add3A_139, %mul3A_862 : i32
        %add3A_864 = arith.addi %mul3A_863, %mul3A_163 : i32
        %swap3A = arith.index_cast %add3A_864 : i32 to index
        %swap3A_865 = tpu.vector_load %arg10[%swap3A] {strides = array<i32>} : memref<40960xf32, #tpu.memory_space<vmem>>, vector<16xf32>,
        tpu.vector_store %arg10[%swap3A], %unpack3A {strides = array<i32>} : memref<40960xf32, #tpu.memory_space<vmem>>, vector<16xf32>,
        %add3A_866 = arith.constant 10240 : i32
        %add3A_867 = arith.addi %add3A_866, %add3A_864 : i32
        %swap3A_868 = arith.index_cast %add3A_867 : i32 to index
        %swap3A_869 = tpu.vector_load %arg10[%swap3A_868] {strides = array<i32>} : memref<40960xf32, #tpu.memory_space<vmem>>, vector<16xf32>,
        tpu.vector_store %arg10[%swap3A_868], %unpack3A_859 {strides = array<i32>} : memref<40960xf32, #tpu.memory_space<vmem>>, vector<16xf32>,
        %add3A_870 = arith.constant 20480 : i32
        %add3A_871 = arith.addi %add3A_870, %add3A_864 : i32
        %swap3A_872 = arith.index_cast %add3A_871 : i32 to index
        %swap3A_873 = tpu.vector_load %arg10[%swap3A_872] {strides = array<i32>} : memref<40960xf32, #tpu.memory_space<vmem>>, vector<16xf32>,
        tpu.vector_store %arg10[%swap3A_872], %unpack3A_860 {strides = array<i32>} : memref<40960xf32, #tpu.memory_space<vmem>>, vector<16xf32>,
        %add3A_874 = arith.constant 30720 : i32
        %add3A_875 = arith.addi %add3A_874, %add3A_864 : i32
        %swap3A_876 = arith.index_cast %add3A_875 : i32 to index
        %swap3A_877 = tpu.vector_load %arg10[%swap3A_876] {strides = array<i32>} : memref<40960xf32, #tpu.memory_space<vmem>>, vector<16xf32>,
        tpu.vector_store %arg10[%swap3A_876], %unpack3A_861 {strides = array<i32>} : memref<40960xf32, #tpu.memory_space<vmem>>, vector<16xf32>,
      }
      %scan3A_145 = arith.constant 32 : i32
      %add3A_146 = arith.constant 3 : i32
      %add3A_147 = arith.addi %mul3A_88, %add3A_146 : i32
      %dma_start3A_148 = arith.constant 1 : i32
      %dma_start3A_149 = arith.constant 16384 : i32
      %dma_start3A_150 = tpu.memref_slice %arg9[%dma_start3A_149] : memref<32768xi32, #tpu.memory_space<vmem>> -> memref<16384xi32, #tpu.memory_space<vmem>>
      %dma_start3A_151 = arith.constant 0 : i32
      %dma_start3A_152 = tpu.memref_slice %arg3[%add3A_147, %dma_start3A_151] : memref<22x16384xi32, #tpu.memory_space<hbm>> -> memref<1x16384xi32, #tpu.memory_space<hbm>>
      %dma_start3A_153 = tpu.memref_squeeze %dma_start3A_152 : memref<1x16384xi32, #tpu.memory_space<hbm>> -> memref<16384xi32, #tpu.memory_space<hbm>>
      %dma_start3A_154 = tpu.memref_slice %arg11[%dma_start3A_148] : memref<2x!tpu.dma_semaphore, #tpu.memory_space<semaphore_mem>> -> memref<1x!tpu.dma_semaphore, #tpu.memory_space<semaphore_mem>>
      %dma_start3A_155 = tpu.memref_squeeze %dma_start3A_154 : memref<1x!tpu.dma_semaphore, #tpu.memory_space<semaphore_mem>> -> memref<!tpu.dma_semaphore, #tpu.memory_space<semaphore_mem>>
      %dma_start3A_156 = arith.constant 16384 : i32
      %dma_start3A_157 = tpu.memref_slice %arg9[%dma_start3A_156] : memref<32768xi32, #tpu.memory_space<vmem>> -> memref<16384xi32, #tpu.memory_space<vmem>>
      %dma_start3A_158 = arith.constant 0 : i32
      %dma_start3A_159 = tpu.memref_slice %arg3[%add3A_147, %dma_start3A_158] : memref<22x16384xi32, #tpu.memory_space<hbm>> -> memref<1x16384xi32, #tpu.memory_space<hbm>>
      %dma_start3A_160 = tpu.memref_squeeze %dma_start3A_159 : memref<1x16384xi32, #tpu.memory_space<hbm>> -> memref<16384xi32, #tpu.memory_space<hbm>>
      tpu.enqueue_dma source(%dma_start3A_160 : memref<16384xi32, #tpu.memory_space<hbm>>) target(%dma_start3A_157 : memref<16384xi32, #tpu.memory_space<vmem>>) target_semaphore(%dma_start3A_155 : memref<!tpu.dma_semaphore, #tpu.memory_space<semaphore_mem>>)
    }
    %scan3A_58 = arith.constant 10 : i32
    %dma_wait3A = arith.constant 0 : i32
    %dma_wait3A_59 = arith.constant 0 : i32
    %dma_wait3A_60 = arith.constant 0 : i32
    %dma_wait3A_61 = tpu.memref_slice %arg9[%dma_wait3A_60] : memref<32768xi32, #tpu.memory_space<vmem>> -> memref<16384xi32, #tpu.memory_space<vmem>>
    %dma_wait3A_62 = arith.constant 0 : i32
    %dma_wait3A_63 = tpu.memref_slice %arg3[%dma_wait3A, %dma_wait3A_62] : memref<22x16384xi32, #tpu.memory_space<hbm>> -> memref<1x16384xi32, #tpu.memory_space<hbm>>
    %dma_wait3A_64 = tpu.memref_squeeze %dma_wait3A_63 : memref<1x16384xi32, #tpu.memory_space<hbm>> -> memref<16384xi32, #tpu.memory_space<hbm>>
    %dma_wait3A_65 = tpu.memref_slice %arg11[%dma_wait3A_59] : memref<2x!tpu.dma_semaphore, #tpu.memory_space<semaphore_mem>> -> memref<1x!tpu.dma_semaphore, #tpu.memory_space<semaphore_mem>>
    %dma_wait3A_66 = tpu.memref_squeeze %dma_wait3A_65 : memref<1x!tpu.dma_semaphore, #tpu.memory_space<semaphore_mem>> -> memref<!tpu.dma_semaphore, #tpu.memory_space<semaphore_mem>>
    %dma_wait3A_67 = arith.constant 0 : i32
    %dma_wait3A_68 = tpu.memref_slice %arg9[%dma_wait3A_67] : memref<32768xi32, #tpu.memory_space<vmem>> -> memref<16384xi32, #tpu.memory_space<vmem>>
    %dma_wait3A_69 = arith.constant 0 : i32
    %dma_wait3A_70 = tpu.memref_slice %arg3[%dma_wait3A, %dma_wait3A_69] : memref<22x16384xi32, #tpu.memory_space<hbm>> -> memref<1x16384xi32, #tpu.memory_space<hbm>>
    %dma_wait3A_71 = tpu.memref_squeeze %dma_wait3A_70 : memref<1x16384xi32, #tpu.memory_space<hbm>> -> memref<16384xi32, #tpu.memory_space<hbm>>
    tpu.wait_dma2 semaphore(%dma_wait3A_66 : memref<!tpu.dma_semaphore, #tpu.memory_space<semaphore_mem>>) src(%dma_wait3A_71 : memref<16384xi32, #tpu.memory_space<hbm>>) dst(%dma_wait3A_68 : memref<16384xi32, #tpu.memory_space<vmem>>)
    %dma_wait3A_72 = arith.constant 0 : i32
    %dma_wait3A_73 = arith.constant 1 : i32
    %dma_wait3A_74 = arith.constant 16384 : i32
    %dma_wait3A_75 = tpu.memref_slice %arg9[%dma_wait3A_74] : memref<32768xi32, #tpu.memory_space<vmem>> -> memref<16384xi32, #tpu.memory_space<vmem>>
    %dma_wait3A_76 = arith.constant 0 : i32
    %dma_wait3A_77 = tpu.memref_slice %arg3[%dma_wait3A_72, %dma_wait3A_76] : memref<22x16384xi32, #tpu.memory_space<hbm>> -> memref<1x16384xi32, #tpu.memory_space<hbm>>
    %dma_wait3A_78 = tpu.memref_squeeze %dma_wait3A_77 : memref<1x16384xi32, #tpu.memory_space<hbm>> -> memref<16384xi32, #tpu.memory_space<hbm>>
    %dma_wait3A_79 = tpu.memref_slice %arg11[%dma_wait3A_73] : memref<2x!tpu.dma_semaphore, #tpu.memory_space<semaphore_mem>> -> memref<1x!tpu.dma_semaphore, #tpu.memory_space<semaphore_mem>>
    %dma_wait3A_80 = tpu.memref_squeeze %dma_wait3A_79 : memref<1x!tpu.dma_semaphore, #tpu.memory_space<semaphore_mem>> -> memref<!tpu.dma_semaphore, #tpu.memory_space<semaphore_mem>>
    %dma_wait3A_81 = arith.constant 16384 : i32
    %dma_wait3A_82 = tpu.memref_slice %arg9[%dma_wait3A_81] : memref<32768xi32, #tpu.memory_space<vmem>> -> memref<16384xi32, #tpu.memory_space<vmem>>
    %dma_wait3A_83 = arith.constant 0 : i32
    %dma_wait3A_84 = tpu.memref_slice %arg3[%dma_wait3A_72, %dma_wait3A_83] : memref<22x16384xi32, #tpu.memory_space<hbm>> -> memref<1x16384xi32, #tpu.memory_space<hbm>>
    %dma_wait3A_85 = tpu.memref_squeeze %dma_wait3A_84 : memref<1x16384xi32, #tpu.memory_space<hbm>> -> memref<16384xi32, #tpu.memory_space<hbm>>
    tpu.wait_dma2 semaphore(%dma_wait3A_80 : memref<!tpu.dma_semaphore, #tpu.memory_space<semaphore_mem>>) src(%dma_wait3A_85 : memref<16384xi32, #tpu.memory_space<hbm>>) dst(%dma_wait3A_82 : memref<16384xi32, #tpu.memory_space<vmem>>)
    "tpu.region"() ({
      %run_scoped3A = tpu.sem_alloc : memref<!tpu.dma_semaphore, #tpu.memory_space<semaphore_mem>>
      %dma_start3A_86 = arith.constant 0 : i32
      %dma_start3A_87 = tpu.memref_slice %arg4[%add3A, %dma_start3A_86] : memref<32x40960xf32, #tpu.memory_space<hbm>> -> memref<1x40960xf32, #tpu.memory_space<hbm>>
      %dma_start3A_88 = tpu.memref_squeeze %dma_start3A_87 : memref<1x40960xf32, #tpu.memory_space<hbm>> -> memref<40960xf32, #tpu.memory_space<hbm>>
      %dma_start3A_89 = arith.constant 0 : i32
      %dma_start3A_90 = tpu.memref_slice %arg4[%add3A, %dma_start3A_89] : memref<32x40960xf32, #tpu.memory_space<hbm>> -> memref<1x40960xf32, #tpu.memory_space<hbm>>
      %dma_start3A_91 = tpu.memref_squeeze %dma_start3A_90 : memref<1x40960xf32, #tpu.memory_space<hbm>> -> memref<40960xf32, #tpu.memory_space<hbm>>
      tpu.enqueue_dma source(%arg10 : memref<40960xf32, #tpu.memory_space<vmem>>) target(%dma_start3A_91 : memref<40960xf32, #tpu.memory_space<hbm>>) target_semaphore(%run_scoped3A : memref<!tpu.dma_semaphore, #tpu.memory_space<semaphore_mem>>)
      %dma_wait3A_92 = arith.constant 0 : i32
      %dma_wait3A_93 = tpu.memref_slice %arg4[%add3A, %dma_wait3A_92] : memref<32x40960xf32, #tpu.memory_space<hbm>> -> memref<1x40960xf32, #tpu.memory_space<hbm>>
      %dma_wait3A_94 = tpu.memref_squeeze %dma_wait3A_93 : memref<1x40960xf32, #tpu.memory_space<hbm>> -> memref<40960xf32, #tpu.memory_space<hbm>>
      %dma_wait3A_95 = arith.constant 0 : i32
      %dma_wait3A_96 = tpu.memref_slice %arg4[%add3A, %dma_wait3A_95] : memref<32x40960xf32, #tpu.memory_space<hbm>> -> memref<1x40960xf32, #tpu.memory_space<hbm>>
      %dma_wait3A_97 = tpu.memref_squeeze %dma_wait3A_96 : memref<1x40960xf32, #tpu.memory_space<hbm>> -> memref<40960xf32, #tpu.memory_space<hbm>>
      tpu.wait_dma2 semaphore(%run_scoped3A : memref<!tpu.dma_semaphore, #tpu.memory_space<semaphore_mem>>) src(%arg10 : memref<40960xf32, #tpu.memory_space<vmem>>) dst(%dma_wait3A_97 : memref<40960xf32, #tpu.memory_space<hbm>>)
      tpu.yield
    }) : () -> ()
    return
  }
}

module attributes {stable_mosaic.version = 14 : i64} {
  func.func @_tc_body(%arg0: memref<128x10000xf32, #tpu.memory_space<vmem>>, %arg1: memref<32x40960xf32, #tpu.memory_space<vmem>>, %arg2: memref<128x128xf32, #tpu.memory_space<vmem>>, %arg3: memref<4x128x32xf32, #tpu.memory_space<vmem>>, %arg4: memref<128x1xf32, #tpu.memory_space<vmem>>, %arg5: memref<128x10000xf32, #tpu.memory_space<vmem>>) attributes {dimension_semantics = [], scalar_prefetch = 0 : i64, scratch_operands = 0 : i64, tpu.core_type = #tpu.core_type<tc>} {
    %get3A = arith.constant 0 : index
    %get3A_0 = arith.constant 0 : index
    %get3A_1 = vector.load %arg2[%get3A, %get3A_0] : memref<128x128xf32, #tpu.memory_space<vmem>>, vector<128x128xf32>
    %get3A_2 = arith.constant 0 : index
    %get3A_3 = arith.constant 0 : index
    %get3A_4 = vector.load %arg0[%get3A_2, %get3A_3] : memref<128x10000xf32, #tpu.memory_space<vmem>>, vector<128x10000xf32>
    %dot_general3A = arith.constant dense<0.000000e+00> : vector<128x10000xf32>
    %dot_general3A_5 = tpu.matmul %get3A_1, %get3A_4, %dot_general3A {dimension_numbers = #tpu.dot_dimension_numbers<[1], [0], [0], [1], [0, 0, 1, 1], [], []>, transpose_lhs_hint = false} : vector<128x128xf32>, vector<128x10000xf32>, vector<128x10000xf32> -> vector<128x10000xf32>
    %get3A_6 = arith.constant 0 : index
    %get3A_7 = arith.constant 0 : index
    %get3A_8 = arith.constant 0 : index
    %get3A_9 = vector.load %arg3[%get3A_6, %get3A_7, %get3A_8] : memref<4x128x32xf32, #tpu.memory_space<vmem>>, vector<1x128x32xf32>
    %get3A_10 = vector.shape_cast %get3A_9 : vector<1x128x32xf32> to vector<128x32xf32>
    %get3A_11 = arith.constant 0 : index
    %get3A_12 = arith.constant 0 : index
    %get3A_13 = vector.load %arg1[%get3A_11, %get3A_12] : memref<32x40960xf32, #tpu.memory_space<vmem>>, vector<32x10000xf32>
    %dot_general3A_14 = arith.constant dense<0.000000e+00> : vector<128x10000xf32>
    %dot_general3A_15 = tpu.matmul %get3A_10, %get3A_13, %dot_general3A_14 {dimension_numbers = #tpu.dot_dimension_numbers<[1], [0], [0], [1], [0, 0, 1, 1], [], []>, transpose_lhs_hint = false} : vector<128x32xf32>, vector<32x10000xf32>, vector<128x10000xf32> -> vector<128x10000xf32>
    %add3A = arith.addf %dot_general3A_5, %dot_general3A_15 : vector<128x10000xf32>
    %get3A_16 = arith.constant 1 : index
    %get3A_17 = arith.constant 0 : index
    %get3A_18 = arith.constant 0 : index
    %get3A_19 = vector.load %arg3[%get3A_16, %get3A_17, %get3A_18] : memref<4x128x32xf32, #tpu.memory_space<vmem>>, vector<1x128x32xf32>
    %get3A_20 = vector.shape_cast %get3A_19 : vector<1x128x32xf32> to vector<128x32xf32>
    %get3A_21 = arith.constant 0 : index
    %get3A_22 = arith.constant 10240 : index
    %get3A_23 = vector.load %arg1[%get3A_21, %get3A_22] : memref<32x40960xf32, #tpu.memory_space<vmem>>, vector<32x10000xf32>
    %dot_general3A_24 = arith.constant dense<0.000000e+00> : vector<128x10000xf32>
    %dot_general3A_25 = tpu.matmul %get3A_20, %get3A_23, %dot_general3A_24 {dimension_numbers = #tpu.dot_dimension_numbers<[1], [0], [0], [1], [0, 0, 1, 1], [], []>, transpose_lhs_hint = false} : vector<128x32xf32>, vector<32x10000xf32>, vector<128x10000xf32> -> vector<128x10000xf32>
    %add3A_26 = arith.addf %add3A, %dot_general3A_25 : vector<128x10000xf32>
    %get3A_27 = arith.constant 2 : index
    %get3A_28 = arith.constant 0 : index
    %get3A_29 = arith.constant 0 : index
    %get3A_30 = vector.load %arg3[%get3A_27, %get3A_28, %get3A_29] : memref<4x128x32xf32, #tpu.memory_space<vmem>>, vector<1x128x32xf32>
    %get3A_31 = vector.shape_cast %get3A_30 : vector<1x128x32xf32> to vector<128x32xf32>
    %get3A_32 = arith.constant 0 : index
    %get3A_33 = arith.constant 20480 : index
    %get3A_34 = vector.load %arg1[%get3A_32, %get3A_33] : memref<32x40960xf32, #tpu.memory_space<vmem>>, vector<32x10000xf32>
    %dot_general3A_35 = arith.constant dense<0.000000e+00> : vector<128x10000xf32>
    %dot_general3A_36 = tpu.matmul %get3A_31, %get3A_34, %dot_general3A_35 {dimension_numbers = #tpu.dot_dimension_numbers<[1], [0], [0], [1], [0, 0, 1, 1], [], []>, transpose_lhs_hint = false} : vector<128x32xf32>, vector<32x10000xf32>, vector<128x10000xf32> -> vector<128x10000xf32>
    %add3A_37 = arith.addf %add3A_26, %dot_general3A_36 : vector<128x10000xf32>
    %get3A_38 = arith.constant 3 : index
    %get3A_39 = arith.constant 0 : index
    %get3A_40 = arith.constant 0 : index
    %get3A_41 = vector.load %arg3[%get3A_38, %get3A_39, %get3A_40] : memref<4x128x32xf32, #tpu.memory_space<vmem>>, vector<1x128x32xf32>
    %get3A_42 = vector.shape_cast %get3A_41 : vector<1x128x32xf32> to vector<128x32xf32>
    %get3A_43 = arith.constant 0 : index
    %get3A_44 = arith.constant 30720 : index
    %get3A_45 = vector.load %arg1[%get3A_43, %get3A_44] : memref<32x40960xf32, #tpu.memory_space<vmem>>, vector<32x10000xf32>
    %dot_general3A_46 = arith.constant dense<0.000000e+00> : vector<128x10000xf32>
    %dot_general3A_47 = tpu.matmul %get3A_42, %get3A_45, %dot_general3A_46 {dimension_numbers = #tpu.dot_dimension_numbers<[1], [0], [0], [1], [0, 0, 1, 1], [], []>, transpose_lhs_hint = false} : vector<128x32xf32>, vector<32x10000xf32>, vector<128x10000xf32> -> vector<128x10000xf32>
    %add3A_48 = arith.addf %add3A_37, %dot_general3A_47 : vector<128x10000xf32>
    %get3A_49 = arith.constant 0 : index
    %get3A_50 = arith.constant 0 : index
    %get3A_51 = vector.load %arg4[%get3A_49, %get3A_50] : memref<128x1xf32, #tpu.memory_space<vmem>>, vector<128x1xf32>
    %add3A_52 = vector.broadcast %get3A_51 : vector<128x1xf32> to vector<128x10000xf32>
    %add3A_53 = arith.addf %add3A_48, %add3A_52 : vector<128x10000xf32>
    %max3A = arith.constant 0.000000e+00 : f32
    %max3A_54 = vector.broadcast %max3A : f32 to vector<128x10000xf32>
    %max3A_55 = arith.maximumf %add3A_53, %max3A_54 : vector<128x10000xf32>
    %swap3A = arith.constant 0 : index
    %swap3A_56 = arith.constant 0 : index
    %swap3A_57 = vector.load %arg5[%swap3A, %swap3A_56] : memref<128x10000xf32, #tpu.memory_space<vmem>>, vector<128x10000xf32>
    tpu.vector_store %arg5[%swap3A, %swap3A_56], %max3A_55 {strides = array<i32>} : memref<128x10000xf32, #tpu.memory_space<vmem>>, vector<128x10000xf32>,
    return
  }
}

</mosaic_0001>

<sc_bundles>
// kernel: kernel.4.cloned.1.call-start
scs
__scs_entry_jumppad:
0x0: {  	(pc) =	sbr.rel $0x88, $3  }
0x1: {  	(tag) =	ssettag $0x0;
	lr =	simm.s32 $0x1  }
0x2: {  	[smem:$0x3F9D] =	sst lr;
	_ =	strace $0xD0000000  }
0x3: {  	_ = 	snop  }
0x4: {  	_ = 	snop  }
0x5: {  	_ = 	snop  }
0x6: {  	_ = 	snop  }
0x7: {  	_ = 	snop  }
__scs_overlays_trampoline_lowered:
0x8: {  	[smem:$0x3FAC] =	sst s0  }
0x9: {  	[smem:$0x3FAD] =	sst s1  }
0xa: {  	[smem:$0x3FAE] =	sst s2  }
0xb: {  	[smem:$0x3FAF] =	sst s3  }
0xc: {  	[smem:$0x3FB0] =	sst s4  }
0xd: {  	[smem:$0x3FB1] =	sst s5  }
0xe: {  	[smem:$0x3FB2] =	sst s6  }
0xf: {  	[smem:$0x3FB3] =	sst s7  }
0x10: {  	[smem:$0x3FB4] =	sst s8  }
0x11: {  	[smem:$0x3FB5] =	sst s9;
	s0 =	simm.s32 @!p0 $0x0  }
0x12: {  	s1 =	sld [smem:$0x3F9B];
	s0 =	simm.s32 @p0 $0x1  }
0x13: {  	[smem:$0x3FB6] =	sst s0;
	s0 =	simm.s32 @!p1 $0x0  }
0x14: {  	s2 =	sld [smem:$0x3F9A];
	s0 =	simm.s32 @p1 $0x1  }
0x15: {  	[smem:$0x3FB7] =	sst s0;
	s0 =	simm.s32 @!p2 $0x0  }
0x16: {  	s3 =	sld [smem:$0x3FDB];
	s0 =	simm.s32 @p2 $0x1  }
0x17: {  	s4 =	simm.s32 $0x1BF5;
	[smem:$0x3FB9] =	sst s0  }
0x18: {  	s0 =	sld [smem:$0x3F9C];
	_ =	swait.ge [sflag:s4], $0x0  }
0x19: {  	s7 =	sld [smem:$0x3F9D]  }
0x1a: {  	s8 =	sadd.s32 $0xFFFFE003, lr  }
0x1b: {  	s9 =	sadd.s32 $0xFFFFFEF7, lr;
	s5 =	simm.s32 $0xFFFFFFFF;
	p2 =	slt.u32 s8, $0xFFFFF086  }
0x1c: {  	p1 =	slt.u32 s9, $0xF7A;
	s5 =	simm.s32 @!p2 $0x0  }
0x1d: {  	s5 =	simm.s32 @p1 $0x1;
	p0 =	seq.s32 s7, s2  }
0x1e: {  	s7 =	smul.u32 @!p0 $0xF7A, s2;
	p2 =	seq.s32 @!p0 s5, $0x0  }
0x1f: {  	s9 =	smul.u32 $0xF7A, s1;
	s8 =	simm.s32 @!p0 $0x1BF5;
	p2 =	por !p2, p0  }
0x20: {  	[sflag:s8] =	ssyncset.s32 @!p0 $0xFFFFF086;
	s6 =	sadd.s32 @!p0 s3, s7;
	s7 =	simm.s32 @!p0 $0x108  }
0x21: {  	s3 =	sadd.s32 s3, s9;
	s6 =	sadd.s32 @!p0 $0x88, s6;
	s7 =	simm.s32 @p2 $0x1082  }
0x22: {  	[simem:s7], [sflag:s8] =	dma.local @!p0 [hbm:s6], $0xF7A  }
0x23: {  	s9 =	sor.u32 $0xD0000000, s2;
	s6 =	simm.s32 $0x108;
	_ =	swait.ge @!p0 [sflag:s8], $0x0  }
0x24: {  	s3 =	sadd.s32 $0x88, s3;
	s6 =	simm.s32 @!p1 $0x1082;
	[sflag:s4] =	ssyncset.s32 $0xFFFFF086  }
0x25: {  	[simem:s6], [sflag:s4] =	dma.local [hbm:s3], $0xF7A  }
0x26: {  	[smem:$0x3F9D] =	sst s1;
	(tag) =	ssettag s2;
	_ =	strace s9  }
0x27: {  	s1 =	sld [smem:$0x3FAD]  }
0x28: {  	s2 =	sld [smem:$0x3FAE]  }
0x29: {  	s4 =	sld [smem:$0x3FB0]  }
0x2a: {  	p0 =	seq.s32 s5, $0x0;
	s5 =	sld [smem:$0x3FB1]  }
0x2b: {  	s6 =	sld [smem:$0x3FB2]  }
0x2c: {  	s7 =	sld [smem:$0x3FB3]  }
0x2d: {  	s3 =	simm.s32 $0x108;
	s8 =	sld [smem:$0x3FB4]  }
0x2e: {  	s3 =	simm.s32 @!p0 $0x1082;
	s9 =	sld [smem:$0x3FB5]  }
0x2f: {  	lr =	sadd.s32 s0, s3;
	s0 =	sld [smem:$0x3FAC]  }
0x30: {  	s3 =	sld [smem:$0x3FAF]  }
0x31: {  	[smem:$0x3FB8] =	sst s10  }
0x32: {  	s10 =	sld [smem:$0x3FB6];
	_ =	sdelay $0x3  }
0x33: {  	p0 =	seq.s32 s10, $0x1;
	s10 =	sld [smem:$0x3FB8];
	_ =	sdelay $0x3  }
0x34: {  	[smem:$0x3FB8] =	sst s10  }
0x35: {  	s10 =	sld [smem:$0x3FB7];
	_ =	sdelay $0x3  }
0x36: {  	p1 =	seq.s32 s10, $0x1;
	s10 =	sld [smem:$0x3FB8];
	_ =	sdelay $0x3  }
0x37: {  	[smem:$0x3FB8] =	sst s10  }
0x38: {  	s10 =	sld [smem:$0x3FB9]  }
0x39: {  	_ = 	snop;
	(pc) =	sbr.ind lr, $3  }
0x3a: {  	_ = 	snop  }
0x3b: {  	_ = 	snop  }
0x3c: {  	p2 =	seq.s32 s10, $0x1;
	s10 =	sld [smem:$0x3FB8]  }
0x3d: {  	_ =	shalt  }
0x3e: {  	_ =	shalt  }
0x3f: {  	_ =	shalt  }
0x40: {  	_ =	shalt  }
0x41: {  	_ =	shalt  }
0x42: {  	_ =	shalt  }
0x43: {  	_ =	shalt  }
0x44: {  	_ =	shalt  }
0x45: {  	_ =	shalt  }
0x46: {  	_ =	shalt  }
0x47: {  	_ =	shalt  }
0x48: {  	_ =	shalt  }
0x49: {  	_ =	shalt  }
0x4a: {  	_ =	shalt  }
0x4b: {  	_ =	shalt  }
0x4c: {  	_ =	shalt  }
0x4d: {  	_ =	shalt  }
0x4e: {  	_ =	shalt  }
0x4f: {  	_ =	shalt  }
0x50: {  	_ =	shalt  }
0x51: {  	_ =	shalt  }
0x52: {  	_ =	shalt  }
0x53: {  	_ =	shalt  }
0x54: {  	_ =	shalt  }
0x55: {  	_ =	shalt  }
0x56: {  	_ =	shalt  }
0x57: {  	_ =	shalt  }
0x58: {  	_ =	shalt  }
0x59: {  	_ =	shalt  }
0x5a: {  	_ =	shalt  }
0x5b: {  	_ =	shalt  }
0x5c: {  	_ =	shalt  }
0x5d: {  	_ =	shalt  }
0x5e: {  	_ =	shalt  }
0x5f: {  	_ =	shalt  }
0x60: {  	_ =	shalt  }
0x61: {  	_ =	shalt  }
0x62: {  	_ =	shalt  }
0x63: {  	_ =	shalt  }
0x64: {  	_ =	shalt  }
0x65: {  	_ =	shalt  }
0x66: {  	_ =	shalt  }
0x67: {  	_ =	shalt  }
0x68: {  	_ =	shalt  }
0x69: {  	_ =	shalt  }
0x6a: {  	_ =	shalt  }
0x6b: {  	_ =	shalt  }
0x6c: {  	_ =	shalt  }
0x6d: {  	_ =	shalt  }
0x6e: {  	_ =	shalt  }
0x6f: {  	_ =	shalt  }
0x70: {  	_ =	shalt  }
0x71: {  	_ =	shalt  }
0x72: {  	_ =	shalt  }
0x73: {  	_ =	shalt  }
0x74: {  	_ =	shalt  }
0x75: {  	_ =	shalt  }
0x76: {  	_ =	shalt  }
0x77: {  	_ =	shalt  }
0x78: {  	_ =	shalt  }
0x79: {  	_ =	shalt  }
0x7a: {  	_ =	shalt  }
0x7b: {  	_ =	shalt  }
0x7c: {  	_ =	shalt  }
0x7d: {  	_ =	shalt  }
0x7e: {  	_ =	shalt  }
0x7f: {  	_ =	shalt  }
0x80: {  	_ =	shalt  }
0x81: {  	_ =	shalt  }
0x82: {  	_ =	shalt  }
0x83: {  	_ =	shalt  }
0x84: {  	_ =	shalt  }
0x85: {  	_ =	shalt  }
0x86: {  	_ =	shalt  }
0x87: {  	_ =	shalt  }
.Lfunc_end0:
.L_simem_size_0:
called_computation_lowered:
.L_overlay_start_0:
0x88: {  	s2 =	sld [smem:$0x3FD9]  }
0x89: {  	s3 =	sld [smem:$0x3FFE];
	_ =	sdelay $0x1  }
0x8a: {  	s1 =	srdreg.scid  }
0x8b: {  	s0 =	sand.u32 $0x1, s1  }
0x8c: {  	s17 =	sshll.u32 s0, $0xA;
	s2 =	sadd.s32 s3, s2  }
0x8d: {  	s2 =	sadd.s32 s2, s17  }
0x8e: {  	[smem:$0x3FC4] =	sst s2  }
0x8f: {  	_ = 	snop  }
0x90: {  	s2 =	sld [smem:$0x3FD0];
	(tm) =	ssettm $0x1  }
0x91: {  	s18 =	sld [smem:$0x3FFB];
	_ =	sdelay $0x3  }
0x92: {  	_ =	strace s18  }
0x93: {  	s3 =	sld [smem:$0x3FFC];
	_ =	sdelay $0x3  }
0x94: {  	_ =	strace s3  }
0x95: {  	s3 =	sld [smem:$0x3FFD];
	_ =	sdelay $0x3  }
0x96: {  	_ =	strace s3  }
0x97: {  	_ =	strace $0x8FFFFFFF  }
0x98: {  	s19 =	sld [smem:$0x3FDB];
	_ =	sdelay $0x1  }
0x99: {  	s4 =	simm.s32 $_scs_section_size  }
0x9a: {  	s5 =	simm.s32 $_size__tile_overlayer_lowered;
	s6 =	simm.s32 $_tile_overlayer_lowered  }
0x9b: {  	s22 =	simm.s32 $0x1BFF;
	s21 =	sshll.u32 s6, $0x1;
	s3 =	sadd.s32 s4, s19  }
0x9c: {  	s7 =	simm.s32 $0x0;
	s20 =	sshll.u32 s5, $0x1;
	s5 =	sadd.s32 s21, s3  }
0x9d: {  	[timem:s7], [sflag:s22] =	dma.local [hbm:s5], s20  }
0x9e: {  	_ =	swait.ge [sflag:s22], s20  }
0x9f: {  	s4 =	ssub.s32 $0x0, s20;
	[sflag:s22] =	ssyncset.done $0x0  }
0xa0: {  	[sflag:s22] =	ssyncadd.s32 s4;
	_ =	sdelay $0x1  }
0xa1: {  	s23 =	simm.s32 $0x1B8B  }
0xa2: {  	_ =	swait.ge [sflag:s23], $0x1  }
0xa3: {  	[sflag:s23] =	ssyncset.done $0x0  }
0xa4: {  	s25 =	simm.s32 $0x1B8E;
	s24 =	sld [smem:$0x3FFE];
	[sflag:s23] =	ssyncadd.s32 $0xFFFFFFFF  }
0xa5: {  	s26 =	simm.s32 $execute0_lowered;
	[smem:$0x3FD2] =	sst s25  }
0xa6: {  	s5 =	sshll.u32 s26, $0x1;
	_ =	strace $0x80000046;
	[dreg:$0x1] =	wrdreg $0xFFFFFFFF  }
0xa7: {  	s28 =	simm.s32 $_size_execute0_lowered;
	s3 =	sadd.s32 s3, s5;
	[dreg:$0x0] =	wrdreg $0x0  }
0xa8: {  	s5 =	sshll.u32 s28, $0x1;
	[dreg:$0x2] =	wrdreg s3  }
0xa9: {  	[dreg:$0x3] =	wrdreg s5  }
0xaa: {  	[dreg:$0x4] =	wrdreg $0xC0  }
0xab: {  	_ =	task [dreg:s7], $0x5FFFF  }
0xac: {  	[dreg:$0x1] =	wrdreg $0xFFFFFFFF  }
0xad: {  	[dreg:$0x0] =	wrdreg $0x60  }
0xae: {  	[dreg:$0x2] =	wrdreg s24  }
0xaf: {  	[dreg:$0x3] =	wrdreg s2  }
0xb0: {  	[dreg:$0x4] =	wrdreg $0x9  }
0xb1: {  	_ =	task.clear_ibuf [dreg:s7], $0x5FFFF;
	_ =	strace $0x90000046  }
0xb2: {  	s29 =	simm.s32 $0x9;
	_ =	strace $0x80000048  }
0xb3: {  	_ =	swait.ge [sflag:s29], $0x1  }
0xb4: {  	[sflag:s29] =	ssyncadd.s32 $0xFFFFFFFF  }
0xb5: {  	_ =	strace $0x90000048  }
0xb6: {  	_ =	sfence  }
0xb7: {  	s30 =	sld [smem:$0x0];
	_ =	sdelay $0x2  }
0xb8: {  	s31 =	sshll.u32 s1, $0xD;
	s1 =	sshrl.u32 s1, $0x2  }
0xb9: {  	s3 =	sand.u32 $0x4000, s31;
	s1 =	sadd.s32 s1, s30  }
0xba: {  	s0 =	sor.u32 s3, s0;
	s1 =	sshll.u32 s1, $0x11  }
0xbb: {  	s0 =	sor.u32 s1, s0  }
0xbc: {  	s0 =	sadd.s32 $0x8F2B, s0  }
0xbd: {  	[sflag:s0] =	ssyncadd.remote.s32 $0x1  }
0xbe: {  	_ =	sfence.sel $0xFFFF  }
0xbf: {  	[dreg:$0x0] =	wrdreg $0xFFFFFFFF;
	(pc) =	sbr.abs _section_cstart, $3  }
0xc0: {  	[dreg:$0x1] =	wrdreg $0xFFFFFFFF  }
0xc1: {  	_ =	task.clear_ibuf [dreg:s7], $0x2FFFF;
	_ =	strace $0x9FFFFFFF  }
0xc2: {  	(tm) =	ssettm $0x7FFFFFFF  }
0xc3: {  	_ =	shalt  }
tec
execute0_lowered:
.L_overlay_start_1:
0x0: {  	(tag) =	ssettag $0x1  }
0x1: {  	s4 =	rddreg [dreg:$0x0]  }
0x2: {  	s2 =	rddreg [dreg:$0x1]  }
0x3: {  	s3 =	simm.s32 $0x0;
	s5 =	srdreg.scid;
	s0 =	stileid.u32  }
0x4: {  	s11 =	simm.s32 $0x80;
	s12 =	simm.s32 $0x400;
	s13 =	simm.s32 $0x9E00  }
0x5: {  	s14 =	simm.s32 $0xDE00;
	s15 =	simm.s32 $0x3;
	s16 =	simm.s32 $0x2780  }
0x6: {  	s17 =	simm.s32 $0x1;
	s18 =	simm.s32 $0x4F00;
	s19 =	simm.s32 $0x7680  }
0x7: {  	s20 =	simm.s32 $0x2;
	s21 =	simm.s32 $0x11E00;
	s22 =	simm.s32 $0x0  }
0x8: {  	[smem:$0x7FF] =	sst s3;
	s5 =	sand.u32 $0x1, s5;
	s6 =	smul.u32 $0x13C00, s0  }
0x9: {  	s8 =	sshrl.u32 s0, $0x2;
	s9 =	sshll.u32 s0, $0x8;
	s7 =	sshll.u32 s5, $0x9  }
0xa: {  	s8 =	smul.u32 $0x50000, s8;
	s10 =	sshll.u32 s5, $0x7;
	s9 =	sand.u32 $0x300, s9  }
0xb: {  	_ =	strace $0x80000047;
	s5 =	ssub.s32 $0x2, s5;
	s25 =	sor.u32 s10, s9  }
0xc: {  	s6 =	sor.u32 s7, s6;
	s29 =	sshrl.u32 s5, $0x1;
	s7 =	sor.u32 s8, s25  }
0xd: {  	s6 =	sshrl.u32 s6, $0x3;
	s31 =	ssub.s32 s5, s29;
	s28 =	sshrl.u32 s7, $0x3  }
0xe: {  	s26 =	sadd.s32 s6, s4;
	s10 =	smax.u32 s31, $0x1;
	s30 =	sadd.s32 s28, s4  }
0xf: {  	s4 =	sadd.s32 $0x10, s2;
	s5 =	sadd.s32 $0x1C00, s26;
	s6 =	sadd.s32 $0x1C10, s26  }
0x10: {  	s7 =	sadd.s32 $0x1C20, s26;
	s8 =	sadd.s32 $0x1C30, s26;
	s9 =	sadd.s32 $0x29400, s30  }
.LBB2_1:
0x11: {  	[tilespmem:s13], [sflag:$0x1] =	stream.strided.gather [hbm4b:s2+s11], $0x4000, s12, s11, $0x38;
	[tilespmem:$0x1BE00] =	vst v63  }
0x12: {  	_ = 	snop  }
0x13: {  	[tilespmem:s14], [sflag:$0x2] =	stream.strided.gather [hbm4b:s4+s11], $0x4000, s12, s11, $0x38;
	[tilespmem:$0x1BE00] =	vst v63  }
0x14: {  	_ = 	snop  }
0x15: {  	[tilespmem:s3], [sflag:$0x3] =	stream.strided.gather [hbm4b:s5+s11], $0x2780, s12, s11, $0x38;
	[tilespmem:$0x1BE00] =	vst v63  }
0x16: {  	_ =	swait.ge [sflag:s15], $0x2780  }
0x17: {  	[sflag:s15] =	ssyncset.done $0x0  }
0x18: {  	[sflag:s15] =	ssyncadd.s32 $0xFFFFD880  }
0x19: {  	[tilespmem:s16], [sflag:$0x3] =	stream.strided.gather [hbm4b:s6+s11], $0x2780, s12, s11, $0x38;
	[tilespmem:$0x1BE00] =	vst v63  }
0x1a: {  	_ =	swait.ge [sflag:s15], $0x2780  }
0x1b: {  	[sflag:s15] =	ssyncset.done $0x0  }
0x1c: {  	s23 =	simm.s32 $0x0;
	[sflag:s15] =	ssyncadd.s32 $0xFFFFD880  }
0x1d: {  	v0 =	vld [tilespmem:s23+$0x0]  }
0x1e: {  	s24 =	simm.s32 $0x40;
	v1 =	vld [tilespmem:s23+$0x2780]  }
.LBB2_2:
0x1f: {  	p0 =	sne.s32 s24, $0x9C00  }
.Ltmp0:
0x20: {  	_ = 	snop;
	(pc) =	sbr.rel @p0 .LBB2_2-.Ltmp0, $4  }
0x21: {  	_ = 	snop  }
0x22: {  	s25 =	sshra.s32 s24, $0x2  }
0x23: {  	s24 =	sadd.s32 $0x40, s24;
	v2 =	vpack.i.f32.bf16 v1, v0;
	v0 =	vld [tilespmem:s25+$0x0]  }
0x24: {  	v1 =	vld [tilespmem:s25+$0x2780];
	[tilespmem:s23+$0x4F00] =	vst v2;
	s23 =	smov.u32 s25  }
0x25: {  	_ =	sdelay $0x3  }
0x26: {  	v0 =	vpack.i.f32.bf16 v1, v0  }
0x27: {  	[tilespmem:s23+$0x4F00] =	vst v0;
	s23 =	simm.s32 $0x0  }
0x28: {  	[tilespmem:s23], [sflag:$0x3] =	stream.strided.gather [hbm4b:s7+s11], $0x2780, s12, s11, $0x38;
	[tilespmem:$0x1BE00] =	vst v63  }
0x29: {  	_ =	swait.ge [sflag:s15], $0x2780  }
0x2a: {  	[sflag:s15] =	ssyncset.done $0x0  }
0x2b: {  	[sflag:s15] =	ssyncadd.s32 $0xFFFFD880  }
0x2c: {  	[tilespmem:s16], [sflag:$0x3] =	stream.strided.gather [hbm4b:s8+s11], $0x2780, s12, s11, $0x38;
	[tilespmem:$0x1BE00] =	vst v63  }
0x2d: {  	_ =	swait.ge [sflag:s15], $0x2780  }
0x2e: {  	[sflag:s15] =	ssyncset.done $0x0  }
0x2f: {  	s24 =	simm.s32 $0x0;
	[sflag:s15] =	ssyncadd.s32 $0xFFFFD880  }
0x30: {  	v0 =	vld [tilespmem:s24+$0x0]  }
0x31: {  	s25 =	simm.s32 $0x40;
	v1 =	vld [tilespmem:s24+$0x2780]  }
.LBB2_4:
0x32: {  	p0 =	sne.s32 s25, $0x9C00  }
.Ltmp1:
0x33: {  	_ = 	snop;
	(pc) =	sbr.rel @p0 .LBB2_4-.Ltmp1, $4  }
0x34: {  	_ = 	snop  }
0x35: {  	s26 =	sshra.s32 s25, $0x2  }
0x36: {  	s25 =	sadd.s32 $0x40, s25;
	v2 =	vpack.i.f32.bf16 v1, v0;
	v0 =	vld [tilespmem:s26+$0x0]  }
0x37: {  	v1 =	vld [tilespmem:s26+$0x2780];
	[tilespmem:s24+$0x7680] =	vst v2;
	s24 =	smov.u32 s26  }
0x38: {  	_ =	sdelay $0x3  }
0x39: {  	v0 =	vpack.i.f32.bf16 v1, v0  }
0x3a: {  	[tilespmem:s24+$0x7680] =	vst v0  }
.LBB2_6:
0x3b: {  	_ =	swait.ge [sflag:s17], $0x4000;
	s24 =	sshll.u32 s23, $0xA  }
0x3c: {  	s25 =	simm.s32 $0x0;
	[sflag:s17] =	ssyncset.done $0x0;
	s24 =	sand.u32 $0x3FFFFC00, s24  }
0x3d: {  	s26 =	simm.s32 $0x9E00;
	[sflag:s17] =	ssyncadd.s32 $0xFFFFC000;
	s24 =	sadd.s32 $0x11E00, s24  }
.LBB2_7:
0x3e: {  	s29 =	sand.u32 $0x180, s25;
	s28 =	sand.u32 $0x70, s25  }
0x3f: {  	v0 =	vld [tilespmem:s26+$0x0];
	s30 =	sor.u32 s28, s29  }
0x40: {  	v2 =	vld [tilespmem:s30+$0xA000]  }
0x41: {  	v3 =	vld [tilespmem:s30+$0xA200]  }
0x42: {  	v44 =	vld [tilespmem:s30+$0xA400]  }
0x43: {  	v46 =	vld [tilespmem:s30+$0xA600]  }
0x44: {  	v49 =	vld [tilespmem:s30+$0xA800]  }
0x45: {  	v51 =	vld [tilespmem:s30+$0xAA00]  }
0x46: {  	v57 =	vld [tilespmem:s30+$0xAC00]  }
0x47: {  	v63 =	vld [tilespmem:s30+$0xAE00]  }
0x48: {  	v22 =	vld [tilespmem:s30+$0xB000]  }
0x49: {  	v25 =	vld [tilespmem:s30+$0xB200];
	v1 =	vand.u32 $0xFFFF, v0  }
0x4a: {  	v31 =	vld [tilespmem:s30+$0xB400];
	v0 =	vshrl.u32 v0, $0x10  }
0x4b: {  	v36 =	vld [tilespmem:s30+$0xB600]  }
0x4c: {  	v38 =	vld [tilespmem:s30+$0xB800]  }
0x4d: {  	v42 =	vld [tilespmem:s30+$0xBA00];
	v4 =	vand.u32 $0xFFFF, v2  }
0x4e: {  	v2 =	vshrl.u32 v2, $0x10;
	v5 =	vld.idx.msk [tilespmem:v1+s18+$0x0], $0xffff  }
0x4f: {  	v9 =	vld.idx.msk [tilespmem:v0+s18+$0x0], $0xffff  }
0x50: {  	v7 =	vld.idx.msk [tilespmem:v1+s19+$0x0], $0xffff  }
0x51: {  	v43 =	vand.u32 $0xFFFF, v3;
	v10 =	vld.idx.msk [tilespmem:v0+s19+$0x0], $0xffff  }
0x52: {  	v3 =	vshrl.u32 v3, $0x10;
	v12 =	vld.idx.msk [tilespmem:v4+s18+$0x0], $0xffff  }
0x53: {  	v15 =	vld.idx.msk [tilespmem:v2+s18+$0x0], $0xffff  }
0x54: {  	v13 =	vld.idx.msk [tilespmem:v4+s19+$0x0], $0xffff  }
0x55: {  	v45 =	vand.u32 $0xFFFF, v44;
	v16 =	vld.idx.msk [tilespmem:v2+s19+$0x0], $0xffff  }
0x56: {  	v11 =	vld.idx.msk [tilespmem:v43+s18+$0x0], $0xffff  }
0x57: {  	v48 =	vand.u32 $0xFFFF, v46;
	v6 =	vld.idx.msk [tilespmem:v3+s18+$0x0], $0xffff  }
0x58: {  	v14 =	vld.idx.msk [tilespmem:v43+s19+$0x0], $0xffff  }
0x59: {  	v53 =	vand.u32 $0xFFFF, v49;
	v17 =	vld.idx.msk [tilespmem:v3+s19+$0x0], $0xffff  }
0x5a: {  	v56 =	vand.u32 $0xFFFF, v51;
	v47 =	vld.idx.msk [tilespmem:v45+s18+$0x0], $0xffff  }
0x5b: {  	v62 =	vand.u32 $0xFFFF, v57;
	v2 =	vld.idx.msk [tilespmem:v45+s19+$0x0], $0xffff  }
0x5c: {  	v21 =	vand.u32 $0xFFFF, v63;
	v52 =	vld.idx.msk [tilespmem:v48+s18+$0x0], $0xffff  }
0x5d: {  	v27 =	vand.u32 $0xFFFF, v22;
	v0 =	vld.idx.msk [tilespmem:v48+s19+$0x0], $0xffff  }
0x5e: {  	v30 =	vand.u32 $0xFFFF, v25;
	v58 =	vld.idx.msk [tilespmem:v53+s18+$0x0], $0xffff  }
0x5f: {  	v35 =	vand.u32 $0xFFFF, v31;
	v61 =	vld.idx.msk [tilespmem:v56+s18+$0x0], $0xffff  }
0x60: {  	v37 =	vand.u32 $0xFFFF, v36;
	v20 =	vld.idx.msk [tilespmem:v62+s18+$0x0], $0xffff  }
0x61: {  	v26 =	vld.idx.msk [tilespmem:v21+s18+$0x0], $0xffff  }
0x62: {  	v1 =	vshrl.u32 v44, $0x10;
	v32 =	vld.idx.msk [tilespmem:v27+s18+$0x0], $0xffff  }
0x63: {  	v34 =	vld.idx.msk [tilespmem:v30+s18+$0x0], $0xffff  }
0x64: {  	v4 =	vshrl.u32 v46, $0x10;
	v3 =	vshrl.u32 v49, $0x10;
	v49 =	vld.idx.msk [tilespmem:v35+s18+$0x0], $0xffff  }
0x65: {  	v43 =	vld.idx.msk [tilespmem:v37+s18+$0x0], $0xffff  }
0x66: {  	v46 =	vld [tilespmem:s30+$0xBC00]  }
0x67: {  	v50 =	vld.idx.msk [tilespmem:v1+s18+$0x0], $0xffff  }
0x68: {  	v1 =	vld.idx.msk [tilespmem:v1+s19+$0x0], $0xffff  }
0x69: {  	v54 =	vld.idx.msk [tilespmem:v4+s18+$0x0], $0xffff  }
0x6a: {  	v55 =	vld.idx.msk [tilespmem:v4+s19+$0x0], $0xffff  }
0x6b: {  	v44 =	vand.u32 $0xFFFF, v38;
	v59 =	vld.idx.msk [tilespmem:v3+s18+$0x0], $0xffff  }
0x6c: {  	[tilespmem:$0x1FDF0] =	vst v2;
	v2 =	vld.idx.msk [tilespmem:v53+s19+$0x0], $0xffff  }
0x6d: {  	v60 =	vld.idx.msk [tilespmem:v3+s19+$0x0], $0xffff  }
0x6e: {  	[tilespmem:$0x1FE30] =	vst v0;
	v0 =	vld.idx.msk [tilespmem:v56+s19+$0x0], $0xffff  }
0x6f: {  	[tilespmem:$0x1FE10] =	vst v52;
	v52 =	vld.idx.msk [tilespmem:v37+s19+$0x0], $0xffff  }
0x70: {  	v45 =	vand.u32 $0xFFFF, v42;
	v53 =	vld.idx.msk [tilespmem:v44+s18+$0x0], $0xffff  }
0x71: {  	v9 =	vsub.bf16 v5, v9;
	[tilespmem:$0x1FDD0] =	vst v47;
	v4 =	vshrl.u32 v57, $0x10;
	v57 =	vld [tilespmem:s30+$0xBE00]  }
0x72: {  	[tilespmem:$0x1FE50] =	vst v58;
	v56 =	vand.u32 $0xFFFF, v46;
	v58 =	vshrl.u32 v46, $0x10;
	v46 =	vld [tilespmem:s30+$0xC800];
	v12 =	vsub.bf16 v12, v15  }
0x73: {  	[tilespmem:$0x1FDC0] =	vst v6;
	v5 =	vsub.bf16 v14, v17;
	v17 =	vld [tilespmem:$0x1FDD0]  }
0x74: {  	v15 =	vsub.bf16 v7, v10;
	v7 =	vmax.bf16 v9, v12;
	v12 =	vld [tilespmem:$0x1FDC0]  }
0x75: {  	v3 =	vshrl.u32 v63, $0x10;
	[tilespmem:$0x1FE00] =	vst v1;
	v1 =	vshrl.u32 v51, $0x10;
	v51 =	vld.idx.msk [tilespmem:v45+s19+$0x0], $0xffff  }
0x76: {  	v14 =	vld [tilespmem:$0x1FE00]  }
0x77: {  	v23 =	vld.idx.msk [tilespmem:v4+s18+$0x0], $0xffff  }
0x78: {  	[tilespmem:$0x1FE70] =	vst v2;
	v2 =	vld.idx.msk [tilespmem:v62+s19+$0x0], $0xffff  }
0x79: {  	v24 =	vld.idx.msk [tilespmem:v4+s19+$0x0], $0xffff  }
0x7a: {  	v28 =	vld.idx.msk [tilespmem:v3+s18+$0x0], $0xffff  }
0x7b: {  	[tilespmem:$0x1FEB0] =	vst v0;
	v0 =	vld.idx.msk [tilespmem:v21+s19+$0x0], $0xffff  }
0x7c: {  	v29 =	vld.idx.msk [tilespmem:v3+s19+$0x0], $0xffff  }
0x7d: {  	v4 =	vld.idx.msk [tilespmem:v27+s19+$0x0], $0xffff  }
0x7e: {  	[tilespmem:$0x1FE20] =	vst v54;
	v54 =	vld.idx.msk [tilespmem:v45+s18+$0x0], $0xffff  }
0x7f: {  	v8 =	vld.idx.msk [tilespmem:v56+s18+$0x0], $0xffff  }
0x80: {  	[tilespmem:$0x1FE40] =	vst v55;
	v55 =	vld.idx.msk [tilespmem:v56+s19+$0x0], $0xffff  }
0x81: {  	[tilespmem:$0x1FF50] =	vst v32;
	v32 =	vld.idx.msk [tilespmem:v58+s18+$0x0], $0xffff  }
0x82: {  	v21 =	vld [tilespmem:s30+$0xC200]  }
0x83: {  	[tilespmem:$0x1FDE0] =	vst v50;
	v3 =	vshrl.u32 v31, $0x10;
	v27 =	vld [tilespmem:s30+$0xC400]  }
0x84: {  	v16 =	vsub.bf16 v13, v16;
	v13 =	vsub.bf16 v11, v12;
	v12 =	vld [tilespmem:$0x1FDE0]  }
0x85: {  	[tilespmem:$0x1FED0] =	vst v20;
	v20 =	vshrl.u32 v57, $0x10;
	v18 =	vld.idx.msk [tilespmem:v1+s18+$0x0], $0xffff  }
0x86: {  	v19 =	vld.idx.msk [tilespmem:v1+s19+$0x0], $0xffff  }
0x87: {  	[tilespmem:$0x1FF30] =	vst v0;
	v0 =	vld.idx.msk [tilespmem:v30+s19+$0x0], $0xffff  }
0x88: {  	v40 =	vld.idx.msk [tilespmem:v3+s18+$0x0], $0xffff  }
0x89: {  	v1 =	vshrl.u32 v22, $0x10;
	v41 =	vld.idx.msk [tilespmem:v3+s19+$0x0], $0xffff  }
0x8a: {  	[tilespmem:$0x1FF10] =	vst v26;
	v26 =	vld.idx.msk [tilespmem:v20+s18+$0x0], $0xffff  }
0x8b: {  	[tilespmem:$0x1FEF0] =	vst v2;
	v2 =	vshrl.u32 v25, $0x10;
	v25 =	vld.idx.msk [tilespmem:v20+s19+$0x0], $0xffff  }
0x8c: {  	[tilespmem:$0x1FF40] =	vst v29;
	v29 =	vld [tilespmem:s30+$0xC600]  }
0x8d: {  	v3 =	vmax.bf16 v7, v13;
	v13 =	vld [tilespmem:$0x1FDF0]  }
0x8e: {  	[tilespmem:$0x1FF70] =	vst v4;
	v4 =	vshrl.u32 v36, $0x10;
	v33 =	vld.idx.msk [tilespmem:v1+s18+$0x0], $0xffff  }
0x8f: {  	v1 =	vld.idx.msk [tilespmem:v1+s19+$0x0], $0xffff  }
0x90: {  	[tilespmem:$0x1FEC0] =	vst v19;
	v19 =	vld [tilespmem:s30+$0xC000]  }
0x91: {  	[tilespmem:$0x1FF00] =	vst v24;
	v24 =	vand.u32 $0xFFFF, v21;
	v47 =	vld.idx.msk [tilespmem:v2+s18+$0x0], $0xffff  }
0x92: {  	[tilespmem:$0x1FFD0] =	vst v43;
	v48 =	vld.idx.msk [tilespmem:v2+s19+$0x0], $0xffff  }
0x93: {  	[tilespmem:$0x1FF20] =	vst v28;
	v28 =	vand.u32 $0xFFFF, v27;
	v50 =	vld.idx.msk [tilespmem:v4+s18+$0x0], $0xffff  }
0x94: {  	[tilespmem:$0x1FE60] =	vst v59;
	v43 =	vshrl.u32 v27, $0x10;
	v59 =	vld.idx.msk [tilespmem:v4+s19+$0x0], $0xffff  }
0x95: {  	[tilespmem:$0x1FFC0] =	vst v41;
	v41 =	vld.idx.msk [tilespmem:v44+s19+$0x0], $0xffff  }
0x96: {  	v63 =	vld.idx.msk [tilespmem:v24+s18+$0x0], $0xffff  }
0x97: {  	v36 =	vld.idx.msk [tilespmem:v24+s19+$0x0], $0xffff  }
0x98: {  	v44 =	vld.idx.msk [tilespmem:v28+s18+$0x0], $0xffff  }
0x99: {  	v37 =	vld.idx.msk [tilespmem:v43+s18+$0x0], $0xffff  }
0x9a: {  	v2 =	vshrl.u32 v38, $0x10;
	v38 =	vld.idx.msk [tilespmem:v43+s19+$0x0], $0xffff  }
0x9b: {  	[tilespmem:$0x1FEA0] =	vst v18;
	v18 =	vand.u32 $0xFFFF, v57;
	v4 =	vld [tilespmem:s30+$0xCC00]  }
0x9c: {  	v7 =	vsub.bf16 v13, v14;
	v13 =	vld [tilespmem:$0x1FE30]  }
0x9d: {  	[tilespmem:$0x1FFE0] =	vst v8;
	v14 =	vld [tilespmem:$0x1FE40]  }
0x9e: {  	v8 =	vand.u32 $0xFFFF, v46;
	[tilespmem:$0x1FF80] =	vst v1;
	v1 =	vld.idx.msk [tilespmem:v35+s19+$0x0], $0xffff  }
0x9f: {  	[tilespmem:$0x1FF60] =	vst v33;
	v33 =	vld.idx.msk [tilespmem:v58+s19+$0x0], $0xffff  }
0xa0: {  	v62 =	vld.idx.msk [tilespmem:v18+s18+$0x0], $0xffff  }
0xa1: {  	[tilespmem:$0x1FFA0] =	vst v0;
	v0 =	vshrl.u32 v21, $0x10;
	v58 =	vld.idx.msk [tilespmem:v28+s19+$0x0], $0xffff  }
0xa2: {  	[tilespmem:$0x1FEE0] =	vst v23;
	v22 =	vand.u32 $0xFFFF, v19;
	v23 =	vshrl.u32 v19, $0x10;
	v19 =	vld [tilespmem:s30+$0xCA00]  }
0xa3: {  	v45 =	vand.u32 $0xFFFF, v29;
	v28 =	vld.idx.msk [tilespmem:v8+s18+$0x0], $0xffff  }
0xa4: {  	[tilespmem:$0x1FE80] =	vst v60;
	v60 =	vld.idx.msk [tilespmem:v2+s18+$0x0], $0xffff  }
0xa5: {  	v30 =	vld.idx.msk [tilespmem:v2+s19+$0x0], $0xffff  }
0xa6: {  	v24 =	vld.idx.msk [tilespmem:v0+s18+$0x0], $0xffff  }
0xa7: {  	v21 =	vld.idx.msk [tilespmem:v0+s19+$0x0], $0xffff  }
0xa8: {  	v43 =	vld.idx.msk [tilespmem:v45+s18+$0x0], $0xffff  }
0xa9: {  	v0 =	vshrl.u32 v46, $0x10;
	v46 =	vld.idx.msk [tilespmem:v8+s19+$0x0], $0xffff  }
0xaa: {  	[tilespmem:$0x1FFB0] =	vst v1;
	v1 =	vshrl.u32 v42, $0x10;
	v42 =	vld.idx.msk [tilespmem:v18+s19+$0x0], $0xffff  }
0xab: {  	v56 =	vld.idx.msk [tilespmem:v22+s18+$0x0], $0xffff  }
0xac: {  	v57 =	vld.idx.msk [tilespmem:v22+s19+$0x0], $0xffff  }
0xad: {  	[tilespmem:$0x1FF90] =	vst v34;
	v34 =	vld.idx.msk [tilespmem:v23+s18+$0x0], $0xffff;
	v18 =	vshrl.u32 v29, $0x10  }
0xae: {  	v35 =	vld.idx.msk [tilespmem:v23+s19+$0x0], $0xffff  }
0xaf: {  	v29 =	vld.idx.msk [tilespmem:v0+s19+$0x0], $0xffff  }
0xb0: {  	v31 =	vld.idx.msk [tilespmem:v1+s18+$0x0], $0xffff  }
0xb1: {  	[tilespmem:$0x1FE90] =	vst v61;
	v61 =	vld.idx.msk [tilespmem:v1+s19+$0x0], $0xffff  }
0xb2: {  	v22 =	vld.idx.msk [tilespmem:v18+s18+$0x0], $0xffff  }
0xb3: {  	v23 =	vld.idx.msk [tilespmem:v18+s19+$0x0], $0xffff  }
0xb4: {  	v1 =	vand.u32 $0xFFFF, v19;
	v18 =	vld.idx.msk [tilespmem:v0+s18+$0x0], $0xffff  }
0xb5: {  	v6 =	vshrl.u32 v4, $0x10;
	v0 =	vand.u32 $0xFFFF, v4;
	v4 =	vmax.bf16 v15, v16;
	v15 =	vld [tilespmem:$0x1FE10]  }
0xb6: {  	v8 =	vshrl.u32 v19, $0x10;
	v4 =	vmax.bf16 v4, v5;
	v5 =	vld [tilespmem:$0x1FE20]  }
0xb7: {  	v39 =	vld.idx.msk [tilespmem:v45+s19+$0x0], $0xffff  }
0xb8: {  	v2 =	vld [tilespmem:s30+$0xCE00]  }
0xb9: {  	[tilespmem:$0x1FFF0] =	vst v44;
	v44 =	vld.idx.msk [tilespmem:v1+s18+$0x0], $0xffff  }
0xba: {  	v45 =	vld.idx.msk [tilespmem:v1+s19+$0x0], $0xffff;
	v1 =	vsub.bf16 v17, v12  }
0xbb: {  	v19 =	vld.idx.msk [tilespmem:v8+s18+$0x0], $0xffff;
	v11 =	vsub.bf16 v15, v5  }
0xbc: {  	v12 =	vld [tilespmem:$0x1FE80];
	v1 =	vmax.bf16 v3, v1  }
0xbd: {  	v1 =	vmax.bf16 v1, v11;
	v11 =	vld [tilespmem:$0x1FE70]  }
0xbe: {  	v20 =	vld.idx.msk [tilespmem:v8+s19+$0x0], $0xffff  }
0xbf: {  	v16 =	vld.idx.msk [tilespmem:v6+s18+$0x0], $0xffff  }
0xc0: {  	v8 =	vand.u32 $0xFFFF, v2;
	v15 =	vld.idx.msk [tilespmem:v6+s19+$0x0], $0xffff  }
0xc1: {  	v6 =	vsub.bf16 v13, v14;
	v13 =	vld [tilespmem:$0x1FE90]  }
0xc2: {  	v3 =	vsub.bf16 v11, v12;
	v11 =	vld [tilespmem:$0x1FEA0]  }
0xc3: {  	v10 =	vld [tilespmem:s30+$0xD000]  }
0xc4: {  	v4 =	vmax.bf16 v4, v7;
	v7 =	vld [tilespmem:$0x1FE60]  }
0xc5: {  	v14 =	vld.idx.msk [tilespmem:v8+s18+$0x0], $0xffff  }
0xc6: {  	v12 =	vld [tilespmem:$0x1FEB0]  }
0xc7: {  	v4 =	vmax.bf16 v4, v6;
	v6 =	vsub.bf16 v13, v11;
	v13 =	vld.idx.msk [tilespmem:v8+s19+$0x0], $0xffff  }
0xc8: {  	v8 =	vld [tilespmem:$0x1FEC0]  }
0xc9: {  	v27 =	vld.idx.msk [tilespmem:v0+s18+$0x0], $0xffff  }
0xca: {  	v5 =	vld [tilespmem:$0x1FE50]  }
0xcb: {  	v17 =	vld.idx.msk [tilespmem:v0+s19+$0x0], $0xffff  }
0xcc: {  	v0 =	vand.u32 $0xFFFF, v10;
	v11 =	vld [tilespmem:$0x1FEE0]  }
0xcd: {  	v3 =	vmax.bf16 v4, v3;
	v4 =	vsub.bf16 v12, v8;
	v8 =	vshrl.u32 v10, $0x10;
	v10 =	vld [tilespmem:$0x1FED0];
	_ =	sdelay $0x1  }
0xce: {  	v7 =	vsub.bf16 v5, v7;
	_ =	sdelay $0x1  }
0xcf: {  	v1 =	vmax.bf16 v1, v7  }
0xd0: {  	v9 =	vshrl.u32 v2, $0x10;
	v2 =	vmax.bf16 v1, v6;
	v6 =	vsub.bf16 v10, v11;
	v10 =	vld [tilespmem:$0x1FEF0]  }
0xd1: {  	v11 =	vld [tilespmem:$0x1FF00];
	_ =	sdelay $0x3  }
0xd2: {  	v12 =	vld.idx.msk [tilespmem:v9+s18+$0x0], $0xffff  }
0xd3: {  	v1 =	vsub.bf16 v10, v11;
	v11 =	vld.idx.msk [tilespmem:v9+s19+$0x0], $0xffff  }
0xd4: {  	v10 =	vld [tilespmem:$0x1FF10]  }
0xd5: {  	v9 =	vld [tilespmem:$0x1FF20];
	_ =	sdelay $0x2  }
0xd6: {  	v3 =	vmax.bf16 v3, v4  }
0xd7: {  	v1 =	vmax.bf16 v3, v1;
	v3 =	vld [tilespmem:$0x1FF30]  }
0xd8: {  	v4 =	vsub.bf16 v10, v9;
	v10 =	vld [tilespmem:$0x1FF40];
	_ =	sdelay $0x2  }
0xd9: {  	v2 =	vmax.bf16 v2, v6  }
0xda: {  	v2 =	vmax.bf16 v2, v4;
	v4 =	vld [tilespmem:$0x1FF50]  }
0xdb: {  	v3 =	vsub.bf16 v3, v10;
	v10 =	vld [tilespmem:$0x1FF60]  }
0xdc: {  	v40 =	vsub.bf16 v49, v40;
	v49 =	vld [tilespmem:s30+$0xDA00]  }
0xdd: {  	v53 =	vsub.bf16 v53, v60;
	v60 =	vld [tilespmem:s30+$0xD800]  }
0xde: {  	v6 =	vld.idx.msk [tilespmem:v0+s18+$0x0], $0xffff  }
0xdf: {  	v1 =	vmax.bf16 v1, v3;
	v3 =	vld [tilespmem:$0x1FF80]  }
0xe0: {  	v4 =	vsub.bf16 v4, v10;
	v10 =	vld.idx.msk [tilespmem:v0+s19+$0x0], $0xffff  }
0xe1: {  	v0 =	vld [tilespmem:$0x1FF70]  }
0xe2: {  	v33 =	vsub.bf16 v55, v33;
	v55 =	vshrl.u32 v60, $0x10;
	v5 =	vld [tilespmem:s30+$0xD200]  }
0xe3: {  	v31 =	vsub.bf16 v54, v31;
	v54 =	vsub.bf16 v51, v61;
	v61 =	vld [tilespmem:$0x1FFE0]  }
0xe4: {  	v2 =	vmax.bf16 v2, v4;
	v4 =	vld [tilespmem:$0x1FFA0]  }
0xe5: {  	v51 =	vsub.bf16 v56, v34;
	v56 =	vld [tilespmem:s30+$0xDC00]  }
0xe6: {  	v3 =	vsub.bf16 v0, v3;
	v0 =	vld [tilespmem:$0x1FF90]  }
0xe7: {  	v26 =	vsub.bf16 v62, v26;
	v62 =	vld.idx.msk [tilespmem:v55+s18+$0x0], $0xffff;
	v9 =	vand.u32 $0xFFFF, v5  }
0xe8: {  	v7 =	vld [tilespmem:s30+$0xD400]  }
0xe9: {  	v30 =	vsub.bf16 v41, v30;
	v41 =	vld.idx.msk [tilespmem:v55+s19+$0x0], $0xffff;
	v4 =	vsub.bf16 v4, v48  }
0xea: {  	v1 =	vmax.bf16 v1, v3;
	v48 =	vld [tilespmem:$0x1FFC0]  }
0xeb: {  	v1 =	vmax.bf16 v1, v4;
	v4 =	vld [tilespmem:$0x1FFB0];
	v47 =	vsub.bf16 v0, v47  }
0xec: {  	v3 =	vld.idx.msk [tilespmem:v9+s18+$0x0], $0xffff  }
0xed: {  	v9 =	vld.idx.msk [tilespmem:v9+s19+$0x0], $0xffff;
	v2 =	vmax.bf16 v2, v47;
	v47 =	vand.u32 $0xFFFF, v7  }
0xee: {  	v0 =	vld.idx.msk [tilespmem:v8+s18+$0x0], $0xffff  }
0xef: {  	v25 =	vsub.bf16 v42, v25;
	v8 =	vld.idx.msk [tilespmem:v8+s19+$0x0], $0xffff  }
0xf0: {  	v42 =	vand.u32 $0xFFFF, v56;
	v2 =	vmax.bf16 v2, v40;
	v40 =	vld [tilespmem:s30+$0xD600];
	v4 =	vsub.bf16 v4, v48  }
0xf1: {  	v52 =	vsub.bf16 v52, v59;
	v5 =	vshrl.u32 v5, $0x10;
	v48 =	vld [tilespmem:$0x1FFD0]  }
0xf2: {  	v58 =	vsub.bf16 v58, v38;
	v24 =	vsub.bf16 v63, v24;
	v1 =	vmax.bf16 v1, v4;
	v4 =	vld.idx.msk [tilespmem:v47+s18+$0x0], $0xffff  }
0xf3: {  	v7 =	vshrl.u32 v7, $0x10;
	v1 =	vmax.bf16 v1, v52;
	v52 =	vsub.bf16 v57, v35;
	v57 =	vld [tilespmem:$0x1FFF0]  }
0xf4: {  	v21 =	vsub.bf16 v36, v21;
	v63 =	vsub.bf16 v46, v29;
	v1 =	vmax.bf16 v1, v30;
	v30 =	vld.idx.msk [tilespmem:v47+s19+$0x0], $0xffff  }
0xf5: {  	v22 =	vsub.bf16 v43, v22;
	v23 =	vsub.bf16 v39, v23;
	v47 =	vld.idx.msk [tilespmem:v42+s18+$0x0], $0xffff  }
0xf6: {  	v18 =	vsub.bf16 v28, v18;
	v59 =	vand.u32 $0xFFFF, v40;
	v48 =	vsub.bf16 v48, v50;
	v50 =	vld.idx.msk [tilespmem:v5+s18+$0x0], $0xffff  }
0xf7: {  	v32 =	vsub.bf16 v61, v32;
	v40 =	vshrl.u32 v40, $0x10;
	v5 =	vld.idx.msk [tilespmem:v5+s19+$0x0], $0xffff;
	v1 =	vmax.bf16 v1, v54  }
0xf8: {  	v20 =	vsub.bf16 v45, v20;
	v1 =	vmax.bf16 v1, v33;
	v2 =	vmax.bf16 v2, v48;
	v48 =	vld.idx.msk [tilespmem:v7+s18+$0x0], $0xffff  }
0xf9: {  	v16 =	vsub.bf16 v27, v16;
	v15 =	vsub.bf16 v17, v15;
	v7 =	vld.idx.msk [tilespmem:v7+s19+$0x0], $0xffff;
	v1 =	vmax.bf16 v1, v25  }
0xfa: {  	v25 =	vshrl.u32 v49, $0x10;
	v2 =	vmax.bf16 v2, v53;
	v1 =	vmax.bf16 v1, v52;
	v52 =	vld.idx.msk [tilespmem:v42+s19+$0x0], $0xffff  }
0xfb: {  	v12 =	vsub.bf16 v14, v12;
	v11 =	vsub.bf16 v13, v11;
	v2 =	vmax.bf16 v2, v31;
	v33 =	vld.idx.msk [tilespmem:v59+s18+$0x0], $0xffff  }
0xfc: {  	v53 =	vand.u32 $0xFFFF, v60;
	v54 =	vld.idx.msk [tilespmem:v40+s18+$0x0], $0xffff;
	v1 =	vmax.bf16 v1, v21;
	v2 =	vmax.bf16 v2, v32  }
0xfd: {  	v60 =	vand.u32 $0xFFFF, v49;
	v1 =	vmax.bf16 v1, v58;
	v2 =	vmax.bf16 v2, v26;
	v26 =	vld.idx.msk [tilespmem:v59+s19+$0x0], $0xffff  }
0xfe: {  	v21 =	vshrl.u32 v56, $0x10;
	v59 =	vld.idx.msk [tilespmem:v40+s19+$0x0], $0xffff;
	v1 =	vmax.bf16 v1, v23;
	v2 =	vmax.bf16 v2, v51  }
0xff: {  	v40 =	vsub.bf16 v44, v19;
	v44 =	vld.idx.msk [tilespmem:v25+s18+$0x0], $0xffff;
	v2 =	vmax.bf16 v2, v24;
	v24 =	vsub.bf16 v57, v37  }
0x100: {  	v0 =	vsub.bf16 v6, v0;
	v8 =	vsub.bf16 v10, v8;
	v1 =	vmax.bf16 v1, v63;
	v46 =	vld.idx.msk [tilespmem:v25+s19+$0x0], $0xffff  }
0x101: {  	v49 =	vsub.bf16 v3, v50;
	v61 =	vld.idx.msk [tilespmem:v53+s18+$0x0], $0xffff;
	v1 =	vmax.bf16 v1, v20;
	v2 =	vmax.bf16 v2, v24  }
0x102: {  	v50 =	vsub.bf16 v9, v5;
	v39 =	vld.idx.msk [tilespmem:v53+s19+$0x0], $0xffff;
	v1 =	vmax.bf16 v1, v15;
	v2 =	vmax.bf16 v2, v22  }
0x103: {  	v7 =	vsub.bf16 v30, v7;
	v45 =	vld.idx.msk [tilespmem:v60+s19+$0x0], $0xffff;
	v1 =	vmax.bf16 v1, v11;
	v2 =	vmax.bf16 v2, v18  }
0x104: {  	v53 =	vsub.bf16 v33, v54;
	v54 =	vld.idx.msk [tilespmem:v21+s19+$0x0], $0xffff;
	v1 =	vmax.bf16 v1, v8;
	v2 =	vmax.bf16 v2, v40  }
0x105: {  	v4 =	vsub.bf16 v4, v48;
	v43 =	vld.idx.msk [tilespmem:v60+s18+$0x0], $0xffff;
	v1 =	vmax.bf16 v1, v50;
	v2 =	vmax.bf16 v2, v16  }
0x106: {  	v51 =	vld.idx.msk [tilespmem:v21+s18+$0x0], $0xffff;
	v56 =	vsub.bf16 v26, v59;
	v1 =	vmax.bf16 v1, v7;
	v2 =	vmax.bf16 v2, v12  }
0x107: {  	v55 =	vsub.bf16 v61, v62;
	v58 =	vsub.bf16 v39, v41;
	v0 =	vmax.bf16 v2, v0  }
0x108: {  	v60 =	vsub.bf16 v45, v46;
	v1 =	vmax.bf16 v1, v56;
	v0 =	vmax.bf16 v0, v49  }
0x109: {  	v61 =	vsub.bf16 v52, v54;
	v1 =	vmax.bf16 v1, v58;
	v0 =	vmax.bf16 v0, v4  }
0x10a: {  	v57 =	vsub.bf16 v43, v44;
	v1 =	vmax.bf16 v1, v60;
	v0 =	vmax.bf16 v0, v53  }
0x10b: {  	p0 =	sne.s32 s25, $0x1F0;
	s29 =	sadd.s32 s29, s24;
	v59 =	vsub.bf16 v47, v51;
	v1 =	vmax.bf16 v1, v61;
	v0 =	vmax.bf16 v0, v55  }
.Ltmp2:
0x10c: {  	s28 =	sadd.s32 s28, s29;
	v2 =	vunpack.i.l.bf16.f32 v1;
	v0 =	vmax.bf16 v0, v57;
	(pc) =	sbr.rel @p0 .LBB2_7-.Ltmp2, $4  }
0x10d: {  	v63 =	vunpack.i.u.bf16.f32 v1;
	[tilespmem:s28+$0x5000] =	vst v2;
	v0 =	vmax.bf16 v0, v59  }
0x10e: {  	[tilespmem:s28+$0x7800] =	vst v63;
	v62 =	vunpack.i.l.bf16.f32 v0  }
0x10f: {  	v0 =	vunpack.i.u.bf16.f32 v0;
	[tilespmem:s28+$0x0] =	vst v62  }
0x110: {  	s26 =	sadd.s32 $0x10, s26;
	s25 =	sadd.s32 $0x10, s25;
	[tilespmem:s28+$0x2800] =	vst v0  }
0x111: {  	s25 =	sshll.u32 s23, $0x1  }
0x112: {  	s26 =	sadd.s32 $0x2, s25  }
0x113: {  	s28 =	sshll.u32 s26, $0x4  }
0x114: {  	s26 =	sshll.u32 s26, $0xB;
	s28 =	sand.u32 $0x60, s28  }
0x115: {  	s26 =	sand.u32 $0x1C000, s26;
	s28 =	sadd.s32 s2, s28  }
0x116: {  	s26 =	sadd.s32 s26, s28  }
0x117: {  	[tilespmem:s13], [sflag:$0x1] =	stream.strided.gather [hbm4b:s26+s11], $0x4000, s12, s11, $0x38;
	[tilespmem:$0x1BE00] =	vst v63  }
0x118: {  	s30 =	simm.s32 $0x0;
	_ =	swait.ge [sflag:s20], $0x4000  }
0x119: {  	s28 =	sand.u32 $0x180, s30;
	s26 =	sand.u32 $0x70, s30;
	[sflag:s20] =	ssyncset.done $0x0  }
0x11a: {  	s29 =	sor.u32 s26, s28;
	[sflag:s20] =	ssyncadd.s32 $0xFFFFC000  }
0x11b: {  	v17 =	vld [tilespmem:s29+$0xE200]  }
0x11c: {  	v0 =	vld [tilespmem:s29+$0xE400];
	_ =	sdelay $0x3  }
0x11d: {  	v1 =	vshrl.u32 v17, $0x10  }
0x11e: {  	v8 =	vshrl.u32 v0, $0x10  }
0x11f: {  	v9 =	vld [tilespmem:s29+$0xE800];
	_ =	sdelay $0x2  }
0x120: {  	v6 =	vand.u32 $0xFFFF, v0;
	v0 =	vld.idx.msk [tilespmem:v1+s19+$0x0], $0xffff  }
0x121: {  	v19 =	vld.idx.msk [tilespmem:v8+s18+$0x0], $0xffff  }
0x122: {  	v21 =	vld.idx.msk [tilespmem:v8+s19+$0x0], $0xffff;
	v8 =	vshrl.u32 v9, $0x10;
	_ =	sdelay $0x1  }
0x123: {  	v4 =	vld [tilespmem:s29+$0xE600]  }
0x124: {  	v16 =	vld.idx.msk [tilespmem:v6+s18+$0x0], $0xffff  }
0x125: {  	v20 =	vld.idx.msk [tilespmem:v6+s19+$0x0], $0xffff  }
0x126: {  	v6 =	vand.u32 $0xFFFF, v9;
	[tilespmem:$0x1FC50] =	vst v0;
	v0 =	vld.idx.msk [tilespmem:v8+s18+$0x0], $0xffff;
	_ =	sdelay $0x2  }
0x127: {  	v10 =	vand.u32 $0xFFFF, v4;
	v4 =	vshrl.u32 v4, $0x10  }
0x128: {  	v7 =	vld [tilespmem:s29+$0xEA00]  }
0x129: {  	[tilespmem:$0x1FB30] =	vst v0;
	v0 =	vld.idx.msk [tilespmem:v6+s19+$0x0], $0xffff;
	_ =	sdelay $0x2  }
0x12a: {  	v28 =	vld.idx.msk [tilespmem:v4+s18+$0x0], $0xffff  }
0x12b: {  	v37 =	vld.idx.msk [tilespmem:v4+s19+$0x0], $0xffff  }
0x12c: {  	v4 =	vand.u32 $0xFFFF, v7;
	[tilespmem:$0x1FB40] =	vst v0;
	v0 =	vld.idx.msk [tilespmem:v8+s19+$0x0], $0xffff;
	_ =	sdelay $0x4  }
0x12d: {  	v7 =	vshrl.u32 v7, $0x10;
	[tilespmem:$0x1FB50] =	vst v0;
	v0 =	vld.idx.msk [tilespmem:v4+s18+$0x0], $0xffff;
	_ =	sdelay $0x4  }
0x12e: {  	[tilespmem:$0x1FB60] =	vst v0;
	v0 =	vld.idx.msk [tilespmem:v7+s18+$0x0], $0xffff;
	_ =	sdelay $0x3  }
0x12f: {  	v5 =	vld [tilespmem:s29+$0xEC00]  }
0x130: {  	[tilespmem:$0x1FB70] =	vst v0;
	v0 =	vld.idx.msk [tilespmem:v4+s19+$0x0], $0xffff;
	_ =	sdelay $0x3  }
0x131: {  	v48 =	vld.idx.msk [tilespmem:v6+s18+$0x0], $0xffff  }
0x132: {  	v6 =	vand.u32 $0xFFFF, v5;
	[tilespmem:$0x1FB80] =	vst v0;
	v0 =	vld.idx.msk [tilespmem:v7+s19+$0x0], $0xffff;
	_ =	sdelay $0x4  }
0x133: {  	v5 =	vshrl.u32 v5, $0x10;
	[tilespmem:$0x1FB90] =	vst v0;
	v0 =	vld.idx.msk [tilespmem:v6+s18+$0x0], $0xffff;
	_ =	sdelay $0x4  }
0x134: {  	[tilespmem:$0x1FBA0] =	vst v0;
	v0 =	vld.idx.msk [tilespmem:v5+s18+$0x0], $0xffff;
	_ =	sdelay $0x3  }
0x135: {  	v3 =	vld [tilespmem:s29+$0xEE00]  }
0x136: {  	[tilespmem:$0x1FBB0] =	vst v0;
	v0 =	vld.idx.msk [tilespmem:v6+s19+$0x0], $0xffff;
	_ =	sdelay $0x4  }
0x137: {  	v4 =	vand.u32 $0xFFFF, v3;
	[tilespmem:$0x1FBC0] =	vst v0;
	v0 =	vld.idx.msk [tilespmem:v5+s19+$0x0], $0xffff;
	_ =	sdelay $0x4  }
0x138: {  	v3 =	vshrl.u32 v3, $0x10;
	[tilespmem:$0x1FBD0] =	vst v0;
	v0 =	vld.idx.msk [tilespmem:v4+s18+$0x0], $0xffff;
	_ =	sdelay $0x3  }
0x139: {  	v2 =	vld [tilespmem:s29+$0xF000]  }
0x13a: {  	[tilespmem:$0x1FBE0] =	vst v0;
	v0 =	vld.idx.msk [tilespmem:v3+s18+$0x0], $0xffff;
	_ =	sdelay $0x4  }
0x13b: {  	v5 =	vand.u32 $0xFFFF, v2;
	[tilespmem:$0x1FBF0] =	vst v0;
	v0 =	vld.idx.msk [tilespmem:v4+s19+$0x0], $0xffff;
	_ =	sdelay $0x4  }
0x13c: {  	v2 =	vshrl.u32 v2, $0x10;
	[tilespmem:$0x1FC00] =	vst v0;
	v0 =	vld.idx.msk [tilespmem:v5+s18+$0x0], $0xffff;
	_ =	sdelay $0x4  }
0x13d: {  	[tilespmem:$0x1FC10] =	vst v0;
	v0 =	vld.idx.msk [tilespmem:v2+s18+$0x0], $0xffff;
	_ =	sdelay $0x4  }
0x13e: {  	[tilespmem:$0x1FC20] =	vst v0;
	v0 =	vld.idx.msk [tilespmem:v5+s19+$0x0], $0xffff;
	_ =	sdelay $0x3  }
0x13f: {  	v9 =	vld [tilespmem:s29+$0x10400]  }
0x140: {  	[tilespmem:$0x1FC30] =	vst v0;
	v0 =	vld.idx.msk [tilespmem:v2+s19+$0x0], $0xffff  }
0x141: {  	v2 =	vld [tilespmem:s29+$0xF200];
	_ =	sdelay $0x2  }
0x142: {  	v25 =	vld.idx.msk [tilespmem:v10+s18+$0x0], $0xffff  }
0x143: {  	v11 =	vshrl.u32 v9, $0x10;
	v6 =	vld [tilespmem:s29+$0xFA00]  }
0x144: {  	v30 =	vld.idx.msk [tilespmem:v10+s19+$0x0], $0xffff;
	v7 =	vand.u32 $0xFFFF, v2  }
0x145: {  	v10 =	vld [tilespmem:s29+$0x10200];
	_ =	sdelay $0x2  }
0x146: {  	v14 =	vand.u32 $0xFFFF, v6;
	v6 =	vshrl.u32 v6, $0x10;
	[tilespmem:$0x1FC40] =	vst v0;
	v0 =	vld.idx.msk [tilespmem:v11+s19+$0x0], $0xffff  }
0x147: {  	v52 =	vld.idx.msk [tilespmem:v7+s18+$0x0], $0xffff  }
0x148: {  	v54 =	vld.idx.msk [tilespmem:v7+s19+$0x0], $0xffff;
	v7 =	vshrl.u32 v10, $0x10;
	_ =	sdelay $0x2  }
0x149: {  	v63 =	vld.idx.msk [tilespmem:v6+s18+$0x0], $0xffff  }
0x14a: {  	v39 =	vld.idx.msk [tilespmem:v6+s19+$0x0], $0xffff  }
0x14b: {  	v6 =	vand.u32 $0xFFFF, v10;
	[tilespmem:$0x1FD20] =	vst v0;
	v0 =	vld.idx.msk [tilespmem:v7+s19+$0x0], $0xffff;
	_ =	sdelay $0x4  }
0x14c: {  	v9 =	vand.u32 $0xFFFF, v9;
	[tilespmem:$0x1FC70] =	vst v0;
	v0 =	vld.idx.msk [tilespmem:v6+s19+$0x0], $0xffff;
	_ =	sdelay $0x4  }
0x14d: {  	[tilespmem:$0x1FC80] =	vst v0;
	v0 =	vld.idx.msk [tilespmem:v9+s19+$0x0], $0xffff;
	_ =	sdelay $0x1  }
0x14e: {  	v4 =	vld [tilespmem:s29+$0xF800];
	_ =	sdelay $0x2  }
0x14f: {  	[tilespmem:$0x1FD30] =	vst v0;
	v0 =	vld.idx.msk [tilespmem:v7+s18+$0x0], $0xffff;
	_ =	sdelay $0x1  }
0x150: {  	v12 =	vand.u32 $0xFFFF, v4;
	v4 =	vshrl.u32 v4, $0x10  }
0x151: {  	v8 =	vld [tilespmem:s29+$0xFC00];
	_ =	sdelay $0x1  }
0x152: {  	[tilespmem:$0x1FC90] =	vst v0;
	v0 =	vld.idx.msk [tilespmem:v11+s18+$0x0], $0xffff;
	_ =	sdelay $0x1  }
0x153: {  	v59 =	vld.idx.msk [tilespmem:v4+s18+$0x0], $0xffff  }
0x154: {  	v61 =	vld.idx.msk [tilespmem:v4+s19+$0x0], $0xffff;
	v4 =	vand.u32 $0xFFFF, v8;
	v8 =	vshrl.u32 v8, $0x10  }
0x155: {  	v5 =	vld [tilespmem:s29+$0xF600]  }
0x156: {  	[tilespmem:$0x1FCF0] =	vst v0;
	v0 =	vld.idx.msk [tilespmem:v9+s18+$0x0], $0xffff;
	_ =	sdelay $0x1  }
0x157: {  	v27 =	vld [tilespmem:s29+$0xFE00]  }
0x158: {  	v40 =	vld.idx.msk [tilespmem:v8+s18+$0x0], $0xffff  }
0x159: {  	v42 =	vld.idx.msk [tilespmem:v8+s19+$0x0], $0xffff  }
0x15a: {  	v8 =	vand.u32 $0xFFFF, v5;
	[tilespmem:$0x1FD00] =	vst v0;
	v0 =	vld.idx.msk [tilespmem:v6+s18+$0x0], $0xffff;
	_ =	sdelay $0x4  }
0x15b: {  	v9 =	vshrl.u32 v27, $0x10;
	[tilespmem:$0x1FCA0] =	vst v0;
	v0 =	vld.idx.msk [tilespmem:v8+s18+$0x0], $0xffff;
	_ =	sdelay $0x3  }
0x15c: {  	v13 =	vld [tilespmem:s29+$0x10000];
	v6 =	vand.u32 $0xFFFF, v27  }
0x15d: {  	[tilespmem:$0x1FC60] =	vst v0;
	v0 =	vld.idx.msk [tilespmem:v9+s18+$0x0], $0xffff  }
0x15e: {  	v15 =	vld.idx.msk [tilespmem:v1+s18+$0x0], $0xffff  }
0x15f: {  	v47 =	vld.idx.msk [tilespmem:v3+s19+$0x0], $0xffff  }
0x160: {  	v3 =	vld [tilespmem:s29+$0xF400]  }
0x161: {  	v31 =	vld.idx.msk [tilespmem:v6+s19+$0x0], $0xffff  }
0x162: {  	[tilespmem:$0x1FCB0] =	vst v0;
	v0 =	vld.idx.msk [tilespmem:v6+s18+$0x0], $0xffff;
	v6 =	vshrl.u32 v13, $0x10  }
0x163: {  	v50 =	vld [tilespmem:$0x1FBB0]  }
0x164: {  	v51 =	vld [tilespmem:$0x1FBC0]  }
0x165: {  	v35 =	vld.idx.msk [tilespmem:v8+s19+$0x0], $0xffff  }
0x166: {  	v26 =	vand.u32 $0xFFFF, v3;
	v10 =	vld [tilespmem:s29+$0x10C00]  }
0x167: {  	v8 =	vand.u32 $0xFFFF, v13;
	[tilespmem:$0x1FCC0] =	vst v0;
	v0 =	vld.idx.msk [tilespmem:v6+s18+$0x0], $0xffff  }
0x168: {  	v62 =	vld.idx.msk [tilespmem:v14+s18+$0x0], $0xffff;
	v32 =	vshrl.u32 v3, $0x10  }
0x169: {  	v41 =	vld.idx.msk [tilespmem:v14+s19+$0x0], $0xffff  }
0x16a: {  	v3 =	vld [tilespmem:s29+$0xDE00]  }
0x16b: {  	v56 =	vld.idx.msk [tilespmem:v26+s19+$0x0], $0xffff  }
0x16c: {  	v23 =	vand.u32 $0xFFFF, v10;
	[tilespmem:$0x1FCD0] =	vst v0;
	v0 =	vld.idx.msk [tilespmem:v8+s18+$0x0], $0xffff  }
0x16d: {  	v57 =	vld.idx.msk [tilespmem:v32+s19+$0x0], $0xffff  }
0x16e: {  	v43 =	vld.idx.msk [tilespmem:v4+s18+$0x0], $0xffff  }
0x16f: {  	v44 =	vld.idx.msk [tilespmem:v4+s19+$0x0], $0xffff  }
0x170: {  	v4 =	vld [tilespmem:s29+$0x10600]  }
0x171: {  	[tilespmem:$0x1FCE0] =	vst v0;
	v0 =	vld.idx.msk [tilespmem:v23+s18+$0x0], $0xffff  }
0x172: {  	v49 =	vld.idx.msk [tilespmem:v26+s18+$0x0], $0xffff;
	v2 =	vshrl.u32 v2, $0x10  }
0x173: {  	v13 =	vld [tilespmem:s29+$0x10E00]  }
0x174: {  	v46 =	vld.idx.msk [tilespmem:v32+s18+$0x0], $0xffff;
	v5 =	vshrl.u32 v5, $0x10  }
0x175: {  	v36 =	vld.idx.msk [tilespmem:v6+s19+$0x0], $0xffff  }
0x176: {  	v6 =	vand.u32 $0xFFFF, v4;
	[tilespmem:$0x1FD50] =	vst v0;
	v0 =	vld.idx.msk [tilespmem:v23+s19+$0x0], $0xffff  }
0x177: {  	v53 =	vld.idx.msk [tilespmem:v2+s18+$0x0], $0xffff  }
0x178: {  	v55 =	vld.idx.msk [tilespmem:v2+s19+$0x0], $0xffff;
	v2 =	vshrl.u32 v13, $0x10  }
0x179: {  	v32 =	vld.idx.msk [tilespmem:v5+s19+$0x0], $0xffff  }
0x17a: {  	v45 =	vld.idx.msk [tilespmem:v5+s18+$0x0], $0xffff  }
0x17b: {  	[tilespmem:$0x1FD60] =	vst v0;
	v0 =	vld.idx.msk [tilespmem:v6+s18+$0x0], $0xffff  }
0x17c: {  	v34 =	vld.idx.msk [tilespmem:v8+s19+$0x0], $0xffff  }
0x17d: {  	v5 =	vld.idx.msk [tilespmem:v2+s18+$0x0], $0xffff  }
0x17e: {  	v1 =	vand.u32 $0xFFFF, v13;
	v2 =	vld.idx.msk [tilespmem:v2+s19+$0x0], $0xffff  }
0x17f: {  	v8 =	vld [tilespmem:s29+$0xE000]  }
0x180: {  	[tilespmem:$0x1FD10] =	vst v0;
	v0 =	vld.idx.msk [tilespmem:v6+s19+$0x0], $0xffff  }
0x181: {  	v58 =	vld.idx.msk [tilespmem:v12+s18+$0x0], $0xffff  }
0x182: {  	v60 =	vld.idx.msk [tilespmem:v12+s19+$0x0], $0xffff  }
0x183: {  	[tilespmem:$0x1FD90] =	vst v2;
	v2 =	vld.idx.msk [tilespmem:v1+s18+$0x0], $0xffff  }
0x184: {  	v1 =	vld.idx.msk [tilespmem:v1+s19+$0x0], $0xffff  }
0x185: {  	v26 =	vsub.bf16 v20, v21;
	v20 =	vld [tilespmem:$0x1FC10];
	[tilespmem:$0x1FD40] =	vst v0;
	v0 =	vshrl.u32 v8, $0x10  }
0x186: {  	v7 =	vld [tilespmem:s29+$0x10800]  }
0x187: {  	v33 =	vld.idx.msk [tilespmem:v9+s19+$0x0], $0xffff;
	v4 =	vshrl.u32 v4, $0x10  }
0x188: {  	v52 =	vsub.bf16 v52, v53;
	v9 =	vld [tilespmem:s29+$0x11C00]  }
0x189: {  	v53 =	vsub.bf16 v54, v55;
	v55 =	vsub.bf16 v56, v57;
	v57 =	vld [tilespmem:$0x1FCC0];
	[tilespmem:$0x1FDA0] =	vst v1;
	v1 =	vshrl.u32 v3, $0x10  }
0x18a: {  	v3 =	vand.u32 $0xFFFF, v3;
	v18 =	vld.idx.msk [tilespmem:v0+s18+$0x0], $0xffff  }
0x18b: {  	v29 =	vld.idx.msk [tilespmem:v0+s19+$0x0], $0xffff;
	v0 =	vand.u32 $0xFFFF, v17  }
0x18c: {  	v38 =	vld.idx.msk [tilespmem:v4+s18+$0x0], $0xffff  }
0x18d: {  	[tilespmem:$0x1FD70] =	vst v5;
	v5 =	vld [tilespmem:s29+$0x11000]  }
0x18e: {  	v12 =	vld.idx.msk [tilespmem:v1+s18+$0x0], $0xffff;
	v6 =	vand.u32 $0xFFFF, v8  }
0x18f: {  	v22 =	vld.idx.msk [tilespmem:v3+s19+$0x0], $0xffff  }
0x190: {  	[tilespmem:$0x1FD80] =	vst v2;
	v2 =	vld.idx.msk [tilespmem:v0+s18+$0x0], $0xffff  }
0x191: {  	v21 =	vld.idx.msk [tilespmem:v0+s19+$0x0], $0xffff  }
0x192: {  	v0 =	vld [tilespmem:$0x1FB30]  }
0x193: {  	v24 =	vld.idx.msk [tilespmem:v6+s19+$0x0], $0xffff  }
0x194: {  	v8 =	vld.idx.msk [tilespmem:v3+s18+$0x0], $0xffff  }
0x195: {  	v3 =	vld [tilespmem:$0x1FB50]  }
0x196: {  	v17 =	vld.idx.msk [tilespmem:v6+s18+$0x0], $0xffff  }
0x197: {  	v13 =	vsub.bf16 v48, v0;
	v0 =	vld [tilespmem:$0x1FB40]  }
0x198: {  	v6 =	vld [tilespmem:s29+$0x10A00];
	v11 =	vsub.bf16 v2, v15  }
0x199: {  	v15 =	vsub.bf16 v25, v28;
	v25 =	vsub.bf16 v30, v37;
	v37 =	vld [tilespmem:$0x1FBA0]  }
0x19a: {  	v48 =	vld.idx.msk [tilespmem:v4+s19+$0x0], $0xffff  }
0x19b: {  	v4 =	vld [tilespmem:$0x1FB70]  }
0x19c: {  	v27 =	vsub.bf16 v0, v3;
	v0 =	vld [tilespmem:$0x1FB60]  }
0x19d: {  	v23 =	vld.idx.msk [tilespmem:v1+s19+$0x0], $0xffff  }
0x19e: {  	v14 =	vsub.bf16 v16, v19;
	v16 =	vsub.bf16 v37, v50;
	v37 =	vld [tilespmem:$0x1FBE0]  }
0x19f: {  	v2 =	vand.u32 $0xFFFF, v6;
	v50 =	vld [tilespmem:$0x1FBF0]  }
0x1a0: {  	v30 =	vld [tilespmem:$0x1FB90]  }
0x1a1: {  	v1 =	vshrl.u32 v9, $0x10;
	v4 =	vsub.bf16 v0, v4;
	v0 =	vld [tilespmem:$0x1FB80]  }
0x1a2: {  	v56 =	vld [tilespmem:$0x1FD50]  }
0x1a3: {  	v22 =	vsub.bf16 v22, v23;
	v23 =	vld [tilespmem:s29+$0x11800]  }
0x1a4: {  	v19 =	vsub.bf16 v37, v50;
	v37 =	vld.idx.msk [tilespmem:v2+s18+$0x0], $0xffff  }
0x1a5: {  	v3 =	vshrl.u32 v7, $0x10;
	v50 =	vld [tilespmem:$0x1FC20]  }
0x1a6: {  	v28 =	vsub.bf16 v0, v30;
	v0 =	vld.idx.msk [tilespmem:v1+s19+$0x0], $0xffff  }
0x1a7: {  	v30 =	vld [tilespmem:$0x1FBD0]  }
0x1a8: {  	v1 =	vld.idx.msk [tilespmem:v1+s18+$0x0], $0xffff  }
0x1a9: {  	v2 =	vld.idx.msk [tilespmem:v2+s19+$0x0], $0xffff  }
0x1aa: {  	v54 =	vld.idx.msk [tilespmem:v3+s18+$0x0], $0xffff  }
0x1ab: {  	v31 =	vsub.bf16 v31, v33;
	v33 =	vld.idx.msk [tilespmem:v3+s19+$0x0], $0xffff;
	v3 =	vsub.bf16 v17, v18  }
0x1ac: {  	v17 =	vsub.bf16 v35, v32;
	v30 =	vsub.bf16 v51, v30;
	v51 =	vld [tilespmem:$0x1FC00]  }
0x1ad: {  	v35 =	vsub.bf16 v60, v61;
	v60 =	vsub.bf16 v62, v63;
	v63 =	vld [tilespmem:s29+$0x11400];
	[tilespmem:$0x1FDB0] =	vst v1;
	v1 =	vshrl.u32 v5, $0x10  }
0x1ae: {  	v62 =	vsub.bf16 v49, v46;
	v46 =	vld [tilespmem:$0x1FC80]  }
0x1af: {  	v49 =	vld [tilespmem:$0x1FC90]  }
0x1b0: {  	v20 =	vsub.bf16 v20, v50;
	v50 =	vld [tilespmem:$0x1FC30];
	v5 =	vand.u32 $0xFFFF, v5  }
0x1b1: {  	v47 =	vsub.bf16 v51, v47;
	v51 =	vld [tilespmem:$0x1FC40]  }
0x1b2: {  	v8 =	vsub.bf16 v8, v12;
	v12 =	vld.idx.msk [tilespmem:v1+s18+$0x0], $0xffff  }
0x1b3: {  	v10 =	vshrl.u32 v10, $0x10;
	v32 =	vld.idx.msk [tilespmem:v1+s19+$0x0], $0xffff  }
0x1b4: {  	v1 =	vmax.bf16 v8, v3;
	v3 =	vld [tilespmem:s29+$0x11A00]  }
0x1b5: {  	v1 =	vmax.bf16 v1, v11;
	v11 =	vld.idx.msk [tilespmem:v5+s18+$0x0], $0xffff  }
0x1b6: {  	v5 =	vld.idx.msk [tilespmem:v5+s19+$0x0], $0xffff  }
0x1b7: {  	v6 =	vshrl.u32 v6, $0x10;
	v1 =	vmax.bf16 v1, v14;
	v14 =	vsub.bf16 v44, v42;
	v44 =	vld [tilespmem:$0x1FC60]  }
0x1b8: {  	v1 =	vmax.bf16 v1, v15;
	v15 =	vld.idx.msk [tilespmem:v10+s18+$0x0], $0xffff  }
0x1b9: {  	v10 =	vld.idx.msk [tilespmem:v10+s19+$0x0], $0xffff;
	v1 =	vmax.bf16 v1, v13  }
0x1ba: {  	v1 =	vmax.bf16 v1, v4;
	v4 =	vld [tilespmem:$0x1FC50]  }
0x1bb: {  	v50 =	vsub.bf16 v50, v51;
	v51 =	vld [tilespmem:$0x1FCA0]  }
0x1bc: {  	v61 =	vshrl.u32 v3, $0x10;
	v1 =	vmax.bf16 v1, v16;
	v16 =	vld.idx.msk [tilespmem:v6+s18+$0x0], $0xffff  }
0x1bd: {  	v6 =	vld.idx.msk [tilespmem:v6+s19+$0x0], $0xffff;
	v1 =	vmax.bf16 v1, v19  }
0x1be: {  	v1 =	vmax.bf16 v1, v20;
	v20 =	vld [tilespmem:s29+$0x11200]  }
0x1bf: {  	v7 =	vand.u32 $0xFFFF, v7;
	v1 =	vmax.bf16 v1, v52;
	v52 =	vld [tilespmem:$0x1FCB0]  }
0x1c0: {  	v13 =	vsub.bf16 v24, v29;
	v4 =	vsub.bf16 v21, v4;
	v21 =	vld [tilespmem:s29+$0x11600]  }
0x1c1: {  	v24 =	vmax.bf16 v1, v62;
	v1 =	vld.idx.msk [tilespmem:v61+s19+$0x0], $0xffff  }
0x1c2: {  	v13 =	vmax.bf16 v22, v13;
	v22 =	vld.idx.msk [tilespmem:v61+s18+$0x0], $0xffff  }
0x1c3: {  	v9 =	vand.u32 $0xFFFF, v9;
	v61 =	vld [tilespmem:$0x1FCE0]  }
0x1c4: {  	v4 =	vmax.bf16 v13, v4;
	v13 =	vld.idx.msk [tilespmem:v7+s18+$0x0], $0xffff  }
0x1c5: {  	v18 =	vsub.bf16 v58, v59;
	v19 =	vand.u32 $0xFFFF, v3;
	v7 =	vld.idx.msk [tilespmem:v7+s19+$0x0], $0xffff  }
0x1c6: {  	v59 =	vand.u32 $0xFFFF, v63;
	v4 =	vmax.bf16 v4, v26;
	v26 =	vsub.bf16 v44, v45;
	v45 =	vld [tilespmem:$0x1FC70]  }
0x1c7: {  	v3 =	vmax.bf16 v4, v25;
	v25 =	vshrl.u32 v63, $0x10;
	v63 =	vld [tilespmem:$0x1FCF0]  }
0x1c8: {  	v3 =	vmax.bf16 v3, v27;
	v27 =	vld.idx.msk [tilespmem:v9+s18+$0x0], $0xffff  }
0x1c9: {  	v24 =	vmax.bf16 v24, v26;
	v26 =	vsub.bf16 v57, v52;
	v57 =	vld [tilespmem:$0x1FD70]  }
0x1ca: {  	v18 =	vmax.bf16 v24, v18;
	v24 =	vld.idx.msk [tilespmem:v19+s18+$0x0], $0xffff  }
0x1cb: {  	v4 =	vshrl.u32 v23, $0x10;
	v3 =	vmax.bf16 v3, v28;
	v28 =	vsub.bf16 v51, v49;
	v49 =	vld.idx.msk [tilespmem:v59+s19+$0x0], $0xffff  }
0x1cc: {  	v3 =	vmax.bf16 v3, v30;
	v18 =	vmax.bf16 v18, v60;
	v60 =	vld [tilespmem:$0x1FCD0]  }
0x1cd: {  	v51 =	vld [tilespmem:$0x1FD30];
	v3 =	vmax.bf16 v3, v47  }
0x1ce: {  	v34 =	vsub.bf16 v34, v36;
	v36 =	vsub.bf16 v46, v45;
	v45 =	vld [tilespmem:$0x1FD00];
	v58 =	vmax.bf16 v3, v50  }
0x1cf: {  	v8 =	vsub.bf16 v41, v39;
	v39 =	vsub.bf16 v43, v40;
	v47 =	vld [tilespmem:$0x1FD10];
	v30 =	vmax.bf16 v58, v53  }
0x1d0: {  	v29 =	vshrl.u32 v21, $0x10;
	v21 =	vand.u32 $0xFFFF, v21;
	v3 =	vld.idx.msk [tilespmem:v4+s19+$0x0], $0xffff;
	v62 =	vmax.bf16 v30, v55  }
0x1d1: {  	v18 =	vmax.bf16 v18, v39;
	v50 =	vld [tilespmem:$0x1FD20];
	v41 =	vsub.bf16 v61, v60;
	v17 =	vmax.bf16 v62, v17  }
0x1d2: {  	v13 =	vsub.bf16 v13, v54;
	v18 =	vmax.bf16 v18, v26;
	v53 =	vld [tilespmem:$0x1FD40];
	v17 =	vmax.bf16 v17, v35  }
0x1d3: {  	v52 =	vld.idx.msk [tilespmem:v25+s19+$0x0], $0xffff;
	v30 =	vsub.bf16 v45, v63;
	v18 =	vmax.bf16 v18, v41;
	v8 =	vmax.bf16 v17, v8  }
0x1d4: {  	v25 =	vld.idx.msk [tilespmem:v25+s18+$0x0], $0xffff;
	v18 =	vmax.bf16 v18, v28;
	v28 =	vsub.bf16 v47, v38;
	v8 =	vmax.bf16 v8, v14  }
0x1d5: {  	v46 =	vshrl.u32 v20, $0x10;
	v39 =	vld.idx.msk [tilespmem:v29+s18+$0x0], $0xffff;
	v18 =	vmax.bf16 v18, v30;
	v8 =	vmax.bf16 v8, v31  }
0x1d6: {  	v58 =	vld [tilespmem:$0x1FD80];
	v35 =	vsub.bf16 v51, v50;
	v18 =	vmax.bf16 v18, v28;
	v8 =	vmax.bf16 v8, v34  }
0x1d7: {  	v60 =	vld [tilespmem:$0x1FDA0];
	v13 =	vmax.bf16 v18, v13;
	v18 =	vsub.bf16 v53, v48;
	v8 =	vmax.bf16 v8, v36  }
0x1d8: {  	v7 =	vsub.bf16 v7, v33;
	v20 =	vand.u32 $0xFFFF, v20;
	v61 =	vld.idx.msk [tilespmem:v21+s18+$0x0], $0xffff;
	v8 =	vmax.bf16 v8, v35  }
0x1d9: {  	v14 =	vld.idx.msk [tilespmem:v59+s18+$0x0], $0xffff;
	v8 =	vmax.bf16 v8, v18  }
0x1da: {  	v7 =	vmax.bf16 v8, v7;
	v8 =	vld [tilespmem:$0x1FD60]  }
0x1db: {  	v59 =	vld [tilespmem:$0x1FD90]  }
0x1dc: {  	v23 =	vand.u32 $0xFFFF, v23;
	v54 =	vld.idx.msk [tilespmem:v46+s19+$0x0], $0xffff  }
0x1dd: {  	v16 =	vsub.bf16 v37, v16;
	v55 =	vld.idx.msk [tilespmem:v20+s18+$0x0], $0xffff  }
0x1de: {  	v15 =	vsub.bf16 v56, v15;
	v2 =	vsub.bf16 v2, v6;
	v6 =	vld.idx.msk [tilespmem:v46+s18+$0x0], $0xffff  }
0x1df: {  	v13 =	vmax.bf16 v13, v16;
	v16 =	vsub.bf16 v58, v57;
	v8 =	vsub.bf16 v8, v10;
	v10 =	vld.idx.msk [tilespmem:v20+s19+$0x0], $0xffff  }
0x1e0: {  	v18 =	vsub.bf16 v60, v59;
	v2 =	vmax.bf16 v7, v2;
	v7 =	vmax.bf16 v13, v15;
	v13 =	vld.idx.msk [tilespmem:v4+s18+$0x0], $0xffff  }
0x1e1: {  	v4 =	vsub.bf16 v5, v32;
	v2 =	vmax.bf16 v2, v8;
	v8 =	vsub.bf16 v11, v12;
	v11 =	vld.idx.msk [tilespmem:v23+s18+$0x0], $0xffff  }
0x1e2: {  	v63 =	vsub.bf16 v61, v39;
	v5 =	vmax.bf16 v2, v18;
	v2 =	vld [tilespmem:$0x1FDB0]  }
0x1e3: {  	v7 =	vmax.bf16 v7, v16;
	v12 =	vmax.bf16 v5, v4;
	v5 =	vld.idx.msk [tilespmem:v29+s19+$0x0], $0xffff;
	v4 =	vsub.bf16 v55, v6  }
0x1e4: {  	v14 =	vsub.bf16 v14, v25;
	v6 =	vld.idx.msk [tilespmem:v21+s19+$0x0], $0xffff;
	v8 =	vmax.bf16 v7, v8;
	v10 =	vsub.bf16 v10, v54  }
0x1e5: {  	v15 =	vsub.bf16 v49, v52;
	v7 =	vld.idx.msk [tilespmem:v23+s19+$0x0], $0xffff;
	v62 =	vmax.bf16 v8, v4;
	v4 =	vsub.bf16 v24, v22  }
0x1e6: {  	v8 =	vld.idx.msk [tilespmem:v19+s19+$0x0], $0xffff;
	v12 =	vmax.bf16 v12, v10;
	v14 =	vmax.bf16 v62, v14;
	v10 =	vsub.bf16 v11, v13  }
0x1e7: {  	s31 =	simm.s32 $0x10;
	s28 =	sadd.s32 s28, s24;
	v9 =	vld.idx.msk [tilespmem:v9+s19+$0x0], $0xffff;
	v2 =	vsub.bf16 v27, v2;
	v11 =	vmax.bf16 v12, v15;
	v12 =	vmax.bf16 v14, v63  }
.LBB2_9:
0x1e8: {  	s29 =	smov.u32 s31  }
0x1e9: {  	s0 =	sand.u32 $0x180, s31;
	s1 =	sand.u32 $0x70, s31;
	v5 =	vsub.bf16 v6, v5;
	s29 =	sadd.s32 $0x10, s31  }
0x1ea: {  	p0 =	sne.s32 s31, $0x1F0;
	v3 =	vsub.bf16 v7, v3;
	s30 =	sor.u32 s1, s0;
	s0 =	sadd.s32 s0, s24  }
0x1eb: {  	v6 =	vmax.bf16 v12, v10;
	v1 =	vsub.bf16 v8, v1;
	v5 =	vmax.bf16 v11, v5  }
0x1ec: {  	v4 =	vmax.bf16 v6, v4;
	v0 =	vsub.bf16 v9, v0;
	v3 =	vmax.bf16 v5, v3  }
0x1ed: {  	v2 =	vmax.bf16 v4, v2;
	v1 =	vmax.bf16 v3, v1  }
0x1ee: {  	s31 =	sadd.s32 s26, s28;
	s26 =	smov.u32 s1;
	s28 =	smov.u32 s0;
	v0 =	vmax.bf16 v1, v0;
	v1 =	vunpack.i.u.bf16.f32 v2;
	v2 =	vunpack.i.l.bf16.f32 v2  }
0x1ef: {  	v3 =	vunpack.i.u.bf16.f32 v0;
	v0 =	vunpack.i.l.bf16.f32 v0;
	[tilespmem:s31+$0x2A00] =	vst v1  }
0x1f0: {  	[tilespmem:s31+$0x5200] =	vst v0  }
0x1f1: {  	[tilespmem:s31+$0x200] =	vst v2  }
0x1f2: {  	[tilespmem:s31+$0x7A00] =	vst v3  }
0x1f3: {  	v1 =	vld [tilespmem:s30+$0xE200]  }
0x1f4: {  	v6 =	vld [tilespmem:s30+$0xF000]  }
0x1f5: {  	v17 =	vld [tilespmem:s30+$0xE000]  }
0x1f6: {  	v5 =	vld [tilespmem:s30+$0xEE00]  }
0x1f7: {  	v3 =	vld [tilespmem:s30+$0xE400]  }
0x1f8: {  	v16 =	vld [tilespmem:s30+$0xDE00];
	v0 =	vand.u32 $0xFFFF, v1  }
0x1f9: {  	v1 =	vshrl.u32 v1, $0x10;
	v4 =	vld [tilespmem:s30+$0xEC00]  }
0x1fa: {  	v2 =	vshrl.u32 v17, $0x10;
	v7 =	vld [tilespmem:s30+$0xEA00]  }
0x1fb: {  	v8 =	vld [tilespmem:s30+$0xE600]  }
0x1fc: {  	v9 =	vand.u32 $0xFFFF, v3;
	v10 =	vld [tilespmem:s30+$0xE800]  }
0x1fd: {  	v3 =	vshrl.u32 v3, $0x10;
	v11 =	vld.idx.msk [tilespmem:v0+s18+$0x0], $0xffff  }
0x1fe: {  	v12 =	vld.idx.msk [tilespmem:v1+s18+$0x0], $0xffff  }
0x1ff: {  	v19 =	vld.idx.msk [tilespmem:v2+s18+$0x0], $0xffff  }
0x200: {  	v1 =	vld.idx.msk [tilespmem:v1+s19+$0x0], $0xffff;
	v13 =	vand.u32 $0xFFFF, v8  }
0x201: {  	v8 =	vshrl.u32 v8, $0x10;
	v14 =	vld.idx.msk [tilespmem:v9+s18+$0x0], $0xffff  }
0x202: {  	v18 =	vld.idx.msk [tilespmem:v3+s18+$0x0], $0xffff  }
0x203: {  	v9 =	vld.idx.msk [tilespmem:v9+s19+$0x0], $0xffff  }
0x204: {  	v15 =	vsub.bf16 v11, v12;
	v11 =	vand.u32 $0xFFFF, v10;
	v3 =	vld.idx.msk [tilespmem:v3+s19+$0x0], $0xffff  }
0x205: {  	v10 =	vshrl.u32 v10, $0x10;
	v12 =	vld.idx.msk [tilespmem:v13+s18+$0x0], $0xffff  }
0x206: {  	v20 =	vld.idx.msk [tilespmem:v8+s18+$0x0], $0xffff  }
0x207: {  	v13 =	vld.idx.msk [tilespmem:v13+s19+$0x0], $0xffff  }
0x208: {  	v18 =	vsub.bf16 v14, v18;
	v14 =	vand.u32 $0xFFFF, v7;
	v8 =	vld.idx.msk [tilespmem:v8+s19+$0x0], $0xffff  }
0x209: {  	v7 =	vshrl.u32 v7, $0x10;
	v21 =	vld.idx.msk [tilespmem:v11+s18+$0x0], $0xffff  }
0x20a: {  	v3 =	vsub.bf16 v9, v3;
	v9 =	vld.idx.msk [tilespmem:v10+s18+$0x0], $0xffff  }
0x20b: {  	v11 =	vld.idx.msk [tilespmem:v11+s19+$0x0], $0xffff  }
0x20c: {  	v23 =	vsub.bf16 v12, v20;
	v12 =	vand.u32 $0xFFFF, v4;
	v10 =	vld.idx.msk [tilespmem:v10+s19+$0x0], $0xffff  }
0x20d: {  	v22 =	vshrl.u32 v4, $0x10;
	v20 =	vld.idx.msk [tilespmem:v14+s18+$0x0], $0xffff  }
0x20e: {  	v4 =	vsub.bf16 v13, v8;
	v8 =	vld.idx.msk [tilespmem:v7+s18+$0x0], $0xffff  }
0x20f: {  	v13 =	vld.idx.msk [tilespmem:v14+s19+$0x0], $0xffff  }
0x210: {  	v24 =	vsub.bf16 v21, v9;
	v9 =	vand.u32 $0xFFFF, v5;
	v7 =	vld.idx.msk [tilespmem:v7+s19+$0x0], $0xffff  }
0x211: {  	v21 =	vshrl.u32 v5, $0x10;
	v14 =	vld.idx.msk [tilespmem:v12+s18+$0x0], $0xffff  }
0x212: {  	v5 =	vsub.bf16 v11, v10;
	v10 =	vld.idx.msk [tilespmem:v22+s18+$0x0], $0xffff  }
0x213: {  	v11 =	vld.idx.msk [tilespmem:v12+s19+$0x0], $0xffff  }
0x214: {  	v25 =	vsub.bf16 v20, v8;
	v12 =	vand.u32 $0xFFFF, v6;
	v8 =	vld.idx.msk [tilespmem:v22+s19+$0x0], $0xffff  }
0x215: {  	v22 =	vshrl.u32 v6, $0x10;
	v20 =	vld.idx.msk [tilespmem:v9+s18+$0x0], $0xffff  }
0x216: {  	v6 =	vsub.bf16 v13, v7;
	v13 =	vld.idx.msk [tilespmem:v21+s18+$0x0], $0xffff  }
0x217: {  	v9 =	vld.idx.msk [tilespmem:v9+s19+$0x0], $0xffff  }
0x218: {  	v26 =	vsub.bf16 v14, v10;
	v10 =	vld.idx.msk [tilespmem:v21+s19+$0x0], $0xffff  }
0x219: {  	v14 =	vld.idx.msk [tilespmem:v12+s18+$0x0], $0xffff  }
0x21a: {  	v7 =	vsub.bf16 v11, v8;
	v11 =	vld.idx.msk [tilespmem:v22+s18+$0x0], $0xffff  }
0x21b: {  	v12 =	vld.idx.msk [tilespmem:v12+s19+$0x0], $0xffff  }
0x21c: {  	v27 =	vsub.bf16 v20, v13;
	v13 =	vld.idx.msk [tilespmem:v22+s19+$0x0], $0xffff  }
0x21d: {  	v20 =	vld [tilespmem:s30+$0xF200]  }
0x21e: {  	v8 =	vsub.bf16 v9, v10;
	v10 =	vld [tilespmem:s30+$0xF400]  }
0x21f: {  	v21 =	vld [tilespmem:s30+$0xF600]  }
0x220: {  	v28 =	vsub.bf16 v14, v11;
	v11 =	vld [tilespmem:s30+$0xF800]  }
0x221: {  	v14 =	vld [tilespmem:s30+$0xFA00]  }
0x222: {  	v9 =	vsub.bf16 v12, v13;
	v12 =	vand.u32 $0xFFFF, v20;
	v13 =	vld [tilespmem:s30+$0xFC00]  }
0x223: {  	v20 =	vshrl.u32 v20, $0x10;
	v22 =	vld [tilespmem:s30+$0x10400]  }
0x224: {  	v29 =	vld [tilespmem:s30+$0x10200]  }
0x225: {  	v31 =	vld [tilespmem:s30+$0x10000]  }
0x226: {  	v33 =	vand.u32 $0xFFFF, v10;
	v30 =	vld [tilespmem:s30+$0xFE00]  }
0x227: {  	v34 =	vshrl.u32 v10, $0x10;
	v32 =	vld.idx.msk [tilespmem:v12+s18+$0x0], $0xffff  }
0x228: {  	v10 =	vld.idx.msk [tilespmem:v20+s18+$0x0], $0xffff;
	v35 =	vshrl.u32 v22, $0x10  }
0x229: {  	v12 =	vld.idx.msk [tilespmem:v12+s19+$0x0], $0xffff;
	v36 =	vshrl.u32 v29, $0x10  }
0x22a: {  	v37 =	vand.u32 $0xFFFF, v21;
	v20 =	vld.idx.msk [tilespmem:v20+s19+$0x0], $0xffff  }
0x22b: {  	v39 =	vshrl.u32 v21, $0x10;
	v38 =	vld.idx.msk [tilespmem:v33+s19+$0x0], $0xffff;
	v40 =	vshrl.u32 v30, $0x10;
	v41 =	vand.u32 $0xFFFF, v30  }
0x22c: {  	v21 =	vld.idx.msk [tilespmem:v34+s19+$0x0], $0xffff  }
0x22d: {  	v42 =	vld.idx.msk [tilespmem:v35+s19+$0x0], $0xffff  }
0x22e: {  	v30 =	vsub.bf16 v32, v10;
	v10 =	vand.u32 $0xFFFF, v11;
	v43 =	vld.idx.msk [tilespmem:v36+s19+$0x0], $0xffff  }
0x22f: {  	v44 =	vshrl.u32 v11, $0x10;
	v32 =	vld.idx.msk [tilespmem:v37+s19+$0x0], $0xffff  }
0x230: {  	v11 =	vsub.bf16 v12, v20;
	v20 =	vld.idx.msk [tilespmem:v41+s19+$0x0], $0xffff  }
0x231: {  	v45 =	vld.idx.msk [tilespmem:v40+s19+$0x0], $0xffff  }
0x232: {  	v47 =	vand.u32 $0xFFFF, v14;
	v46 =	vld.idx.msk [tilespmem:v39+s19+$0x0], $0xffff  }
0x233: {  	v14 =	vshrl.u32 v14, $0x10;
	v48 =	vld.idx.msk [tilespmem:v10+s18+$0x0], $0xffff  }
0x234: {  	v12 =	vsub.bf16 v38, v21;
	v21 =	vld.idx.msk [tilespmem:v44+s18+$0x0], $0xffff  }
0x235: {  	v38 =	vld.idx.msk [tilespmem:v10+s19+$0x0], $0xffff  }
0x236: {  	v49 =	vand.u32 $0xFFFF, v13;
	v44 =	vld.idx.msk [tilespmem:v44+s19+$0x0], $0xffff  }
0x237: {  	v51 =	vshrl.u32 v13, $0x10;
	v10 =	vsub.bf16 v20, v45;
	v50 =	vld.idx.msk [tilespmem:v47+s18+$0x0], $0xffff  }
0x238: {  	v13 =	vsub.bf16 v32, v46;
	v20 =	vld.idx.msk [tilespmem:v14+s18+$0x0], $0xffff  }
0x239: {  	v32 =	vld.idx.msk [tilespmem:v47+s19+$0x0], $0xffff  }
0x23a: {  	v46 =	vshrl.u32 v31, $0x10;
	v45 =	vsub.bf16 v48, v21;
	v21 =	vld.idx.msk [tilespmem:v14+s19+$0x0], $0xffff  }
0x23b: {  	v48 =	vand.u32 $0xFFFF, v31;
	v47 =	vld.idx.msk [tilespmem:v49+s18+$0x0], $0xffff  }
0x23c: {  	v14 =	vsub.bf16 v38, v44;
	v38 =	vand.u32 $0xFFFF, v29;
	v31 =	vld.idx.msk [tilespmem:v51+s18+$0x0], $0xffff  }
0x23d: {  	v44 =	vld.idx.msk [tilespmem:v49+s19+$0x0], $0xffff;
	v49 =	vand.u32 $0xFFFF, v22  }
0x23e: {  	v29 =	vand.u32 $0xFFFF, v17;
	v50 =	vsub.bf16 v50, v20;
	v20 =	vld.idx.msk [tilespmem:v51+s19+$0x0], $0xffff  }
0x23f: {  	v51 =	vld.idx.msk [tilespmem:v46+s19+$0x0], $0xffff  }
0x240: {  	v17 =	vsub.bf16 v32, v21;
	v21 =	vld.idx.msk [tilespmem:v48+s19+$0x0], $0xffff  }
0x241: {  	v52 =	vld.idx.msk [tilespmem:v38+s19+$0x0], $0xffff  }
0x242: {  	v47 =	vsub.bf16 v47, v31;
	v53 =	vld.idx.msk [tilespmem:v49+s19+$0x0], $0xffff  }
0x243: {  	v54 =	vld.idx.msk [tilespmem:v29+s18+$0x0], $0xffff  }
0x244: {  	v31 =	vshrl.u32 v16, $0x10;
	v22 =	vsub.bf16 v44, v20;
	v36 =	vld.idx.msk [tilespmem:v36+s18+$0x0], $0xffff  }
0x245: {  	v32 =	vand.u32 $0xFFFF, v16;
	v44 =	vld [tilespmem:s30+$0x10E00]  }
0x246: {  	v16 =	vsub.bf16 v21, v51;
	v51 =	vld [tilespmem:s30+$0x10C00]  }
0x247: {  	v20 =	vsub.bf16 v52, v43;
	v43 =	vld [tilespmem:s30+$0x10A00]  }
0x248: {  	v21 =	vsub.bf16 v53, v42;
	v42 =	vld [tilespmem:s30+$0x10800]  }
0x249: {  	v19 =	vsub.bf16 v54, v19;
	v52 =	vld.idx.msk [tilespmem:v31+s18+$0x0], $0xffff  }
0x24a: {  	v53 =	vld.idx.msk [tilespmem:v32+s18+$0x0], $0xffff;
	v54 =	vshrl.u32 v44, $0x10  }
0x24b: {  	v55 =	vld [tilespmem:s30+$0x10600]  }
0x24c: {  	v35 =	vld.idx.msk [tilespmem:v35+s18+$0x0], $0xffff  }
0x24d: {  	v49 =	vld.idx.msk [tilespmem:v49+s18+$0x0], $0xffff  }
0x24e: {  	v33 =	vld.idx.msk [tilespmem:v33+s18+$0x0], $0xffff  }
0x24f: {  	v56 =	vld.idx.msk [tilespmem:v54+s18+$0x0], $0xffff  }
0x250: {  	v52 =	vsub.bf16 v53, v52;
	v38 =	vld.idx.msk [tilespmem:v38+s18+$0x0], $0xffff  }
0x251: {  	v34 =	vld.idx.msk [tilespmem:v34+s18+$0x0], $0xffff  }
0x252: {  	v19 =	vmax.bf16 v52, v19;
	v37 =	vld.idx.msk [tilespmem:v37+s18+$0x0], $0xffff  }
0x253: {  	v15 =	vmax.bf16 v19, v15;
	v35 =	vsub.bf16 v49, v35;
	v19 =	vld.idx.msk [tilespmem:v40+s18+$0x0], $0xffff  }
0x254: {  	v18 =	vmax.bf16 v15, v18;
	v15 =	vshrl.u32 v51, $0x10;
	v40 =	vld.idx.msk [tilespmem:v41+s18+$0x0], $0xffff  }
0x255: {  	v23 =	vmax.bf16 v18, v23;
	v18 =	vshrl.u32 v43, $0x10;
	v39 =	vld.idx.msk [tilespmem:v39+s18+$0x0], $0xffff  }
0x256: {  	v23 =	vmax.bf16 v23, v24;
	v36 =	vsub.bf16 v38, v36;
	v38 =	vshrl.u32 v55, $0x10;
	v24 =	vld.idx.msk [tilespmem:v46+s18+$0x0], $0xffff  }
0x257: {  	v23 =	vmax.bf16 v23, v25;
	v25 =	vsub.bf16 v33, v34;
	v34 =	vand.u32 $0xFFFF, v55;
	v33 =	vld.idx.msk [tilespmem:v48+s18+$0x0], $0xffff  }
0x258: {  	v23 =	vmax.bf16 v23, v26;
	v26 =	vshrl.u32 v42, $0x10;
	v41 =	vld [tilespmem:s30+$0x11000]  }
0x259: {  	v27 =	vmax.bf16 v23, v27;
	v23 =	vand.u32 $0xFFFF, v42;
	v42 =	vld.idx.msk [tilespmem:v15+s18+$0x0], $0xffff  }
0x25a: {  	v27 =	vmax.bf16 v27, v28;
	v19 =	vsub.bf16 v40, v19;
	v28 =	vand.u32 $0xFFFF, v43;
	v40 =	vld.idx.msk [tilespmem:v18+s18+$0x0], $0xffff  }
0x25b: {  	v27 =	vmax.bf16 v27, v30;
	v30 =	vsub.bf16 v37, v39;
	v39 =	vand.u32 $0xFFFF, v51;
	v37 =	vld.idx.msk [tilespmem:v38+s18+$0x0], $0xffff  }
0x25c: {  	v43 =	vand.u32 $0xFFFF, v44;
	v25 =	vmax.bf16 v27, v25;
	v27 =	vld.idx.msk [tilespmem:v34+s18+$0x0], $0xffff  }
0x25d: {  	v25 =	vmax.bf16 v25, v30;
	v24 =	vsub.bf16 v33, v24;
	v30 =	vld.idx.msk [tilespmem:v26+s18+$0x0], $0xffff;
	v33 =	vshrl.u32 v41, $0x10  }
0x25e: {  	v25 =	vmax.bf16 v25, v45;
	v41 =	vand.u32 $0xFFFF, v41;
	v44 =	vld.idx.msk [tilespmem:v23+s18+$0x0], $0xffff  }
0x25f: {  	v25 =	vmax.bf16 v25, v50;
	v45 =	vld.idx.msk [tilespmem:v28+s18+$0x0], $0xffff  }
0x260: {  	v25 =	vmax.bf16 v25, v47;
	v46 =	vld.idx.msk [tilespmem:v39+s18+$0x0], $0xffff  }
0x261: {  	v19 =	vmax.bf16 v25, v19;
	v25 =	vld.idx.msk [tilespmem:v43+s18+$0x0], $0xffff  }
0x262: {  	v24 =	vmax.bf16 v19, v24;
	v19 =	vld.idx.msk [tilespmem:v33+s18+$0x0], $0xffff  }
0x263: {  	v27 =	vsub.bf16 v27, v37;
	v24 =	vmax.bf16 v24, v36  }
0x264: {  	v24 =	vmax.bf16 v24, v35;
	v30 =	vsub.bf16 v44, v30;
	v35 =	vld [tilespmem:s30+$0x11A00]  }
0x265: {  	v24 =	vmax.bf16 v24, v27;
	v27 =	vsub.bf16 v45, v40;
	v36 =	vld.idx.msk [tilespmem:v39+s19+$0x0], $0xffff  }
0x266: {  	v24 =	vmax.bf16 v24, v30;
	v30 =	vsub.bf16 v46, v42;
	v34 =	vld.idx.msk [tilespmem:v34+s19+$0x0], $0xffff  }
0x267: {  	v24 =	vmax.bf16 v24, v27;
	v25 =	vsub.bf16 v25, v56;
	v27 =	vld [tilespmem:s30+$0x11C00]  }
0x268: {  	v24 =	vmax.bf16 v24, v30;
	v30 =	vld [tilespmem:s30+$0x11200]  }
0x269: {  	v24 =	vmax.bf16 v24, v25;
	v37 =	vld.idx.msk [tilespmem:v54+s19+$0x0], $0xffff  }
0x26a: {  	v39 =	vld.idx.msk [tilespmem:v43+s19+$0x0], $0xffff  }
0x26b: {  	v2 =	vld.idx.msk [tilespmem:v2+s19+$0x0], $0xffff  }
0x26c: {  	v29 =	vld.idx.msk [tilespmem:v29+s19+$0x0], $0xffff;
	v40 =	vshrl.u32 v27, $0x10;
	v25 =	vand.u32 $0xFFFF, v27  }
0x26d: {  	v27 =	vld.idx.msk [tilespmem:v31+s19+$0x0], $0xffff  }
0x26e: {  	v31 =	vld.idx.msk [tilespmem:v32+s19+$0x0], $0xffff  }
0x26f: {  	v32 =	vld.idx.msk [tilespmem:v0+s19+$0x0], $0xffff  }
0x270: {  	v38 =	vld.idx.msk [tilespmem:v38+s19+$0x0], $0xffff  }
0x271: {  	v0 =	vld.idx.msk [tilespmem:v40+s19+$0x0], $0xffff  }
0x272: {  	v2 =	vsub.bf16 v29, v2;
	v29 =	vld.idx.msk [tilespmem:v40+s18+$0x0], $0xffff  }
0x273: {  	v40 =	vld.idx.msk [tilespmem:v25+s18+$0x0], $0xffff  }
0x274: {  	v27 =	vsub.bf16 v31, v27;
	v28 =	vld.idx.msk [tilespmem:v28+s19+$0x0], $0xffff  }
0x275: {  	v1 =	vsub.bf16 v32, v1;
	v31 =	vld [tilespmem:s30+$0x11800]  }
0x276: {  	v2 =	vmax.bf16 v27, v2;
	v26 =	vld.idx.msk [tilespmem:v26+s19+$0x0], $0xffff  }
0x277: {  	v27 =	vsub.bf16 v34, v38;
	v34 =	vshrl.u32 v35, $0x10;
	v1 =	vmax.bf16 v2, v1;
	v32 =	vld [tilespmem:s30+$0x11600]  }
0x278: {  	v35 =	vand.u32 $0xFFFF, v35;
	v1 =	vmax.bf16 v1, v3;
	v38 =	vld.idx.msk [tilespmem:v41+s18+$0x0], $0xffff  }
0x279: {  	v1 =	vmax.bf16 v1, v4;
	v2 =	vsub.bf16 v40, v29;
	v33 =	vld.idx.msk [tilespmem:v33+s19+$0x0], $0xffff  }
0x27a: {  	v1 =	vmax.bf16 v1, v5;
	v5 =	vld.idx.msk [tilespmem:v41+s19+$0x0], $0xffff;
	v4 =	vshrl.u32 v31, $0x10  }
0x27b: {  	v1 =	vmax.bf16 v1, v6;
	v6 =	vld [tilespmem:s30+$0x11400]  }
0x27c: {  	v3 =	vmax.bf16 v1, v7;
	v7 =	vshrl.u32 v32, $0x10;
	v1 =	vld.idx.msk [tilespmem:v34+s19+$0x0], $0xffff  }
0x27d: {  	v3 =	vmax.bf16 v3, v8;
	v8 =	vld.idx.msk [tilespmem:v34+s18+$0x0], $0xffff  }
0x27e: {  	v3 =	vmax.bf16 v3, v9;
	v9 =	vld.idx.msk [tilespmem:v35+s18+$0x0], $0xffff  }
0x27f: {  	v11 =	vmax.bf16 v3, v11;
	v3 =	vld.idx.msk [tilespmem:v4+s19+$0x0], $0xffff  }
0x280: {  	v11 =	vmax.bf16 v11, v12;
	v12 =	vshrl.u32 v6, $0x10;
	v6 =	vand.u32 $0xFFFF, v6;
	v29 =	vld.idx.msk [tilespmem:v4+s18+$0x0], $0xffff  }
0x281: {  	v4 =	vmax.bf16 v11, v13;
	v11 =	vshrl.u32 v30, $0x10;
	v13 =	vand.u32 $0xFFFF, v30;
	v30 =	vld.idx.msk [tilespmem:v7+s18+$0x0], $0xffff  }
0x282: {  	v4 =	vmax.bf16 v4, v14;
	v14 =	vld.idx.msk [tilespmem:v23+s19+$0x0], $0xffff  }
0x283: {  	v4 =	vmax.bf16 v4, v17;
	v17 =	vld.idx.msk [tilespmem:v18+s19+$0x0], $0xffff  }
0x284: {  	v18 =	vmax.bf16 v4, v22;
	v22 =	vsub.bf16 v39, v37;
	v4 =	vsub.bf16 v9, v8;
	v15 =	vld.idx.msk [tilespmem:v15+s19+$0x0], $0xffff  }
0x285: {  	v8 =	vmax.bf16 v18, v10;
	v9 =	vld.idx.msk [tilespmem:v6+s19+$0x0], $0xffff  }
0x286: {  	v8 =	vmax.bf16 v8, v16;
	v6 =	vld.idx.msk [tilespmem:v6+s18+$0x0], $0xffff  }
0x287: {  	v8 =	vmax.bf16 v8, v20;
	v10 =	vld.idx.msk [tilespmem:v12+s19+$0x0], $0xffff  }
0x288: {  	v16 =	vand.u32 $0xFFFF, v32;
	v8 =	vmax.bf16 v8, v21;
	v14 =	vsub.bf16 v14, v26;
	v12 =	vld.idx.msk [tilespmem:v12+s18+$0x0], $0xffff  }
0x289: {  	v20 =	vand.u32 $0xFFFF, v31;
	v8 =	vmax.bf16 v8, v27;
	v17 =	vsub.bf16 v28, v17;
	v18 =	vld.idx.msk [tilespmem:v11+s19+$0x0], $0xffff  }
0x28a: {  	v8 =	vmax.bf16 v8, v14;
	v14 =	vsub.bf16 v36, v15;
	v15 =	vld.idx.msk [tilespmem:v13+s18+$0x0], $0xffff  }
0x28b: {  	v8 =	vmax.bf16 v8, v17;
	v11 =	vld.idx.msk [tilespmem:v11+s18+$0x0], $0xffff  }
0x28c: {  	v5 =	vsub.bf16 v5, v33;
	v8 =	vmax.bf16 v8, v14;
	v13 =	vld.idx.msk [tilespmem:v13+s19+$0x0], $0xffff  }
0x28d: {  	v14 =	vsub.bf16 v38, v19;
	v8 =	vmax.bf16 v8, v22;
	v17 =	vld.idx.msk [tilespmem:v16+s18+$0x0], $0xffff  }
0x28e: {  	v19 =	vmax.bf16 v8, v5;
	v21 =	vld.idx.msk [tilespmem:v20+s18+$0x0], $0xffff  }
0x28f: {  	v12 =	vsub.bf16 v6, v12;
	v5 =	vld.idx.msk [tilespmem:v7+s19+$0x0], $0xffff  }
0x290: {  	v6 =	vld.idx.msk [tilespmem:v16+s19+$0x0], $0xffff  }
.Ltmp3:
0x291: {  	v11 =	vsub.bf16 v15, v11;
	v15 =	vsub.bf16 v9, v10;
	v7 =	vld.idx.msk [tilespmem:v20+s19+$0x0], $0xffff;
	(pc) =	sbr.rel @p0 .LBB2_9-.Ltmp3, $4  }
0x292: {  	v9 =	vmax.bf16 v24, v14;
	v10 =	vsub.bf16 v13, v18;
	v8 =	vld.idx.msk [tilespmem:v35+s19+$0x0], $0xffff  }
0x293: {  	v11 =	vmax.bf16 v9, v11;
	v13 =	vsub.bf16 v17, v30;
	v9 =	vld.idx.msk [tilespmem:v25+s19+$0x0], $0xffff  }
0x294: {  	v14 =	vmax.bf16 v19, v10;
	v12 =	vmax.bf16 v11, v12;
	v10 =	vsub.bf16 v21, v29  }
0x295: {  	s31 =	smov.u32 s29;
	v11 =	vmax.bf16 v14, v15;
	v12 =	vmax.bf16 v12, v13  }
0x296: {  	v5 =	vsub.bf16 v6, v5  }
0x297: {  	v3 =	vsub.bf16 v7, v3;
	v60 =	vmax.bf16 v12, v10  }
0x298: {  	v1 =	vsub.bf16 v8, v1;
	v4 =	vmax.bf16 v60, v4;
	v5 =	vmax.bf16 v11, v5  }
0x299: {  	s23 =	sadd.s32 $0x1, s23;
	v0 =	vsub.bf16 v9, v0;
	v2 =	vmax.bf16 v4, v2;
	v3 =	vmax.bf16 v5, v3  }
0x29a: {  	s0 =	sadd.s32 s26, s28;
	s1 =	sadd.s32 $0x3, s25;
	p0 =	sne.s32 s23, $0xA;
	v61 =	vunpack.i.u.bf16.f32 v2;
	v1 =	vmax.bf16 v3, v1  }
.Ltmp4:
0x29b: {  	s24 =	sshll.u32 s1, $0x4;
	v63 =	vunpack.i.l.bf16.f32 v2;
	[tilespmem:s0+$0x2A00] =	vst v61;
	v0 =	vmax.bf16 v1, v0;
	(pc) =	sbr.rel @p0 .LBB2_6-.Ltmp4, $4  }
0x29c: {  	s1 =	sshll.u32 s1, $0xB;
	s24 =	sand.u32 $0x70, s24;
	[tilespmem:s0+$0x200] =	vst v63;
	v62 =	vunpack.i.l.bf16.f32 v0  }
0x29d: {  	s1 =	sand.u32 $0x1C000, s1;
	s24 =	sadd.s32 s2, s24;
	v0 =	vunpack.i.u.bf16.f32 v0;
	[tilespmem:s0+$0x5200] =	vst v62  }
0x29e: {  	s31 =	sadd.s32 s1, s24;
	[tilespmem:s0+$0x7A00] =	vst v0  }
0x29f: {  	[tilespmem:s14], [sflag:$0x2] =	stream.strided.gather [hbm4b:s31+s11], $0x4000, s12, s11, $0x38;
	[tilespmem:$0x1BE00] =	vst v63  }
0x2a0: {  	_ =	swait.ge [sflag:s17], $0x4000  }
0x2a1: {  	[sflag:s17] =	ssyncset.done $0x0  }
0x2a2: {  	[sflag:s17] =	ssyncadd.s32 $0xFFFFC000  }
0x2a3: {  	s22 =	sadd.s32 $0x1, s22;
	_ =	swait.ge [sflag:s20], $0x4000  }
0x2a4: {  	p0 =	sne.s32 s22, s10;
	[sflag:s20] =	ssyncset.done $0x0  }
.Ltmp5:
0x2a5: {  	[sflag:s20] =	ssyncadd.s32 $0xFFFFC000;
	(pc) =	sbr.rel @p0 .LBB2_1-.Ltmp5, $4  }
0x2a6: {  	[hbm4b:s9+s11] =	stream.strided.scatter [tilespmem:s21], [sflag:$0x3], $0xA000, s12, s11, $0x38;
	[tilespmem:$0x1BE00] =	vst v63  }
0x2a7: {  	_ =	swait.ge [sflag:s15], $0xA000  }
0x2a8: {  	[sflag:s15] =	ssyncset.done $0x0  }
0x2a9: {  	[sflag:s15] =	ssyncadd.s32 $0xFFFF6000  }
0x2aa: {  	_ =	sfence.sel $0x180000  }
0x2ab: {  	[bflag:$0x0] =	sbarrier.arrive $0xFFFF  }
0x2ac: {  	_ =	strace $0x90000047  }
0x2ad: {  	s0 =	stileid.u32;
	[bflag:$0x2] =	sbarrier.arrive $0xFFFF  }
0x2ae: {  	p0 =	sne.s32 s0, $0x0;
	s0 =	rddreg [dreg:$0x2]  }
0x2af: {  	s0 =	sadd.s32 @!p0 $0x100000, s0  }
0x2b0: {  	[sflag:s0] =	ssyncadd.tile.s32 @!p0 $0x1;
	_ =	shalt  }
.Lfunc_end2:
_tile_overlayer_lowered:
.L_overlay_start_2:
0x2b1: {  	(tag) =	ssettag $0x2  }
0x2b2: {  	s0 =	rddreg [dreg:$0x0];
	s2 =	stileid.u32  }
0x2b3: {  	s1 =	rddreg [dreg:$0x1];
	p0 =	sne.s32 s2, $0x0  }
0x2b4: {  	s3 =	rddreg [dreg:$0x2];
	[bflag:$0x3] =	sbarrier.arrive $0xFFFF;
	s2 =	simm.s32 @!p0 $0x1C03  }
0x2b5: {  	[timem:s3], [sflag:s2] =	dma.local @!p0 [hbm:s0], s1  }
0x2b6: {  	s0 =	simm.s32 @!p0 $0x3  }
0x2b7: {  	_ =	swait.ge @!p0 [sflag:s0], s1  }
0x2b8: {  	s1 =	ssub.s32 @!p0 $0x0, s1;
	[sflag:s0] =	ssyncset.done @!p0 $0x0  }
0x2b9: {  	[sflag:s0] =	ssyncadd.s32 @!p0 s1  }
0x2ba: {  	[bflag:$0x3] =	sbarrier.arrive $0xFFFF  }
0x2bb: {  	_ =	shalt  }

</sc_bundles>
